<compile_context>
chip_gen: v7x
topology: tpu7x:2x2x1
jax: 0.10.2.dev20260603
libtpu: 0.0.44.dev20260713+nightly
codegen_flags: <defaults>
</compile_context>

<pallas_src>
import jax
import jax.numpy as jnp
from jax import lax
from jax.experimental import pallas as pl
from jax.experimental.pallas import tpu as pltpu
from jax.experimental.pallas import tpu_sc as plsc

N_NODES = 100000
D = 128
NSEG = 256
NW = 32
CHUNK = 3136
BR = 224
NBLK = CHUNK // BR
NRING = 2
NEG = -3.0e38


def _sc_body(x_hbm, ids_hbm, sums_hbm, maxs_hbm, cnts_hbm,
             ids_v, buf_v, sacc_v, macc_v, cacc_v, reg_v, st_s, sem, isem):
    wid = lax.axis_index("s") * 2 + lax.axis_index("c")
    row_lo = wid * CHUNK
    base = jnp.minimum(row_lo, N_NODES - CHUNK)

    zeros = jnp.zeros((16,), jnp.float32)
    negs = jnp.full((16,), NEG, jnp.float32)
    lanes = jnp.arange(16, dtype=jnp.int32)

    for i in range(16):
        cacc_v[i, :] = zeros

    st_s[0] = jnp.int32(-1)
    st_s[1] = jnp.int32(0)

    def flush():
        cur = st_s[0]
        cnt_run = st_s[1]

        @pl.when(cnt_run > 0)
        def _():
            for j in range(8):
                sl = pl.ds(j * 16, 16)
                sacc_v[cur, sl] = reg_v[0, sl] + zeros
                macc_v[cur, sl] = jnp.maximum(reg_v[1, sl], negs)
            hi = cur // 16
            cf = zeros + cnt_run.astype(jnp.float32)
            cacc_v[hi, :] = jnp.where(lanes == (cur % 16), cf, cacc_v[hi, :])

    def start(bi, b):
        pltpu.async_copy(x_hbm.at[pl.ds(base + bi * BR, BR), :],
                         buf_v.at[b], sem.at[b])
        pltpu.async_copy(ids_hbm.at[pl.ds(base + bi * BR, BR)],
                         ids_v.at[pl.ds(b * 256, BR)], isem.at[b])

    for p in range(NRING - 1):
        start(p, p)

    def _process_block(bi, b4):
        def g_fn(gj, _):
            off = bi * BR + gj * 16
            r0 = gj * 16
            idvec = ids_v[pl.ds(b4 * 256 + r0, 16)]
            sid0 = idvec[0]
            sidF = idvec[15]
            valid = (base + off) >= row_lo
            uniform = sid0 == sidF

            @pl.when(valid & uniform)
            def fast():
                cur = st_s[0]
                cnt_run = st_s[1]
                new = sid0 != cur

                @pl.when(new)
                def _():
                    flush()

                for j in range(8):
                    sl = pl.ds(j * 16, 16)
                    vs = [buf_v[b4, r0 + k, sl] for k in range(16)]
                    s = vs
                    while len(s) > 1:
                        s = [s[i] + s[i + 1] for i in range(0, len(s), 2)]
                    m = vs
                    while len(m) > 1:
                        m = [jnp.maximum(m[i], m[i + 1])
                             for i in range(0, len(m), 2)]
                    reg_v[0, sl] = jnp.where(new, s[0], reg_v[0, sl] + s[0])
                    reg_v[1, sl] = jnp.where(
                        new, m[0], jnp.maximum(reg_v[1, sl], m[0]))
                st_s[0] = sid0
                st_s[1] = jnp.where(new, jnp.int32(16), cnt_run + 16)

            @pl.when(valid & jnp.logical_not(uniform))
            def slow():
                def row_fn(k, _):
                    sid = ids_v[pl.ds(b4 * 256 + r0 + k, 16)][0]
                    new = sid != st_s[0]

                    @pl.when(new)
                    def _():
                        flush()

                    for j in range(8):
                        sl = pl.ds(j * 16, 16)
                        v = buf_v[b4, r0 + k, sl]
                        reg_v[0, sl] = jnp.where(new, v, reg_v[0, sl] + v)
                        reg_v[1, sl] = jnp.where(
                            new, v, jnp.maximum(reg_v[1, sl], v))
                    cnt_run = st_s[1]
                    st_s[0] = sid
                    st_s[1] = jnp.where(new, jnp.int32(1), cnt_run + 1)
                    return 0

                lax.fori_loop(0, 16, row_fn, 0)

            return 0

        lax.fori_loop(0, BR // 16, g_fn, 0)

    def ring_fn(bi, _):
        b4 = bi & (NRING - 1)
        pltpu.make_async_copy(x_hbm.at[pl.ds(base + bi * BR, BR), :],
                              buf_v.at[b4], sem.at[b4]).wait()
        pltpu.make_async_copy(ids_hbm.at[pl.ds(base + bi * BR, BR)],
                              ids_v.at[pl.ds(b4 * 256, BR)], isem.at[b4]).wait()

        @pl.when(bi + NRING - 1 < NBLK)
        def _():
            start(bi + NRING - 1, (bi + NRING - 1) & (NRING - 1))

        _process_block(bi, b4)
        return 0

    lax.fori_loop(0, NBLK, ring_fn, 0)
    flush()

    pltpu.sync_copy(sacc_v, sums_hbm.at[wid])
    pltpu.sync_copy(macc_v, maxs_hbm.at[wid])
    pltpu.sync_copy(cacc_v, cnts_hbm.at[wid])


def _sc_partials(x, ids):
    mesh = plsc.VectorSubcoreMesh(core_axis_name="c", subcore_axis_name="s")
    return pl.kernel(
        _sc_body,
        mesh=mesh,
        out_type=(
            jax.ShapeDtypeStruct((NW, NSEG, D), jnp.float32),
            jax.ShapeDtypeStruct((NW, NSEG, D), jnp.float32),
            jax.ShapeDtypeStruct((NW, 16, 16), jnp.float32),
        ),
        scratch_types=[
            pltpu.VMEM((NRING * 256,), jnp.int32),
            pltpu.VMEM((NRING, BR, D), jnp.float32),
            pltpu.VMEM((NSEG, D), jnp.float32),
            pltpu.VMEM((NSEG, D), jnp.float32),
            pltpu.VMEM((16, 16), jnp.float32),
            pltpu.VMEM((2, D), jnp.float32),
            pltpu.SMEM((2,), jnp.int32),
            pltpu.SemaphoreType.DMA((NRING,)),
            pltpu.SemaphoreType.DMA((NRING,)),
        ],
    )(x, ids)


def _tc_body(u_ref, sums_ref, maxs_ref, cnts_ref, w1_ref, b1_ref,
             w2_ref, b2_ref, y_ref):
    cw = cnts_ref[...][:, :, None]
    valid = cw > 0.0
    s = jnp.sum(jnp.where(valid, sums_ref[...], 0.0), axis=0)
    m = jnp.max(jnp.where(valid, maxs_ref[...], NEG), axis=0)
    c = jnp.sum(cw, axis=0)
    mean = s / jnp.maximum(c, 1.0)
    m = jnp.where(c > 0.0, m, 0.0)
    u = u_ref[...]
    h = (jnp.dot(u, w1_ref[0:D, :], preferred_element_type=jnp.float32)
         + jnp.dot(mean, w1_ref[D:2 * D, :], preferred_element_type=jnp.float32)
         + jnp.dot(m, w1_ref[2 * D:3 * D, :], preferred_element_type=jnp.float32)
         + b1_ref[...][None, :])
    h = jnp.maximum(h, 0.0)
    y = jnp.dot(h, w2_ref[...], preferred_element_type=jnp.float32) + b2_ref[...][None, :]
    y_ref[...] = jnp.maximum(y, 0.0)


def _tc_combine(u, sums, maxs, cnts, W1, b1, W2, b2):
    return pl.pallas_call(
        _tc_body,
        out_shape=jax.ShapeDtypeStruct((NSEG, D), jnp.float32),
    )(u, sums, maxs, cnts, W1, b1, W2, b2)


@jax.jit
def kernel(x, edge_index, edge_attr, u, batch, W1, b1, W2, b2):
    ids = batch.astype(jnp.int32)
    sums, maxs, cnts = _sc_partials(x, ids)
    cnts = cnts.reshape(NW, NSEG)
    return _tc_combine(u, sums, maxs, cnts, W1, b1, W2, b2)

# --- scband reference (transcript-rebuilt; emitter-appended) ---
"""Pipeline reference for scband-global-model-18837726561016 (READ-ONLY COPY).

The authoritative reference and input builder live on the scoring server;
editing this copy changes nothing except your own understanding.
"""

import jax, jax.numpy as jnp
import numpy as np

N_NODES = 100000
N_EDGES = 1600000
D_FEAT = 128
D_EDGE = 4
N_GRAPHS = 256
D_GLOBAL = 128
D_HID = 32
D_OUT = 128


def setup_inputs(seed: int = 0) -> dict:
    key = jax.random.key(seed)
    ks = jax.random.split(key, 10)
    x = jax.random.normal(ks[0], (N_NODES, D_FEAT), dtype=jnp.float32)
    edge_index = jax.random.randint(ks[1], (2, N_EDGES), 0, N_NODES, dtype=jnp.int64)
    edge_attr = jax.random.normal(ks[2], (N_EDGES, D_EDGE), dtype=jnp.float32)
    u = jax.random.normal(ks[3], (N_GRAPHS, D_GLOBAL), dtype=jnp.float32)
    batch = jnp.sort(jax.random.randint(ks[4], (N_NODES,), 0, N_GRAPHS, dtype=jnp.int64))
    d_in = D_GLOBAL + 2 * D_FEAT
    W1 = jax.random.normal(ks[5], (d_in, D_HID), dtype=jnp.float32) / np.sqrt(d_in)
    b1 = jnp.zeros((D_HID,), dtype=jnp.float32)
    W2 = jax.random.normal(ks[6], (D_HID, D_OUT), dtype=jnp.float32) / np.sqrt(D_HID)
    b2 = jnp.zeros((D_OUT,), dtype=jnp.float32)
    return {"x": x, "edge_index": edge_index, "edge_attr": edge_attr, "u": u, "batch": batch, "W1": W1, "b1": b1, "W2": W2, "b2": b2}


def reference(x, edge_index, edge_attr, u, batch, W1, b1, W2, b2):
    num_segments = u.shape[0]
    seg_sum = jax.ops.segment_sum(x, batch, num_segments=num_segments, indices_are_sorted=True)
    counts = jax.ops.segment_sum(jnp.ones((x.shape[0],), dtype=x.dtype), batch, num_segments=num_segments, indices_are_sorted=True)
    seg_mean = seg_sum / jnp.maximum(counts, 1.0)[:, None]
    seg_max = jax.ops.segment_max(x, batch, num_segments=num_segments, indices_are_sorted=True)
    seg_max = jnp.where(jnp.isneginf(seg_max), 0.0, seg_max)
    out = jnp.concatenate([u, seg_mean, seg_max], axis=1).astype(jnp.float32)
    h = jnp.maximum(out @ W1 + b1, 0.0)
    # Dropout(p=0.1) is identity in eval mode
    y = jnp.maximum(h @ W2 + b2, 0.0)
    return y

if __name__ == "__main__":
    import jax
    _d = setup_inputs()
    print(jax.jit(kernel)(*tuple(_d.values())))

</pallas_src>

<mosaic_0001>
#map = affine_map<(d0, d1) -> (0, 0)>
#map1 = affine_map<(d0, d1) -> (0)>
#map2 = affine_map<(d0, d1) -> (0, 0, 0)>
module attributes {stable_mosaic.version = 14 : i64} {
  func.func @_sc_body(%arg0: i32, %arg1: i32, %arg2: memref<100000x128xf32, #tpu.memory_space<hbm>>, %arg3: memref<100000xi32, #tpu.memory_space<hbm>>, %arg4: memref<32x256x128xf32, #tpu.memory_space<hbm>>, %arg5: memref<32x256x128xf32, #tpu.memory_space<hbm>>, %arg6: memref<32x16x16xf32, #tpu.memory_space<hbm>>, %arg7: memref<512xi32, #tpu.memory_space<vmem>>, %arg8: memref<2x224x128xf32, #tpu.memory_space<vmem>>, %arg9: memref<256x128xf32, #tpu.memory_space<vmem>>, %arg10: memref<256x128xf32, #tpu.memory_space<vmem>>, %arg11: memref<16x16xf32, #tpu.memory_space<vmem>>, %arg12: memref<2x128xf32, #tpu.memory_space<vmem>>, %arg13: memref<2xi32, #tpu.memory_space<smem>>, %arg14: memref<2x!tpu.dma_semaphore, #tpu.memory_space<semaphore_mem>>, %arg15: memref<2x!tpu.dma_semaphore, #tpu.memory_space<semaphore_mem>>) attributes {dimension_semantics = [#tpu.dimension_semantics<core_parallel>, #tpu.dimension_semantics<subcore_parallel>], iteration_bounds = array<i64: 2, 16>, scalar_prefetch = 0 : i64, scratch_operands = 9 : i64, tpu.core_type = #tpu.core_type<sc_vector_subcore>, window_params = [{transform_indices = #map}, {transform_indices = #map1}, {transform_indices = #map2}, {transform_indices = #map2}, {transform_indices = #map2}]} {
    %mul3A = arith.constant 2 : i32
    %mul3A_0 = arith.muli %arg1, %mul3A : i32
    %add3A = arith.addi %mul3A_0, %arg0 : i32
    %mul3A_1 = arith.constant 3136 : i32
    %mul3A_2 = arith.muli %add3A, %mul3A_1 : i32
    %min3A = arith.constant 96864 : i32
    %min3A_3 = arith.minsi %mul3A_2, %min3A : i32
    %broadcast_in_dim3A = arith.constant 0.000000e+00 : f32
    %broadcast_in_dim3A_4 = vector.broadcast %broadcast_in_dim3A : f32 to vector<16xf32>
    %broadcast_in_dim3A_5 = arith.constant -3.000000e+38 : f32
    %broadcast_in_dim3A_6 = vector.broadcast %broadcast_in_dim3A_5 : f32 to vector<16xf32>
    %iota3A = tpu.iota {dimensions = array<i32: 0>} : vector<16xi32>
    %swap3A = arith.constant 0 : i32
    %swap3A_7 = arith.index_cast %swap3A : i32 to index
    %swap3A_8 = arith.constant 0 : index
    %swap3A_9 = tpu.vector_load %arg11[%swap3A_7, %swap3A_8] {strides = array<i32>} : memref<16x16xf32, #tpu.memory_space<vmem>>, vector<1x16xf32>,
    %swap3A_10 = vector.shape_cast %swap3A_9 : vector<1x16xf32> to vector<16xf32>
    %swap3A_11 = vector.shape_cast %broadcast_in_dim3A_4 : vector<16xf32> to vector<1x16xf32>
    tpu.vector_store %arg11[%swap3A_7, %swap3A_8], %swap3A_11 {strides = array<i32>} : memref<16x16xf32, #tpu.memory_space<vmem>>, vector<1x16xf32>,
    %swap3A_12 = arith.constant 1 : i32
    %swap3A_13 = arith.index_cast %swap3A_12 : i32 to index
    %swap3A_14 = arith.constant 0 : index
    %swap3A_15 = tpu.vector_load %arg11[%swap3A_13, %swap3A_14] {strides = array<i32>} : memref<16x16xf32, #tpu.memory_space<vmem>>, vector<1x16xf32>,
    %swap3A_16 = vector.shape_cast %swap3A_15 : vector<1x16xf32> to vector<16xf32>
    %swap3A_17 = vector.shape_cast %broadcast_in_dim3A_4 : vector<16xf32> to vector<1x16xf32>
    tpu.vector_store %arg11[%swap3A_13, %swap3A_14], %swap3A_17 {strides = array<i32>} : memref<16x16xf32, #tpu.memory_space<vmem>>, vector<1x16xf32>,
    %swap3A_18 = arith.constant 2 : i32
    %swap3A_19 = arith.index_cast %swap3A_18 : i32 to index
    %swap3A_20 = arith.constant 0 : index
    %swap3A_21 = tpu.vector_load %arg11[%swap3A_19, %swap3A_20] {strides = array<i32>} : memref<16x16xf32, #tpu.memory_space<vmem>>, vector<1x16xf32>,
    %swap3A_22 = vector.shape_cast %swap3A_21 : vector<1x16xf32> to vector<16xf32>
    %swap3A_23 = vector.shape_cast %broadcast_in_dim3A_4 : vector<16xf32> to vector<1x16xf32>
    tpu.vector_store %arg11[%swap3A_19, %swap3A_20], %swap3A_23 {strides = array<i32>} : memref<16x16xf32, #tpu.memory_space<vmem>>, vector<1x16xf32>,
    %swap3A_24 = arith.constant 3 : i32
    %swap3A_25 = arith.index_cast %swap3A_24 : i32 to index
    %swap3A_26 = arith.constant 0 : index
    %swap3A_27 = tpu.vector_load %arg11[%swap3A_25, %swap3A_26] {strides = array<i32>} : memref<16x16xf32, #tpu.memory_space<vmem>>, vector<1x16xf32>,
    %swap3A_28 = vector.shape_cast %swap3A_27 : vector<1x16xf32> to vector<16xf32>
    %swap3A_29 = vector.shape_cast %broadcast_in_dim3A_4 : vector<16xf32> to vector<1x16xf32>
    tpu.vector_store %arg11[%swap3A_25, %swap3A_26], %swap3A_29 {strides = array<i32>} : memref<16x16xf32, #tpu.memory_space<vmem>>, vector<1x16xf32>,
    %swap3A_30 = arith.constant 4 : i32
    %swap3A_31 = arith.index_cast %swap3A_30 : i32 to index
    %swap3A_32 = arith.constant 0 : index
    %swap3A_33 = tpu.vector_load %arg11[%swap3A_31, %swap3A_32] {strides = array<i32>} : memref<16x16xf32, #tpu.memory_space<vmem>>, vector<1x16xf32>,
    %swap3A_34 = vector.shape_cast %swap3A_33 : vector<1x16xf32> to vector<16xf32>
    %swap3A_35 = vector.shape_cast %broadcast_in_dim3A_4 : vector<16xf32> to vector<1x16xf32>
    tpu.vector_store %arg11[%swap3A_31, %swap3A_32], %swap3A_35 {strides = array<i32>} : memref<16x16xf32, #tpu.memory_space<vmem>>, vector<1x16xf32>,
    %swap3A_36 = arith.constant 5 : i32
    %swap3A_37 = arith.index_cast %swap3A_36 : i32 to index
    %swap3A_38 = arith.constant 0 : index
    %swap3A_39 = tpu.vector_load %arg11[%swap3A_37, %swap3A_38] {strides = array<i32>} : memref<16x16xf32, #tpu.memory_space<vmem>>, vector<1x16xf32>,
    %swap3A_40 = vector.shape_cast %swap3A_39 : vector<1x16xf32> to vector<16xf32>
    %swap3A_41 = vector.shape_cast %broadcast_in_dim3A_4 : vector<16xf32> to vector<1x16xf32>
    tpu.vector_store %arg11[%swap3A_37, %swap3A_38], %swap3A_41 {strides = array<i32>} : memref<16x16xf32, #tpu.memory_space<vmem>>, vector<1x16xf32>,
    %swap3A_42 = arith.constant 6 : i32
    %swap3A_43 = arith.index_cast %swap3A_42 : i32 to index
    %swap3A_44 = arith.constant 0 : index
    %swap3A_45 = tpu.vector_load %arg11[%swap3A_43, %swap3A_44] {strides = array<i32>} : memref<16x16xf32, #tpu.memory_space<vmem>>, vector<1x16xf32>,
    %swap3A_46 = vector.shape_cast %swap3A_45 : vector<1x16xf32> to vector<16xf32>
    %swap3A_47 = vector.shape_cast %broadcast_in_dim3A_4 : vector<16xf32> to vector<1x16xf32>
    tpu.vector_store %arg11[%swap3A_43, %swap3A_44], %swap3A_47 {strides = array<i32>} : memref<16x16xf32, #tpu.memory_space<vmem>>, vector<1x16xf32>,
    %swap3A_48 = arith.constant 7 : i32
    %swap3A_49 = arith.index_cast %swap3A_48 : i32 to index
    %swap3A_50 = arith.constant 0 : index
    %swap3A_51 = tpu.vector_load %arg11[%swap3A_49, %swap3A_50] {strides = array<i32>} : memref<16x16xf32, #tpu.memory_space<vmem>>, vector<1x16xf32>,
    %swap3A_52 = vector.shape_cast %swap3A_51 : vector<1x16xf32> to vector<16xf32>
    %swap3A_53 = vector.shape_cast %broadcast_in_dim3A_4 : vector<16xf32> to vector<1x16xf32>
    tpu.vector_store %arg11[%swap3A_49, %swap3A_50], %swap3A_53 {strides = array<i32>} : memref<16x16xf32, #tpu.memory_space<vmem>>, vector<1x16xf32>,
    %swap3A_54 = arith.constant 8 : i32
    %swap3A_55 = arith.index_cast %swap3A_54 : i32 to index
    %swap3A_56 = arith.constant 0 : index
    %swap3A_57 = tpu.vector_load %arg11[%swap3A_55, %swap3A_56] {strides = array<i32>} : memref<16x16xf32, #tpu.memory_space<vmem>>, vector<1x16xf32>,
    %swap3A_58 = vector.shape_cast %swap3A_57 : vector<1x16xf32> to vector<16xf32>
    %swap3A_59 = vector.shape_cast %broadcast_in_dim3A_4 : vector<16xf32> to vector<1x16xf32>
    tpu.vector_store %arg11[%swap3A_55, %swap3A_56], %swap3A_59 {strides = array<i32>} : memref<16x16xf32, #tpu.memory_space<vmem>>, vector<1x16xf32>,
    %swap3A_60 = arith.constant 9 : i32
    %swap3A_61 = arith.index_cast %swap3A_60 : i32 to index
    %swap3A_62 = arith.constant 0 : index
    %swap3A_63 = tpu.vector_load %arg11[%swap3A_61, %swap3A_62] {strides = array<i32>} : memref<16x16xf32, #tpu.memory_space<vmem>>, vector<1x16xf32>,
    %swap3A_64 = vector.shape_cast %swap3A_63 : vector<1x16xf32> to vector<16xf32>
    %swap3A_65 = vector.shape_cast %broadcast_in_dim3A_4 : vector<16xf32> to vector<1x16xf32>
    tpu.vector_store %arg11[%swap3A_61, %swap3A_62], %swap3A_65 {strides = array<i32>} : memref<16x16xf32, #tpu.memory_space<vmem>>, vector<1x16xf32>,
    %swap3A_66 = arith.constant 10 : i32
    %swap3A_67 = arith.index_cast %swap3A_66 : i32 to index
    %swap3A_68 = arith.constant 0 : index
    %swap3A_69 = tpu.vector_load %arg11[%swap3A_67, %swap3A_68] {strides = array<i32>} : memref<16x16xf32, #tpu.memory_space<vmem>>, vector<1x16xf32>,
    %swap3A_70 = vector.shape_cast %swap3A_69 : vector<1x16xf32> to vector<16xf32>
    %swap3A_71 = vector.shape_cast %broadcast_in_dim3A_4 : vector<16xf32> to vector<1x16xf32>
    tpu.vector_store %arg11[%swap3A_67, %swap3A_68], %swap3A_71 {strides = array<i32>} : memref<16x16xf32, #tpu.memory_space<vmem>>, vector<1x16xf32>,
    %swap3A_72 = arith.constant 11 : i32
    %swap3A_73 = arith.index_cast %swap3A_72 : i32 to index
    %swap3A_74 = arith.constant 0 : index
    %swap3A_75 = tpu.vector_load %arg11[%swap3A_73, %swap3A_74] {strides = array<i32>} : memref<16x16xf32, #tpu.memory_space<vmem>>, vector<1x16xf32>,
    %swap3A_76 = vector.shape_cast %swap3A_75 : vector<1x16xf32> to vector<16xf32>
    %swap3A_77 = vector.shape_cast %broadcast_in_dim3A_4 : vector<16xf32> to vector<1x16xf32>
    tpu.vector_store %arg11[%swap3A_73, %swap3A_74], %swap3A_77 {strides = array<i32>} : memref<16x16xf32, #tpu.memory_space<vmem>>, vector<1x16xf32>,
    %swap3A_78 = arith.constant 12 : i32
    %swap3A_79 = arith.index_cast %swap3A_78 : i32 to index
    %swap3A_80 = arith.constant 0 : index
    %swap3A_81 = tpu.vector_load %arg11[%swap3A_79, %swap3A_80] {strides = array<i32>} : memref<16x16xf32, #tpu.memory_space<vmem>>, vector<1x16xf32>,
    %swap3A_82 = vector.shape_cast %swap3A_81 : vector<1x16xf32> to vector<16xf32>
    %swap3A_83 = vector.shape_cast %broadcast_in_dim3A_4 : vector<16xf32> to vector<1x16xf32>
    tpu.vector_store %arg11[%swap3A_79, %swap3A_80], %swap3A_83 {strides = array<i32>} : memref<16x16xf32, #tpu.memory_space<vmem>>, vector<1x16xf32>,
    %swap3A_84 = arith.constant 13 : i32
    %swap3A_85 = arith.index_cast %swap3A_84 : i32 to index
    %swap3A_86 = arith.constant 0 : index
    %swap3A_87 = tpu.vector_load %arg11[%swap3A_85, %swap3A_86] {strides = array<i32>} : memref<16x16xf32, #tpu.memory_space<vmem>>, vector<1x16xf32>,
    %swap3A_88 = vector.shape_cast %swap3A_87 : vector<1x16xf32> to vector<16xf32>
    %swap3A_89 = vector.shape_cast %broadcast_in_dim3A_4 : vector<16xf32> to vector<1x16xf32>
    tpu.vector_store %arg11[%swap3A_85, %swap3A_86], %swap3A_89 {strides = array<i32>} : memref<16x16xf32, #tpu.memory_space<vmem>>, vector<1x16xf32>,
    %swap3A_90 = arith.constant 14 : i32
    %swap3A_91 = arith.index_cast %swap3A_90 : i32 to index
    %swap3A_92 = arith.constant 0 : index
    %swap3A_93 = tpu.vector_load %arg11[%swap3A_91, %swap3A_92] {strides = array<i32>} : memref<16x16xf32, #tpu.memory_space<vmem>>, vector<1x16xf32>,
    %swap3A_94 = vector.shape_cast %swap3A_93 : vector<1x16xf32> to vector<16xf32>
    %swap3A_95 = vector.shape_cast %broadcast_in_dim3A_4 : vector<16xf32> to vector<1x16xf32>
    tpu.vector_store %arg11[%swap3A_91, %swap3A_92], %swap3A_95 {strides = array<i32>} : memref<16x16xf32, #tpu.memory_space<vmem>>, vector<1x16xf32>,
    %swap3A_96 = arith.constant 15 : i32
    %swap3A_97 = arith.index_cast %swap3A_96 : i32 to index
    %swap3A_98 = arith.constant 0 : index
    %swap3A_99 = tpu.vector_load %arg11[%swap3A_97, %swap3A_98] {strides = array<i32>} : memref<16x16xf32, #tpu.memory_space<vmem>>, vector<1x16xf32>,
    %swap3A_100 = vector.shape_cast %swap3A_99 : vector<1x16xf32> to vector<16xf32>
    %swap3A_101 = vector.shape_cast %broadcast_in_dim3A_4 : vector<16xf32> to vector<1x16xf32>
    tpu.vector_store %arg11[%swap3A_97, %swap3A_98], %swap3A_101 {strides = array<i32>} : memref<16x16xf32, #tpu.memory_space<vmem>>, vector<1x16xf32>,
    %swap3A_102 = arith.constant -1 : i32
    %swap3A_103 = arith.constant 0 : i32
    %swap3A_104 = arith.index_cast %swap3A_103 : i32 to index
    %swap3A_105 = memref.load %arg13[%swap3A_104] : memref<2xi32, #tpu.memory_space<smem>>
    memref.store %swap3A_102, %arg13[%swap3A_104] : memref<2xi32, #tpu.memory_space<smem>>
    %swap3A_106 = arith.constant 0 : i32
    %swap3A_107 = arith.constant 1 : i32
    %swap3A_108 = arith.index_cast %swap3A_107 : i32 to index
    %swap3A_109 = memref.load %arg13[%swap3A_108] : memref<2xi32, #tpu.memory_space<smem>>
    memref.store %swap3A_106, %arg13[%swap3A_108] : memref<2xi32, #tpu.memory_space<smem>>
    %add3A_110 = arith.constant 0 : i32
    %add3A_111 = arith.addi %min3A_3, %add3A_110 : i32
    %dma_start3A = arith.constant 0 : i32
    %dma_start3A_112 = arith.constant 0 : i32
    %dma_start3A_113 = arith.constant 0 : i32
    %dma_start3A_114 = arith.constant 0 : i32
    %dma_start3A_115 = tpu.memref_slice %arg8[%dma_start3A, %dma_start3A_113, %dma_start3A_114] : memref<2x224x128xf32, #tpu.memory_space<vmem>> -> memref<1x224x128xf32, #tpu.memory_space<vmem>>
    %dma_start3A_116 = tpu.memref_squeeze %dma_start3A_115 : memref<1x224x128xf32, #tpu.memory_space<vmem>> -> memref<224x128xf32, #tpu.memory_space<vmem>>
    %dma_start3A_117 = arith.constant 0 : i32
    %dma_start3A_118 = tpu.memref_slice %arg2[%add3A_111, %dma_start3A_117] : memref<100000x128xf32, #tpu.memory_space<hbm>> -> memref<224x128xf32, #tpu.memory_space<hbm>>
    %dma_start3A_119 = tpu.memref_slice %arg14[%dma_start3A_112] : memref<2x!tpu.dma_semaphore, #tpu.memory_space<semaphore_mem>> -> memref<1x!tpu.dma_semaphore, #tpu.memory_space<semaphore_mem>>
    %dma_start3A_120 = tpu.memref_squeeze %dma_start3A_119 : memref<1x!tpu.dma_semaphore, #tpu.memory_space<semaphore_mem>> -> memref<!tpu.dma_semaphore, #tpu.memory_space<semaphore_mem>>
    %dma_start3A_121 = arith.constant 0 : i32
    %dma_start3A_122 = arith.constant 0 : i32
    %dma_start3A_123 = tpu.memref_slice %arg8[%dma_start3A, %dma_start3A_121, %dma_start3A_122] : memref<2x224x128xf32, #tpu.memory_space<vmem>> -> memref<1x224x128xf32, #tpu.memory_space<vmem>>
    %dma_start3A_124 = tpu.memref_squeeze %dma_start3A_123 : memref<1x224x128xf32, #tpu.memory_space<vmem>> -> memref<224x128xf32, #tpu.memory_space<vmem>>
    %dma_start3A_125 = arith.constant 0 : i32
    %dma_start3A_126 = tpu.memref_slice %arg2[%add3A_111, %dma_start3A_125] : memref<100000x128xf32, #tpu.memory_space<hbm>> -> memref<224x128xf32, #tpu.memory_space<hbm>>
    tpu.enqueue_dma source(%dma_start3A_126 : memref<224x128xf32, #tpu.memory_space<hbm>>) target(%dma_start3A_124 : memref<224x128xf32, #tpu.memory_space<vmem>>) target_semaphore(%dma_start3A_120 : memref<!tpu.dma_semaphore, #tpu.memory_space<semaphore_mem>>)
    %add3A_127 = arith.constant 0 : i32
    %add3A_128 = arith.addi %min3A_3, %add3A_127 : i32
    %dma_start3A_129 = arith.constant 0 : i32
    %dma_start3A_130 = arith.constant 0 : i32
    %dma_start3A_131 = tpu.memref_slice %arg7[%dma_start3A_130] : memref<512xi32, #tpu.memory_space<vmem>> -> memref<224xi32, #tpu.memory_space<vmem>>
    %dma_start3A_132 = tpu.memref_slice %arg3[%add3A_128] : memref<100000xi32, #tpu.memory_space<hbm>> -> memref<224xi32, #tpu.memory_space<hbm>>
    %dma_start3A_133 = tpu.memref_slice %arg15[%dma_start3A_129] : memref<2x!tpu.dma_semaphore, #tpu.memory_space<semaphore_mem>> -> memref<1x!tpu.dma_semaphore, #tpu.memory_space<semaphore_mem>>
    %dma_start3A_134 = tpu.memref_squeeze %dma_start3A_133 : memref<1x!tpu.dma_semaphore, #tpu.memory_space<semaphore_mem>> -> memref<!tpu.dma_semaphore, #tpu.memory_space<semaphore_mem>>
    %dma_start3A_135 = arith.constant 0 : i32
    %dma_start3A_136 = tpu.memref_slice %arg7[%dma_start3A_135] : memref<512xi32, #tpu.memory_space<vmem>> -> memref<224xi32, #tpu.memory_space<vmem>>
    %dma_start3A_137 = tpu.memref_slice %arg3[%add3A_128] : memref<100000xi32, #tpu.memory_space<hbm>> -> memref<224xi32, #tpu.memory_space<hbm>>
    tpu.enqueue_dma source(%dma_start3A_137 : memref<224xi32, #tpu.memory_space<hbm>>) target(%dma_start3A_136 : memref<224xi32, #tpu.memory_space<vmem>>) target_semaphore(%dma_start3A_134 : memref<!tpu.dma_semaphore, #tpu.memory_space<semaphore_mem>>)
    %scan3A = arith.constant 0 : i32
    %scan3A_138 = arith.constant 0 : i32
    %scan3A_139 = arith.constant 14 : i32
    %scan3A_140 = arith.addi %scan3A_138, %scan3A_139 : i32
    %scan3A_141 = arith.constant 1 : i32
    %scan3A_142 = scf.for %scan3A_151 = %scan3A_138 to %scan3A_140 step %scan3A_141 iter_args(%scan3A_152 = %scan3A) -> (i32)  : i32 {
      %and3A = arith.constant 1 : i32
      %and3A_153 = arith.andi %scan3A_151, %and3A : i32
      %mul3A_154 = arith.constant 224 : i32
      %mul3A_155 = arith.muli %scan3A_151, %mul3A_154 : i32
      %add3A_156 = arith.addi %min3A_3, %mul3A_155 : i32
      %dma_wait3A = arith.constant 0 : i32
      %dma_wait3A_157 = arith.constant 0 : i32
      %dma_wait3A_158 = tpu.memref_slice %arg8[%and3A_153, %dma_wait3A, %dma_wait3A_157] : memref<2x224x128xf32, #tpu.memory_space<vmem>> -> memref<1x224x128xf32, #tpu.memory_space<vmem>>
      %dma_wait3A_159 = tpu.memref_squeeze %dma_wait3A_158 : memref<1x224x128xf32, #tpu.memory_space<vmem>> -> memref<224x128xf32, #tpu.memory_space<vmem>>
      %dma_wait3A_160 = arith.constant 0 : i32
      %dma_wait3A_161 = tpu.memref_slice %arg2[%add3A_156, %dma_wait3A_160] : memref<100000x128xf32, #tpu.memory_space<hbm>> -> memref<224x128xf32, #tpu.memory_space<hbm>>
      %dma_wait3A_162 = tpu.memref_slice %arg14[%and3A_153] : memref<2x!tpu.dma_semaphore, #tpu.memory_space<semaphore_mem>> -> memref<1x!tpu.dma_semaphore, #tpu.memory_space<semaphore_mem>>
      %dma_wait3A_163 = tpu.memref_squeeze %dma_wait3A_162 : memref<1x!tpu.dma_semaphore, #tpu.memory_space<semaphore_mem>> -> memref<!tpu.dma_semaphore, #tpu.memory_space<semaphore_mem>>
      %dma_wait3A_164 = arith.constant 0 : i32
      %dma_wait3A_165 = arith.constant 0 : i32
      %dma_wait3A_166 = tpu.memref_slice %arg8[%and3A_153, %dma_wait3A_164, %dma_wait3A_165] : memref<2x224x128xf32, #tpu.memory_space<vmem>> -> memref<1x224x128xf32, #tpu.memory_space<vmem>>
      %dma_wait3A_167 = tpu.memref_squeeze %dma_wait3A_166 : memref<1x224x128xf32, #tpu.memory_space<vmem>> -> memref<224x128xf32, #tpu.memory_space<vmem>>
      %dma_wait3A_168 = arith.constant 0 : i32
      %dma_wait3A_169 = tpu.memref_slice %arg2[%add3A_156, %dma_wait3A_168] : memref<100000x128xf32, #tpu.memory_space<hbm>> -> memref<224x128xf32, #tpu.memory_space<hbm>>
      tpu.wait_dma2 semaphore(%dma_wait3A_163 : memref<!tpu.dma_semaphore, #tpu.memory_space<semaphore_mem>>) src(%dma_wait3A_169 : memref<224x128xf32, #tpu.memory_space<hbm>>) dst(%dma_wait3A_167 : memref<224x128xf32, #tpu.memory_space<vmem>>)
      %mul3A_170 = arith.constant 224 : i32
      %mul3A_171 = arith.muli %scan3A_151, %mul3A_170 : i32
      %add3A_172 = arith.addi %min3A_3, %mul3A_171 : i32
      %mul3A_173 = arith.constant 256 : i32
      %mul3A_174 = arith.muli %and3A_153, %mul3A_173 : i32
      %dma_wait3A_175 = tpu.memref_slice %arg7[%mul3A_174] : memref<512xi32, #tpu.memory_space<vmem>> -> memref<224xi32, #tpu.memory_space<vmem>>
      %dma_wait3A_176 = tpu.memref_slice %arg3[%add3A_172] : memref<100000xi32, #tpu.memory_space<hbm>> -> memref<224xi32, #tpu.memory_space<hbm>>
      %dma_wait3A_177 = tpu.memref_slice %arg15[%and3A_153] : memref<2x!tpu.dma_semaphore, #tpu.memory_space<semaphore_mem>> -> memref<1x!tpu.dma_semaphore, #tpu.memory_space<semaphore_mem>>
      %dma_wait3A_178 = tpu.memref_squeeze %dma_wait3A_177 : memref<1x!tpu.dma_semaphore, #tpu.memory_space<semaphore_mem>> -> memref<!tpu.dma_semaphore, #tpu.memory_space<semaphore_mem>>
      %dma_wait3A_179 = tpu.memref_slice %arg7[%mul3A_174] : memref<512xi32, #tpu.memory_space<vmem>> -> memref<224xi32, #tpu.memory_space<vmem>>
      %dma_wait3A_180 = tpu.memref_slice %arg3[%add3A_172] : memref<100000xi32, #tpu.memory_space<hbm>> -> memref<224xi32, #tpu.memory_space<hbm>>
      tpu.wait_dma2 semaphore(%dma_wait3A_178 : memref<!tpu.dma_semaphore, #tpu.memory_space<semaphore_mem>>) src(%dma_wait3A_180 : memref<224xi32, #tpu.memory_space<hbm>>) dst(%dma_wait3A_179 : memref<224xi32, #tpu.memory_space<vmem>>)
      %add3A_181 = arith.constant 2 : i32
      %add3A_182 = arith.addi %scan3A_151, %add3A_181 : i32
      %sub3A = arith.constant 1 : i32
      %sub3A_183 = arith.subi %add3A_182, %sub3A : i32
      %lt3A = arith.constant 14 : i32
      %lt3A_184 = arith.cmpi slt, %sub3A_183, %lt3A : i32
      %convert_element_type3A_185 = arith.extui %lt3A_184 : i1 to i32
      %cond3A_186 = arith.constant 0 : i32
      %cond3A_187 = arith.cmpi ne, %convert_element_type3A_185, %cond3A_186 : i32
      scf.if %cond3A_187 {
        %add3A_196 = arith.constant 2 : i32
        %add3A_197 = arith.addi %scan3A_151, %add3A_196 : i32
        %sub3A_198 = arith.constant 1 : i32
        %sub3A_199 = arith.subi %add3A_197, %sub3A_198 : i32
        %add3A_200 = arith.constant 2 : i32
        %add3A_201 = arith.addi %scan3A_151, %add3A_200 : i32
        %sub3A_202 = arith.constant 1 : i32
        %sub3A_203 = arith.subi %add3A_201, %sub3A_202 : i32
        %and3A_204 = arith.constant 1 : i32
        %and3A_205 = arith.andi %sub3A_203, %and3A_204 : i32
        %mul3A_206 = arith.constant 224 : i32
        %mul3A_207 = arith.muli %sub3A_199, %mul3A_206 : i32
        %add3A_208 = arith.addi %min3A_3, %mul3A_207 : i32
        %dma_start3A_209 = arith.constant 0 : i32
        %dma_start3A_210 = arith.constant 0 : i32
        %dma_start3A_211 = tpu.memref_slice %arg8[%and3A_205, %dma_start3A_209, %dma_start3A_210] : memref<2x224x128xf32, #tpu.memory_space<vmem>> -> memref<1x224x128xf32, #tpu.memory_space<vmem>>
        %dma_start3A_212 = tpu.memref_squeeze %dma_start3A_211 : memref<1x224x128xf32, #tpu.memory_space<vmem>> -> memref<224x128xf32, #tpu.memory_space<vmem>>
        %dma_start3A_213 = arith.constant 0 : i32
        %dma_start3A_214 = tpu.memref_slice %arg2[%add3A_208, %dma_start3A_213] : memref<100000x128xf32, #tpu.memory_space<hbm>> -> memref<224x128xf32, #tpu.memory_space<hbm>>
        %dma_start3A_215 = tpu.memref_slice %arg14[%and3A_205] : memref<2x!tpu.dma_semaphore, #tpu.memory_space<semaphore_mem>> -> memref<1x!tpu.dma_semaphore, #tpu.memory_space<semaphore_mem>>
        %dma_start3A_216 = tpu.memref_squeeze %dma_start3A_215 : memref<1x!tpu.dma_semaphore, #tpu.memory_space<semaphore_mem>> -> memref<!tpu.dma_semaphore, #tpu.memory_space<semaphore_mem>>
        %dma_start3A_217 = arith.constant 0 : i32
        %dma_start3A_218 = arith.constant 0 : i32
        %dma_start3A_219 = tpu.memref_slice %arg8[%and3A_205, %dma_start3A_217, %dma_start3A_218] : memref<2x224x128xf32, #tpu.memory_space<vmem>> -> memref<1x224x128xf32, #tpu.memory_space<vmem>>
        %dma_start3A_220 = tpu.memref_squeeze %dma_start3A_219 : memref<1x224x128xf32, #tpu.memory_space<vmem>> -> memref<224x128xf32, #tpu.memory_space<vmem>>
        %dma_start3A_221 = arith.constant 0 : i32
        %dma_start3A_222 = tpu.memref_slice %arg2[%add3A_208, %dma_start3A_221] : memref<100000x128xf32, #tpu.memory_space<hbm>> -> memref<224x128xf32, #tpu.memory_space<hbm>>
        tpu.enqueue_dma source(%dma_start3A_222 : memref<224x128xf32, #tpu.memory_space<hbm>>) target(%dma_start3A_220 : memref<224x128xf32, #tpu.memory_space<vmem>>) target_semaphore(%dma_start3A_216 : memref<!tpu.dma_semaphore, #tpu.memory_space<semaphore_mem>>)
        %mul3A_223 = arith.constant 224 : i32
        %mul3A_224 = arith.muli %sub3A_199, %mul3A_223 : i32
        %add3A_225 = arith.addi %min3A_3, %mul3A_224 : i32
        %mul3A_226 = arith.constant 256 : i32
        %mul3A_227 = arith.muli %and3A_205, %mul3A_226 : i32
        %dma_start3A_228 = tpu.memref_slice %arg7[%mul3A_227] : memref<512xi32, #tpu.memory_space<vmem>> -> memref<224xi32, #tpu.memory_space<vmem>>
        %dma_start3A_229 = tpu.memref_slice %arg3[%add3A_225] : memref<100000xi32, #tpu.memory_space<hbm>> -> memref<224xi32, #tpu.memory_space<hbm>>
        %dma_start3A_230 = tpu.memref_slice %arg15[%and3A_205] : memref<2x!tpu.dma_semaphore, #tpu.memory_space<semaphore_mem>> -> memref<1x!tpu.dma_semaphore, #tpu.memory_space<semaphore_mem>>
        %dma_start3A_231 = tpu.memref_squeeze %dma_start3A_230 : memref<1x!tpu.dma_semaphore, #tpu.memory_space<semaphore_mem>> -> memref<!tpu.dma_semaphore, #tpu.memory_space<semaphore_mem>>
        %dma_start3A_232 = tpu.memref_slice %arg7[%mul3A_227] : memref<512xi32, #tpu.memory_space<vmem>> -> memref<224xi32, #tpu.memory_space<vmem>>
        %dma_start3A_233 = tpu.memref_slice %arg3[%add3A_225] : memref<100000xi32, #tpu.memory_space<hbm>> -> memref<224xi32, #tpu.memory_space<hbm>>
        tpu.enqueue_dma source(%dma_start3A_233 : memref<224xi32, #tpu.memory_space<hbm>>) target(%dma_start3A_232 : memref<224xi32, #tpu.memory_space<vmem>>) target_semaphore(%dma_start3A_231 : memref<!tpu.dma_semaphore, #tpu.memory_space<semaphore_mem>>)
      } else {
      }
      %scan3A_188 = arith.constant 0 : i32
      %scan3A_189 = arith.constant 0 : i32
      %scan3A_190 = arith.constant 14 : i32
      %scan3A_191 = arith.addi %scan3A_189, %scan3A_190 : i32
      %scan3A_192 = arith.constant 1 : i32
      %scan3A_193 = scf.for %scan3A_196 = %scan3A_189 to %scan3A_191 step %scan3A_192 iter_args(%scan3A_197 = %scan3A_188) -> (i32)  : i32 {
        %mul3A_198 = arith.constant 224 : i32
        %mul3A_199 = arith.muli %scan3A_151, %mul3A_198 : i32
        %mul3A_200 = arith.constant 16 : i32
        %mul3A_201 = arith.muli %scan3A_196, %mul3A_200 : i32
        %add3A_202 = arith.addi %mul3A_199, %mul3A_201 : i32
        %mul3A_203 = arith.constant 16 : i32
        %mul3A_204 = arith.muli %scan3A_196, %mul3A_203 : i32
        %mul3A_205 = arith.constant 256 : i32
        %mul3A_206 = arith.muli %and3A_153, %mul3A_205 : i32
        %add3A_207 = arith.addi %mul3A_206, %mul3A_204 : i32
        %get3A_208 = arith.index_cast %add3A_207 : i32 to index
        %get3A_209 = tpu.vector_load %arg7[%get3A_208] {strides = array<i32>} : memref<512xi32, #tpu.memory_space<vmem>>, vector<16xi32>,
        %get3A_210 = vector.shape_cast %get3A_209 : vector<16xi32> to vector<16xi32>
        %slice3A = vector.extract_strided_slice %get3A_210 {offsets = [0], sizes = [1], strides = [1]} : vector<16xi32> to vector<1xi32>
        %squeeze3A = vector.extract %slice3A[0] : i32 from vector<1xi32>
        %slice3A_211 = vector.extract_strided_slice %get3A_210 {offsets = [15], sizes = [1], strides = [1]} : vector<16xi32> to vector<1xi32>
        %squeeze3A_212 = vector.extract %slice3A_211[0] : i32 from vector<1xi32>
        %add3A_213 = arith.addi %min3A_3, %add3A_202 : i32
        %ge3A = arith.cmpi sge, %add3A_213, %mul3A_2 : i32
        %eq3A = arith.cmpi eq, %squeeze3A, %squeeze3A_212 : i32
        %and3A_214 = arith.andi %ge3A, %eq3A : i1
        %convert_element_type3A_215 = arith.extui %and3A_214 : i1 to i32
        %cond3A_216 = arith.constant 0 : i32
        %cond3A_217 = arith.cmpi ne, %convert_element_type3A_215, %cond3A_216 : i32
        scf.if %cond3A_217 {
          %get3A_224 = arith.constant 0 : i32
          %get3A_225 = arith.index_cast %get3A_224 : i32 to index
          %get3A_226 = memref.load %arg13[%get3A_225] : memref<2xi32, #tpu.memory_space<smem>>
          %get3A_227 = arith.constant 1 : i32
          %get3A_228 = arith.index_cast %get3A_227 : i32 to index
          %get3A_229 = memref.load %arg13[%get3A_228] : memref<2xi32, #tpu.memory_space<smem>>
          %ne3A = arith.cmpi ne, %squeeze3A, %get3A_226 : i32
          %convert_element_type3A_230 = arith.extui %ne3A : i1 to i32
          %cond3A_231 = arith.constant 0 : i32
          %cond3A_232 = arith.cmpi ne, %convert_element_type3A_230, %cond3A_231 : i32
          scf.if %cond3A_232 {
            %get3A_1584 = arith.constant 0 : i32
            %get3A_1585 = arith.index_cast %get3A_1584 : i32 to index
            %get3A_1586 = memref.load %arg13[%get3A_1585] : memref<2xi32, #tpu.memory_space<smem>>
            %get3A_1587 = arith.constant 1 : i32
            %get3A_1588 = arith.index_cast %get3A_1587 : i32 to index
            %get3A_1589 = memref.load %arg13[%get3A_1588] : memref<2xi32, #tpu.memory_space<smem>>
            %gt3A_1590 = arith.constant 0 : i32
            %gt3A_1591 = arith.cmpi sgt, %get3A_1589, %gt3A_1590 : i32
            %convert_element_type3A_1592 = arith.extui %gt3A_1591 : i1 to i32
            %cond3A_1593 = arith.constant 0 : i32
            %cond3A_1594 = arith.cmpi ne, %convert_element_type3A_1592, %cond3A_1593 : i32
            scf.if %cond3A_1594 {
              %get3A_1595 = arith.constant 0 : i32
              %get3A_1596 = arith.index_cast %get3A_1595 : i32 to index
              %get3A_1597 = arith.constant 0 : index
              %get3A_1598 = tpu.vector_load %arg12[%get3A_1596, %get3A_1597] {strides = array<i32>} : memref<2x128xf32, #tpu.memory_space<vmem>>, vector<1x16xf32>,
              %get3A_1599 = vector.shape_cast %get3A_1598 : vector<1x16xf32> to vector<16xf32>
              %add3A_1600 = arith.addf %get3A_1599, %broadcast_in_dim3A_4 : vector<16xf32>
              %swap3A_1601 = arith.index_cast %get3A_1586 : i32 to index
              %swap3A_1602 = arith.constant 0 : index
              %swap3A_1603 = tpu.vector_load %arg9[%swap3A_1601, %swap3A_1602] {strides = array<i32>} : memref<256x128xf32, #tpu.memory_space<vmem>>, vector<1x16xf32>,
              %swap3A_1604 = vector.shape_cast %swap3A_1603 : vector<1x16xf32> to vector<16xf32>
              %swap3A_1605 = vector.shape_cast %add3A_1600 : vector<16xf32> to vector<1x16xf32>
              tpu.vector_store %arg9[%swap3A_1601, %swap3A_1602], %swap3A_1605 {strides = array<i32>} : memref<256x128xf32, #tpu.memory_space<vmem>>, vector<1x16xf32>,
              %get3A_1606 = arith.constant 1 : i32
              %get3A_1607 = arith.index_cast %get3A_1606 : i32 to index
              %get3A_1608 = arith.constant 0 : index
              %get3A_1609 = tpu.vector_load %arg12[%get3A_1607, %get3A_1608] {strides = array<i32>} : memref<2x128xf32, #tpu.memory_space<vmem>>, vector<1x16xf32>,
              %get3A_1610 = vector.shape_cast %get3A_1609 : vector<1x16xf32> to vector<16xf32>
              %max3A_1611 = arith.maximumf %get3A_1610, %broadcast_in_dim3A_6 : vector<16xf32>
              %swap3A_1612 = arith.index_cast %get3A_1586 : i32 to index
              %swap3A_1613 = arith.constant 0 : index
              %swap3A_1614 = tpu.vector_load %arg10[%swap3A_1612, %swap3A_1613] {strides = array<i32>} : memref<256x128xf32, #tpu.memory_space<vmem>>, vector<1x16xf32>,
              %swap3A_1615 = vector.shape_cast %swap3A_1614 : vector<1x16xf32> to vector<16xf32>
              %swap3A_1616 = vector.shape_cast %max3A_1611 : vector<16xf32> to vector<1x16xf32>
              tpu.vector_store %arg10[%swap3A_1612, %swap3A_1613], %swap3A_1616 {strides = array<i32>} : memref<256x128xf32, #tpu.memory_space<vmem>>, vector<1x16xf32>,
              %get3A_1617 = arith.constant 0 : i32
              %get3A_1618 = arith.index_cast %get3A_1617 : i32 to index
              %get3A_1619 = arith.constant 16 : index
              %get3A_1620 = tpu.vector_load %arg12[%get3A_1618, %get3A_1619] {strides = array<i32>} : memref<2x128xf32, #tpu.memory_space<vmem>>, vector<1x16xf32>,
              %get3A_1621 = vector.shape_cast %get3A_1620 : vector<1x16xf32> to vector<16xf32>
              %add3A_1622 = arith.addf %get3A_1621, %broadcast_in_dim3A_4 : vector<16xf32>
              %swap3A_1623 = arith.index_cast %get3A_1586 : i32 to index
              %swap3A_1624 = arith.constant 16 : index
              %swap3A_1625 = tpu.vector_load %arg9[%swap3A_1623, %swap3A_1624] {strides = array<i32>} : memref<256x128xf32, #tpu.memory_space<vmem>>, vector<1x16xf32>,
              %swap3A_1626 = vector.shape_cast %swap3A_1625 : vector<1x16xf32> to vector<16xf32>
              %swap3A_1627 = vector.shape_cast %add3A_1622 : vector<16xf32> to vector<1x16xf32>
              tpu.vector_store %arg9[%swap3A_1623, %swap3A_1624], %swap3A_1627 {strides = array<i32>} : memref<256x128xf32, #tpu.memory_space<vmem>>, vector<1x16xf32>,
              %get3A_1628 = arith.constant 1 : i32
              %get3A_1629 = arith.index_cast %get3A_1628 : i32 to index
              %get3A_1630 = arith.constant 16 : index
              %get3A_1631 = tpu.vector_load %arg12[%get3A_1629, %get3A_1630] {strides = array<i32>} : memref<2x128xf32, #tpu.memory_space<vmem>>, vector<1x16xf32>,
              %get3A_1632 = vector.shape_cast %get3A_1631 : vector<1x16xf32> to vector<16xf32>
              %max3A_1633 = arith.maximumf %get3A_1632, %broadcast_in_dim3A_6 : vector<16xf32>
              %swap3A_1634 = arith.index_cast %get3A_1586 : i32 to index
              %swap3A_1635 = arith.constant 16 : index
              %swap3A_1636 = tpu.vector_load %arg10[%swap3A_1634, %swap3A_1635] {strides = array<i32>} : memref<256x128xf32, #tpu.memory_space<vmem>>, vector<1x16xf32>,
              %swap3A_1637 = vector.shape_cast %swap3A_1636 : vector<1x16xf32> to vector<16xf32>
              %swap3A_1638 = vector.shape_cast %max3A_1633 : vector<16xf32> to vector<1x16xf32>
              tpu.vector_store %arg10[%swap3A_1634, %swap3A_1635], %swap3A_1638 {strides = array<i32>} : memref<256x128xf32, #tpu.memory_space<vmem>>, vector<1x16xf32>,
              %get3A_1639 = arith.constant 0 : i32
              %get3A_1640 = arith.index_cast %get3A_1639 : i32 to index
              %get3A_1641 = arith.constant 32 : index
              %get3A_1642 = tpu.vector_load %arg12[%get3A_1640, %get3A_1641] {strides = array<i32>} : memref<2x128xf32, #tpu.memory_space<vmem>>, vector<1x16xf32>,
              %get3A_1643 = vector.shape_cast %get3A_1642 : vector<1x16xf32> to vector<16xf32>
              %add3A_1644 = arith.addf %get3A_1643, %broadcast_in_dim3A_4 : vector<16xf32>
              %swap3A_1645 = arith.index_cast %get3A_1586 : i32 to index
              %swap3A_1646 = arith.constant 32 : index
              %swap3A_1647 = tpu.vector_load %arg9[%swap3A_1645, %swap3A_1646] {strides = array<i32>} : memref<256x128xf32, #tpu.memory_space<vmem>>, vector<1x16xf32>,
              %swap3A_1648 = vector.shape_cast %swap3A_1647 : vector<1x16xf32> to vector<16xf32>
              %swap3A_1649 = vector.shape_cast %add3A_1644 : vector<16xf32> to vector<1x16xf32>
              tpu.vector_store %arg9[%swap3A_1645, %swap3A_1646], %swap3A_1649 {strides = array<i32>} : memref<256x128xf32, #tpu.memory_space<vmem>>, vector<1x16xf32>,
              %get3A_1650 = arith.constant 1 : i32
              %get3A_1651 = arith.index_cast %get3A_1650 : i32 to index
              %get3A_1652 = arith.constant 32 : index
              %get3A_1653 = tpu.vector_load %arg12[%get3A_1651, %get3A_1652] {strides = array<i32>} : memref<2x128xf32, #tpu.memory_space<vmem>>, vector<1x16xf32>,
              %get3A_1654 = vector.shape_cast %get3A_1653 : vector<1x16xf32> to vector<16xf32>
              %max3A_1655 = arith.maximumf %get3A_1654, %broadcast_in_dim3A_6 : vector<16xf32>
              %swap3A_1656 = arith.index_cast %get3A_1586 : i32 to index
              %swap3A_1657 = arith.constant 32 : index
              %swap3A_1658 = tpu.vector_load %arg10[%swap3A_1656, %swap3A_1657] {strides = array<i32>} : memref<256x128xf32, #tpu.memory_space<vmem>>, vector<1x16xf32>,
              %swap3A_1659 = vector.shape_cast %swap3A_1658 : vector<1x16xf32> to vector<16xf32>
              %swap3A_1660 = vector.shape_cast %max3A_1655 : vector<16xf32> to vector<1x16xf32>
              tpu.vector_store %arg10[%swap3A_1656, %swap3A_1657], %swap3A_1660 {strides = array<i32>} : memref<256x128xf32, #tpu.memory_space<vmem>>, vector<1x16xf32>,
              %get3A_1661 = arith.constant 0 : i32
              %get3A_1662 = arith.index_cast %get3A_1661 : i32 to index
              %get3A_1663 = arith.constant 48 : index
              %get3A_1664 = tpu.vector_load %arg12[%get3A_1662, %get3A_1663] {strides = array<i32>} : memref<2x128xf32, #tpu.memory_space<vmem>>, vector<1x16xf32>,
              %get3A_1665 = vector.shape_cast %get3A_1664 : vector<1x16xf32> to vector<16xf32>
              %add3A_1666 = arith.addf %get3A_1665, %broadcast_in_dim3A_4 : vector<16xf32>
              %swap3A_1667 = arith.index_cast %get3A_1586 : i32 to index
              %swap3A_1668 = arith.constant 48 : index
              %swap3A_1669 = tpu.vector_load %arg9[%swap3A_1667, %swap3A_1668] {strides = array<i32>} : memref<256x128xf32, #tpu.memory_space<vmem>>, vector<1x16xf32>,
              %swap3A_1670 = vector.shape_cast %swap3A_1669 : vector<1x16xf32> to vector<16xf32>
              %swap3A_1671 = vector.shape_cast %add3A_1666 : vector<16xf32> to vector<1x16xf32>
              tpu.vector_store %arg9[%swap3A_1667, %swap3A_1668], %swap3A_1671 {strides = array<i32>} : memref<256x128xf32, #tpu.memory_space<vmem>>, vector<1x16xf32>,
              %get3A_1672 = arith.constant 1 : i32
              %get3A_1673 = arith.index_cast %get3A_1672 : i32 to index
              %get3A_1674 = arith.constant 48 : index
              %get3A_1675 = tpu.vector_load %arg12[%get3A_1673, %get3A_1674] {strides = array<i32>} : memref<2x128xf32, #tpu.memory_space<vmem>>, vector<1x16xf32>,
              %get3A_1676 = vector.shape_cast %get3A_1675 : vector<1x16xf32> to vector<16xf32>
              %max3A_1677 = arith.maximumf %get3A_1676, %broadcast_in_dim3A_6 : vector<16xf32>
              %swap3A_1678 = arith.index_cast %get3A_1586 : i32 to index
              %swap3A_1679 = arith.constant 48 : index
              %swap3A_1680 = tpu.vector_load %arg10[%swap3A_1678, %swap3A_1679] {strides = array<i32>} : memref<256x128xf32, #tpu.memory_space<vmem>>, vector<1x16xf32>,
              %swap3A_1681 = vector.shape_cast %swap3A_1680 : vector<1x16xf32> to vector<16xf32>
              %swap3A_1682 = vector.shape_cast %max3A_1677 : vector<16xf32> to vector<1x16xf32>
              tpu.vector_store %arg10[%swap3A_1678, %swap3A_1679], %swap3A_1682 {strides = array<i32>} : memref<256x128xf32, #tpu.memory_space<vmem>>, vector<1x16xf32>,
              %get3A_1683 = arith.constant 0 : i32
              %get3A_1684 = arith.index_cast %get3A_1683 : i32 to index
              %get3A_1685 = arith.constant 64 : index
              %get3A_1686 = tpu.vector_load %arg12[%get3A_1684, %get3A_1685] {strides = array<i32>} : memref<2x128xf32, #tpu.memory_space<vmem>>, vector<1x16xf32>,
              %get3A_1687 = vector.shape_cast %get3A_1686 : vector<1x16xf32> to vector<16xf32>
              %add3A_1688 = arith.addf %get3A_1687, %broadcast_in_dim3A_4 : vector<16xf32>
              %swap3A_1689 = arith.index_cast %get3A_1586 : i32 to index
              %swap3A_1690 = arith.constant 64 : index
              %swap3A_1691 = tpu.vector_load %arg9[%swap3A_1689, %swap3A_1690] {strides = array<i32>} : memref<256x128xf32, #tpu.memory_space<vmem>>, vector<1x16xf32>,
              %swap3A_1692 = vector.shape_cast %swap3A_1691 : vector<1x16xf32> to vector<16xf32>
              %swap3A_1693 = vector.shape_cast %add3A_1688 : vector<16xf32> to vector<1x16xf32>
              tpu.vector_store %arg9[%swap3A_1689, %swap3A_1690], %swap3A_1693 {strides = array<i32>} : memref<256x128xf32, #tpu.memory_space<vmem>>, vector<1x16xf32>,
              %get3A_1694 = arith.constant 1 : i32
              %get3A_1695 = arith.index_cast %get3A_1694 : i32 to index
              %get3A_1696 = arith.constant 64 : index
              %get3A_1697 = tpu.vector_load %arg12[%get3A_1695, %get3A_1696] {strides = array<i32>} : memref<2x128xf32, #tpu.memory_space<vmem>>, vector<1x16xf32>,
              %get3A_1698 = vector.shape_cast %get3A_1697 : vector<1x16xf32> to vector<16xf32>
              %max3A_1699 = arith.maximumf %get3A_1698, %broadcast_in_dim3A_6 : vector<16xf32>
              %swap3A_1700 = arith.index_cast %get3A_1586 : i32 to index
              %swap3A_1701 = arith.constant 64 : index
              %swap3A_1702 = tpu.vector_load %arg10[%swap3A_1700, %swap3A_1701] {strides = array<i32>} : memref<256x128xf32, #tpu.memory_space<vmem>>, vector<1x16xf32>,
              %swap3A_1703 = vector.shape_cast %swap3A_1702 : vector<1x16xf32> to vector<16xf32>
              %swap3A_1704 = vector.shape_cast %max3A_1699 : vector<16xf32> to vector<1x16xf32>
              tpu.vector_store %arg10[%swap3A_1700, %swap3A_1701], %swap3A_1704 {strides = array<i32>} : memref<256x128xf32, #tpu.memory_space<vmem>>, vector<1x16xf32>,
              %get3A_1705 = arith.constant 0 : i32
              %get3A_1706 = arith.index_cast %get3A_1705 : i32 to index
              %get3A_1707 = arith.constant 80 : index
              %get3A_1708 = tpu.vector_load %arg12[%get3A_1706, %get3A_1707] {strides = array<i32>} : memref<2x128xf32, #tpu.memory_space<vmem>>, vector<1x16xf32>,
              %get3A_1709 = vector.shape_cast %get3A_1708 : vector<1x16xf32> to vector<16xf32>
              %add3A_1710 = arith.addf %get3A_1709, %broadcast_in_dim3A_4 : vector<16xf32>
              %swap3A_1711 = arith.index_cast %get3A_1586 : i32 to index
              %swap3A_1712 = arith.constant 80 : index
              %swap3A_1713 = tpu.vector_load %arg9[%swap3A_1711, %swap3A_1712] {strides = array<i32>} : memref<256x128xf32, #tpu.memory_space<vmem>>, vector<1x16xf32>,
              %swap3A_1714 = vector.shape_cast %swap3A_1713 : vector<1x16xf32> to vector<16xf32>
              %swap3A_1715 = vector.shape_cast %add3A_1710 : vector<16xf32> to vector<1x16xf32>
              tpu.vector_store %arg9[%swap3A_1711, %swap3A_1712], %swap3A_1715 {strides = array<i32>} : memref<256x128xf32, #tpu.memory_space<vmem>>, vector<1x16xf32>,
              %get3A_1716 = arith.constant 1 : i32
              %get3A_1717 = arith.index_cast %get3A_1716 : i32 to index
              %get3A_1718 = arith.constant 80 : index
              %get3A_1719 = tpu.vector_load %arg12[%get3A_1717, %get3A_1718] {strides = array<i32>} : memref<2x128xf32, #tpu.memory_space<vmem>>, vector<1x16xf32>,
              %get3A_1720 = vector.shape_cast %get3A_1719 : vector<1x16xf32> to vector<16xf32>
              %max3A_1721 = arith.maximumf %get3A_1720, %broadcast_in_dim3A_6 : vector<16xf32>
              %swap3A_1722 = arith.index_cast %get3A_1586 : i32 to index
              %swap3A_1723 = arith.constant 80 : index
              %swap3A_1724 = tpu.vector_load %arg10[%swap3A_1722, %swap3A_1723] {strides = array<i32>} : memref<256x128xf32, #tpu.memory_space<vmem>>, vector<1x16xf32>,
              %swap3A_1725 = vector.shape_cast %swap3A_1724 : vector<1x16xf32> to vector<16xf32>
              %swap3A_1726 = vector.shape_cast %max3A_1721 : vector<16xf32> to vector<1x16xf32>
              tpu.vector_store %arg10[%swap3A_1722, %swap3A_1723], %swap3A_1726 {strides = array<i32>} : memref<256x128xf32, #tpu.memory_space<vmem>>, vector<1x16xf32>,
              %get3A_1727 = arith.constant 0 : i32
              %get3A_1728 = arith.index_cast %get3A_1727 : i32 to index
              %get3A_1729 = arith.constant 96 : index
              %get3A_1730 = tpu.vector_load %arg12[%get3A_1728, %get3A_1729] {strides = array<i32>} : memref<2x128xf32, #tpu.memory_space<vmem>>, vector<1x16xf32>,
              %get3A_1731 = vector.shape_cast %get3A_1730 : vector<1x16xf32> to vector<16xf32>
              %add3A_1732 = arith.addf %get3A_1731, %broadcast_in_dim3A_4 : vector<16xf32>
              %swap3A_1733 = arith.index_cast %get3A_1586 : i32 to index
              %swap3A_1734 = arith.constant 96 : index
              %swap3A_1735 = tpu.vector_load %arg9[%swap3A_1733, %swap3A_1734] {strides = array<i32>} : memref<256x128xf32, #tpu.memory_space<vmem>>, vector<1x16xf32>,
              %swap3A_1736 = vector.shape_cast %swap3A_1735 : vector<1x16xf32> to vector<16xf32>
              %swap3A_1737 = vector.shape_cast %add3A_1732 : vector<16xf32> to vector<1x16xf32>
              tpu.vector_store %arg9[%swap3A_1733, %swap3A_1734], %swap3A_1737 {strides = array<i32>} : memref<256x128xf32, #tpu.memory_space<vmem>>, vector<1x16xf32>,
              %get3A_1738 = arith.constant 1 : i32
              %get3A_1739 = arith.index_cast %get3A_1738 : i32 to index
              %get3A_1740 = arith.constant 96 : index
              %get3A_1741 = tpu.vector_load %arg12[%get3A_1739, %get3A_1740] {strides = array<i32>} : memref<2x128xf32, #tpu.memory_space<vmem>>, vector<1x16xf32>,
              %get3A_1742 = vector.shape_cast %get3A_1741 : vector<1x16xf32> to vector<16xf32>
              %max3A_1743 = arith.maximumf %get3A_1742, %broadcast_in_dim3A_6 : vector<16xf32>
              %swap3A_1744 = arith.index_cast %get3A_1586 : i32 to index
              %swap3A_1745 = arith.constant 96 : index
              %swap3A_1746 = tpu.vector_load %arg10[%swap3A_1744, %swap3A_1745] {strides = array<i32>} : memref<256x128xf32, #tpu.memory_space<vmem>>, vector<1x16xf32>,
              %swap3A_1747 = vector.shape_cast %swap3A_1746 : vector<1x16xf32> to vector<16xf32>
              %swap3A_1748 = vector.shape_cast %max3A_1743 : vector<16xf32> to vector<1x16xf32>
              tpu.vector_store %arg10[%swap3A_1744, %swap3A_1745], %swap3A_1748 {strides = array<i32>} : memref<256x128xf32, #tpu.memory_space<vmem>>, vector<1x16xf32>,
              %get3A_1749 = arith.constant 0 : i32
              %get3A_1750 = arith.index_cast %get3A_1749 : i32 to index
              %get3A_1751 = arith.constant 112 : index
              %get3A_1752 = tpu.vector_load %arg12[%get3A_1750, %get3A_1751] {strides = array<i32>} : memref<2x128xf32, #tpu.memory_space<vmem>>, vector<1x16xf32>,
              %get3A_1753 = vector.shape_cast %get3A_1752 : vector<1x16xf32> to vector<16xf32>
              %add3A_1754 = arith.addf %get3A_1753, %broadcast_in_dim3A_4 : vector<16xf32>
              %swap3A_1755 = arith.index_cast %get3A_1586 : i32 to index
              %swap3A_1756 = arith.constant 112 : index
              %swap3A_1757 = tpu.vector_load %arg9[%swap3A_1755, %swap3A_1756] {strides = array<i32>} : memref<256x128xf32, #tpu.memory_space<vmem>>, vector<1x16xf32>,
              %swap3A_1758 = vector.shape_cast %swap3A_1757 : vector<1x16xf32> to vector<16xf32>
              %swap3A_1759 = vector.shape_cast %add3A_1754 : vector<16xf32> to vector<1x16xf32>
              tpu.vector_store %arg9[%swap3A_1755, %swap3A_1756], %swap3A_1759 {strides = array<i32>} : memref<256x128xf32, #tpu.memory_space<vmem>>, vector<1x16xf32>,
              %get3A_1760 = arith.constant 1 : i32
              %get3A_1761 = arith.index_cast %get3A_1760 : i32 to index
              %get3A_1762 = arith.constant 112 : index
              %get3A_1763 = tpu.vector_load %arg12[%get3A_1761, %get3A_1762] {strides = array<i32>} : memref<2x128xf32, #tpu.memory_space<vmem>>, vector<1x16xf32>,
              %get3A_1764 = vector.shape_cast %get3A_1763 : vector<1x16xf32> to vector<16xf32>
              %max3A_1765 = arith.maximumf %get3A_1764, %broadcast_in_dim3A_6 : vector<16xf32>
              %swap3A_1766 = arith.index_cast %get3A_1586 : i32 to index
              %swap3A_1767 = arith.constant 112 : index
              %swap3A_1768 = tpu.vector_load %arg10[%swap3A_1766, %swap3A_1767] {strides = array<i32>} : memref<256x128xf32, #tpu.memory_space<vmem>>, vector<1x16xf32>,
              %swap3A_1769 = vector.shape_cast %swap3A_1768 : vector<1x16xf32> to vector<16xf32>
              %swap3A_1770 = vector.shape_cast %max3A_1765 : vector<16xf32> to vector<1x16xf32>
              tpu.vector_store %arg10[%swap3A_1766, %swap3A_1767], %swap3A_1770 {strides = array<i32>} : memref<256x128xf32, #tpu.memory_space<vmem>>, vector<1x16xf32>,
              %jit3A_1771 = arith.constant 16 : i32
              %div3A = arith.divsi %get3A_1586, %jit3A_1771 : i32
              %sign3A = arith.constant 0 : i32
              %sign3A_1772 = arith.cmpi sgt, %get3A_1586, %sign3A : i32
              %sign3A_1773 = arith.extui %sign3A_1772 : i1 to i32
              %sign3A_1774 = arith.constant 0 : i32
              %sign3A_1775 = arith.cmpi slt, %get3A_1586, %sign3A_1774 : i32
              %sign3A_1776 = arith.extui %sign3A_1775 : i1 to i32
              %sign3A_1777 = arith.subi %sign3A_1773, %sign3A_1776 : i32
              %sign3A_1778 = arith.constant 0 : i32
              %sign3A_1779 = arith.cmpi sgt, %jit3A_1771, %sign3A_1778 : i32
              %sign3A_1780 = arith.extui %sign3A_1779 : i1 to i32
              %sign3A_1781 = arith.constant 0 : i32
              %sign3A_1782 = arith.cmpi slt, %jit3A_1771, %sign3A_1781 : i32
              %sign3A_1783 = arith.extui %sign3A_1782 : i1 to i32
              %sign3A_1784 = arith.subi %sign3A_1780, %sign3A_1783 : i32
              %ne3A_1785 = arith.cmpi ne, %sign3A_1777, %sign3A_1784 : i32
              %rem3A = arith.remsi %get3A_1586, %jit3A_1771 : i32
              %ne3A_1786 = arith.constant 0 : i32
              %ne3A_1787 = arith.cmpi ne, %rem3A, %ne3A_1786 : i32
              %and3A_1788 = arith.andi %ne3A_1785, %ne3A_1787 : i1
              %sub3A_1789 = arith.constant 1 : i32
              %sub3A_1790 = arith.subi %div3A, %sub3A_1789 : i32
              %select_n3A_1791 = arith.select %and3A_1788, %sub3A_1790, %div3A : i32
              %convert_element_type3A_1792 = arith.sitofp %get3A_1589 : i32 to f32
              %add3A_1793 = vector.broadcast %convert_element_type3A_1792 : f32 to vector<16xf32>
              %add3A_1794 = arith.addf %broadcast_in_dim3A_4, %add3A_1793 : vector<16xf32>
              %jit3A_1795 = arith.constant 16 : i32
              %eq3A_1796 = arith.constant 0 : i32
              %eq3A_1797 = arith.cmpi eq, %jit3A_1795, %eq3A_1796 : i32
              %jit3A_1798 = arith.constant 1 : i32
              %select_n3A_1799 = arith.select %eq3A_1797, %jit3A_1798, %jit3A_1795 : i32
              %rem3A_1800 = arith.remsi %get3A_1586, %select_n3A_1799 : i32
              %ne3A_1801 = arith.constant 0 : i32
              %ne3A_1802 = arith.cmpi ne, %rem3A_1800, %ne3A_1801 : i32
              %lt3A_1803 = arith.constant 0 : i32
              %lt3A_1804 = arith.cmpi slt, %rem3A_1800, %lt3A_1803 : i32
              %lt3A_1805 = arith.constant 0 : i32
              %lt3A_1806 = arith.cmpi slt, %select_n3A_1799, %lt3A_1805 : i32
              %ne3A_1807 = arith.xori %lt3A_1804, %lt3A_1806 : i1
              %and3A_1808 = arith.andi %ne3A_1807, %ne3A_1802 : i1
              %add3A_1809 = arith.addi %rem3A_1800, %select_n3A_1799 : i32
              %select_n3A_1810 = arith.select %and3A_1808, %add3A_1809, %rem3A_1800 : i32
              %eq3A_1811 = vector.broadcast %select_n3A_1810 : i32 to vector<16xi32>
              %eq3A_1812 = arith.cmpi eq, %iota3A, %eq3A_1811 : vector<16xi32>
              %get3A_1813 = arith.index_cast %select_n3A_1791 : i32 to index
              %get3A_1814 = arith.constant 0 : index
              %get3A_1815 = tpu.vector_load %arg11[%get3A_1813, %get3A_1814] {strides = array<i32>} : memref<16x16xf32, #tpu.memory_space<vmem>>, vector<1x16xf32>,
              %get3A_1816 = vector.shape_cast %get3A_1815 : vector<1x16xf32> to vector<16xf32>
              %select_n3A_1817 = arith.select %eq3A_1812, %add3A_1794, %get3A_1816 : vector<16xi1>, vector<16xf32>
              %swap3A_1818 = arith.index_cast %select_n3A_1791 : i32 to index
              %swap3A_1819 = arith.constant 0 : index
              %swap3A_1820 = tpu.vector_load %arg11[%swap3A_1818, %swap3A_1819] {strides = array<i32>} : memref<16x16xf32, #tpu.memory_space<vmem>>, vector<1x16xf32>,
              %swap3A_1821 = vector.shape_cast %swap3A_1820 : vector<1x16xf32> to vector<16xf32>
              %swap3A_1822 = vector.shape_cast %select_n3A_1817 : vector<16xf32> to vector<1x16xf32>
              tpu.vector_store %arg11[%swap3A_1818, %swap3A_1819], %swap3A_1822 {strides = array<i32>} : memref<16x16xf32, #tpu.memory_space<vmem>>, vector<1x16xf32>,
            } else {
            }
          } else {
          }
          %add3A_233 = arith.constant 0 : i32
          %add3A_234 = arith.addi %mul3A_204, %add3A_233 : i32
          %get3A_235 = arith.index_cast %and3A_153 : i32 to index
          %get3A_236 = arith.index_cast %add3A_234 : i32 to index
          %get3A_237 = arith.constant 0 : index
          %get3A_238 = tpu.vector_load %arg8[%get3A_235, %get3A_236, %get3A_237] {strides = array<i32>} : memref<2x224x128xf32, #tpu.memory_space<vmem>>, vector<1x1x16xf32>,
          %get3A_239 = vector.shape_cast %get3A_238 : vector<1x1x16xf32> to vector<16xf32>
          %add3A_240 = arith.constant 1 : i32
          %add3A_241 = arith.addi %mul3A_204, %add3A_240 : i32
          %get3A_242 = arith.index_cast %and3A_153 : i32 to index
          %get3A_243 = arith.index_cast %add3A_241 : i32 to index
          %get3A_244 = arith.constant 0 : index
          %get3A_245 = tpu.vector_load %arg8[%get3A_242, %get3A_243, %get3A_244] {strides = array<i32>} : memref<2x224x128xf32, #tpu.memory_space<vmem>>, vector<1x1x16xf32>,
          %get3A_246 = vector.shape_cast %get3A_245 : vector<1x1x16xf32> to vector<16xf32>
          %add3A_247 = arith.constant 2 : i32
          %add3A_248 = arith.addi %mul3A_204, %add3A_247 : i32
          %get3A_249 = arith.index_cast %and3A_153 : i32 to index
          %get3A_250 = arith.index_cast %add3A_248 : i32 to index
          %get3A_251 = arith.constant 0 : index
          %get3A_252 = tpu.vector_load %arg8[%get3A_249, %get3A_250, %get3A_251] {strides = array<i32>} : memref<2x224x128xf32, #tpu.memory_space<vmem>>, vector<1x1x16xf32>,
          %get3A_253 = vector.shape_cast %get3A_252 : vector<1x1x16xf32> to vector<16xf32>
          %add3A_254 = arith.constant 3 : i32
          %add3A_255 = arith.addi %mul3A_204, %add3A_254 : i32
          %get3A_256 = arith.index_cast %and3A_153 : i32 to index
          %get3A_257 = arith.index_cast %add3A_255 : i32 to index
          %get3A_258 = arith.constant 0 : index
          %get3A_259 = tpu.vector_load %arg8[%get3A_256, %get3A_257, %get3A_258] {strides = array<i32>} : memref<2x224x128xf32, #tpu.memory_space<vmem>>, vector<1x1x16xf32>,
          %get3A_260 = vector.shape_cast %get3A_259 : vector<1x1x16xf32> to vector<16xf32>
          %add3A_261 = arith.constant 4 : i32
          %add3A_262 = arith.addi %mul3A_204, %add3A_261 : i32
          %get3A_263 = arith.index_cast %and3A_153 : i32 to index
          %get3A_264 = arith.index_cast %add3A_262 : i32 to index
          %get3A_265 = arith.constant 0 : index
          %get3A_266 = tpu.vector_load %arg8[%get3A_263, %get3A_264, %get3A_265] {strides = array<i32>} : memref<2x224x128xf32, #tpu.memory_space<vmem>>, vector<1x1x16xf32>,
          %get3A_267 = vector.shape_cast %get3A_266 : vector<1x1x16xf32> to vector<16xf32>
          %add3A_268 = arith.constant 5 : i32
          %add3A_269 = arith.addi %mul3A_204, %add3A_268 : i32
          %get3A_270 = arith.index_cast %and3A_153 : i32 to index
          %get3A_271 = arith.index_cast %add3A_269 : i32 to index
          %get3A_272 = arith.constant 0 : index
          %get3A_273 = tpu.vector_load %arg8[%get3A_270, %get3A_271, %get3A_272] {strides = array<i32>} : memref<2x224x128xf32, #tpu.memory_space<vmem>>, vector<1x1x16xf32>,
          %get3A_274 = vector.shape_cast %get3A_273 : vector<1x1x16xf32> to vector<16xf32>
          %add3A_275 = arith.constant 6 : i32
          %add3A_276 = arith.addi %mul3A_204, %add3A_275 : i32
          %get3A_277 = arith.index_cast %and3A_153 : i32 to index
          %get3A_278 = arith.index_cast %add3A_276 : i32 to index
          %get3A_279 = arith.constant 0 : index
          %get3A_280 = tpu.vector_load %arg8[%get3A_277, %get3A_278, %get3A_279] {strides = array<i32>} : memref<2x224x128xf32, #tpu.memory_space<vmem>>, vector<1x1x16xf32>,
          %get3A_281 = vector.shape_cast %get3A_280 : vector<1x1x16xf32> to vector<16xf32>
          %add3A_282 = arith.constant 7 : i32
          %add3A_283 = arith.addi %mul3A_204, %add3A_282 : i32
          %get3A_284 = arith.index_cast %and3A_153 : i32 to index
          %get3A_285 = arith.index_cast %add3A_283 : i32 to index
          %get3A_286 = arith.constant 0 : index
          %get3A_287 = tpu.vector_load %arg8[%get3A_284, %get3A_285, %get3A_286] {strides = array<i32>} : memref<2x224x128xf32, #tpu.memory_space<vmem>>, vector<1x1x16xf32>,
          %get3A_288 = vector.shape_cast %get3A_287 : vector<1x1x16xf32> to vector<16xf32>
          %add3A_289 = arith.constant 8 : i32
          %add3A_290 = arith.addi %mul3A_204, %add3A_289 : i32
          %get3A_291 = arith.index_cast %and3A_153 : i32 to index
          %get3A_292 = arith.index_cast %add3A_290 : i32 to index
          %get3A_293 = arith.constant 0 : index
          %get3A_294 = tpu.vector_load %arg8[%get3A_291, %get3A_292, %get3A_293] {strides = array<i32>} : memref<2x224x128xf32, #tpu.memory_space<vmem>>, vector<1x1x16xf32>,
          %get3A_295 = vector.shape_cast %get3A_294 : vector<1x1x16xf32> to vector<16xf32>
          %add3A_296 = arith.constant 9 : i32
          %add3A_297 = arith.addi %mul3A_204, %add3A_296 : i32
          %get3A_298 = arith.index_cast %and3A_153 : i32 to index
          %get3A_299 = arith.index_cast %add3A_297 : i32 to index
          %get3A_300 = arith.constant 0 : index
          %get3A_301 = tpu.vector_load %arg8[%get3A_298, %get3A_299, %get3A_300] {strides = array<i32>} : memref<2x224x128xf32, #tpu.memory_space<vmem>>, vector<1x1x16xf32>,
          %get3A_302 = vector.shape_cast %get3A_301 : vector<1x1x16xf32> to vector<16xf32>
          %add3A_303 = arith.constant 10 : i32
          %add3A_304 = arith.addi %mul3A_204, %add3A_303 : i32
          %get3A_305 = arith.index_cast %and3A_153 : i32 to index
          %get3A_306 = arith.index_cast %add3A_304 : i32 to index
          %get3A_307 = arith.constant 0 : index
          %get3A_308 = tpu.vector_load %arg8[%get3A_305, %get3A_306, %get3A_307] {strides = array<i32>} : memref<2x224x128xf32, #tpu.memory_space<vmem>>, vector<1x1x16xf32>,
          %get3A_309 = vector.shape_cast %get3A_308 : vector<1x1x16xf32> to vector<16xf32>
          %add3A_310 = arith.constant 11 : i32
          %add3A_311 = arith.addi %mul3A_204, %add3A_310 : i32
          %get3A_312 = arith.index_cast %and3A_153 : i32 to index
          %get3A_313 = arith.index_cast %add3A_311 : i32 to index
          %get3A_314 = arith.constant 0 : index
          %get3A_315 = tpu.vector_load %arg8[%get3A_312, %get3A_313, %get3A_314] {strides = array<i32>} : memref<2x224x128xf32, #tpu.memory_space<vmem>>, vector<1x1x16xf32>,
          %get3A_316 = vector.shape_cast %get3A_315 : vector<1x1x16xf32> to vector<16xf32>
          %add3A_317 = arith.constant 12 : i32
          %add3A_318 = arith.addi %mul3A_204, %add3A_317 : i32
          %get3A_319 = arith.index_cast %and3A_153 : i32 to index
          %get3A_320 = arith.index_cast %add3A_318 : i32 to index
          %get3A_321 = arith.constant 0 : index
          %get3A_322 = tpu.vector_load %arg8[%get3A_319, %get3A_320, %get3A_321] {strides = array<i32>} : memref<2x224x128xf32, #tpu.memory_space<vmem>>, vector<1x1x16xf32>,
          %get3A_323 = vector.shape_cast %get3A_322 : vector<1x1x16xf32> to vector<16xf32>
          %add3A_324 = arith.constant 13 : i32
          %add3A_325 = arith.addi %mul3A_204, %add3A_324 : i32
          %get3A_326 = arith.index_cast %and3A_153 : i32 to index
          %get3A_327 = arith.index_cast %add3A_325 : i32 to index
          %get3A_328 = arith.constant 0 : index
          %get3A_329 = tpu.vector_load %arg8[%get3A_326, %get3A_327, %get3A_328] {strides = array<i32>} : memref<2x224x128xf32, #tpu.memory_space<vmem>>, vector<1x1x16xf32>,
          %get3A_330 = vector.shape_cast %get3A_329 : vector<1x1x16xf32> to vector<16xf32>
          %add3A_331 = arith.constant 14 : i32
          %add3A_332 = arith.addi %mul3A_204, %add3A_331 : i32
          %get3A_333 = arith.index_cast %and3A_153 : i32 to index
          %get3A_334 = arith.index_cast %add3A_332 : i32 to index
          %get3A_335 = arith.constant 0 : index
          %get3A_336 = tpu.vector_load %arg8[%get3A_333, %get3A_334, %get3A_335] {strides = array<i32>} : memref<2x224x128xf32, #tpu.memory_space<vmem>>, vector<1x1x16xf32>,
          %get3A_337 = vector.shape_cast %get3A_336 : vector<1x1x16xf32> to vector<16xf32>
          %add3A_338 = arith.constant 15 : i32
          %add3A_339 = arith.addi %mul3A_204, %add3A_338 : i32
          %get3A_340 = arith.index_cast %and3A_153 : i32 to index
          %get3A_341 = arith.index_cast %add3A_339 : i32 to index
          %get3A_342 = arith.constant 0 : index
          %get3A_343 = tpu.vector_load %arg8[%get3A_340, %get3A_341, %get3A_342] {strides = array<i32>} : memref<2x224x128xf32, #tpu.memory_space<vmem>>, vector<1x1x16xf32>,
          %get3A_344 = vector.shape_cast %get3A_343 : vector<1x1x16xf32> to vector<16xf32>
          %add3A_345 = arith.addf %get3A_239, %get3A_246 : vector<16xf32>
          %add3A_346 = arith.addf %get3A_253, %get3A_260 : vector<16xf32>
          %add3A_347 = arith.addf %get3A_267, %get3A_274 : vector<16xf32>
          %add3A_348 = arith.addf %get3A_281, %get3A_288 : vector<16xf32>
          %add3A_349 = arith.addf %get3A_295, %get3A_302 : vector<16xf32>
          %add3A_350 = arith.addf %get3A_309, %get3A_316 : vector<16xf32>
          %add3A_351 = arith.addf %get3A_323, %get3A_330 : vector<16xf32>
          %add3A_352 = arith.addf %get3A_337, %get3A_344 : vector<16xf32>
          %add3A_353 = arith.addf %add3A_345, %add3A_346 : vector<16xf32>
          %add3A_354 = arith.addf %add3A_347, %add3A_348 : vector<16xf32>
          %add3A_355 = arith.addf %add3A_349, %add3A_350 : vector<16xf32>
          %add3A_356 = arith.addf %add3A_351, %add3A_352 : vector<16xf32>
          %add3A_357 = arith.addf %add3A_353, %add3A_354 : vector<16xf32>
          %add3A_358 = arith.addf %add3A_355, %add3A_356 : vector<16xf32>
          %add3A_359 = arith.addf %add3A_357, %add3A_358 : vector<16xf32>
          %max3A = arith.maximumf %get3A_239, %get3A_246 : vector<16xf32>
          %max3A_360 = arith.maximumf %get3A_253, %get3A_260 : vector<16xf32>
          %max3A_361 = arith.maximumf %get3A_267, %get3A_274 : vector<16xf32>
          %max3A_362 = arith.maximumf %get3A_281, %get3A_288 : vector<16xf32>
          %max3A_363 = arith.maximumf %get3A_295, %get3A_302 : vector<16xf32>
          %max3A_364 = arith.maximumf %get3A_309, %get3A_316 : vector<16xf32>
          %max3A_365 = arith.maximumf %get3A_323, %get3A_330 : vector<16xf32>
          %max3A_366 = arith.maximumf %get3A_337, %get3A_344 : vector<16xf32>
          %max3A_367 = arith.maximumf %max3A, %max3A_360 : vector<16xf32>
          %max3A_368 = arith.maximumf %max3A_361, %max3A_362 : vector<16xf32>
          %max3A_369 = arith.maximumf %max3A_363, %max3A_364 : vector<16xf32>
          %max3A_370 = arith.maximumf %max3A_365, %max3A_366 : vector<16xf32>
          %max3A_371 = arith.maximumf %max3A_367, %max3A_368 : vector<16xf32>
          %max3A_372 = arith.maximumf %max3A_369, %max3A_370 : vector<16xf32>
          %max3A_373 = arith.maximumf %max3A_371, %max3A_372 : vector<16xf32>
          %get3A_374 = arith.constant 0 : i32
          %get3A_375 = arith.index_cast %get3A_374 : i32 to index
          %get3A_376 = arith.constant 0 : index
          %get3A_377 = tpu.vector_load %arg12[%get3A_375, %get3A_376] {strides = array<i32>} : memref<2x128xf32, #tpu.memory_space<vmem>>, vector<1x16xf32>,
          %get3A_378 = vector.shape_cast %get3A_377 : vector<1x16xf32> to vector<16xf32>
          %add3A_379 = arith.addf %get3A_378, %add3A_359 : vector<16xf32>
          %select_n3A = arith.select %ne3A, %add3A_359, %add3A_379 : vector<16xf32>
          %swap3A_380 = arith.constant 0 : i32
          %swap3A_381 = arith.index_cast %swap3A_380 : i32 to index
          %swap3A_382 = arith.constant 0 : index
          %swap3A_383 = tpu.vector_load %arg12[%swap3A_381, %swap3A_382] {strides = array<i32>} : memref<2x128xf32, #tpu.memory_space<vmem>>, vector<1x16xf32>,
          %swap3A_384 = vector.shape_cast %swap3A_383 : vector<1x16xf32> to vector<16xf32>
          %swap3A_385 = vector.shape_cast %select_n3A : vector<16xf32> to vector<1x16xf32>
          tpu.vector_store %arg12[%swap3A_381, %swap3A_382], %swap3A_385 {strides = array<i32>} : memref<2x128xf32, #tpu.memory_space<vmem>>, vector<1x16xf32>,
          %get3A_386 = arith.constant 1 : i32
          %get3A_387 = arith.index_cast %get3A_386 : i32 to index
          %get3A_388 = arith.constant 0 : index
          %get3A_389 = tpu.vector_load %arg12[%get3A_387, %get3A_388] {strides = array<i32>} : memref<2x128xf32, #tpu.memory_space<vmem>>, vector<1x16xf32>,
          %get3A_390 = vector.shape_cast %get3A_389 : vector<1x16xf32> to vector<16xf32>
          %max3A_391 = arith.maximumf %get3A_390, %max3A_373 : vector<16xf32>
          %select_n3A_392 = arith.select %ne3A, %max3A_373, %max3A_391 : vector<16xf32>
          %swap3A_393 = arith.constant 1 : i32
          %swap3A_394 = arith.index_cast %swap3A_393 : i32 to index
          %swap3A_395 = arith.constant 0 : index
          %swap3A_396 = tpu.vector_load %arg12[%swap3A_394, %swap3A_395] {strides = array<i32>} : memref<2x128xf32, #tpu.memory_space<vmem>>, vector<1x16xf32>,
          %swap3A_397 = vector.shape_cast %swap3A_396 : vector<1x16xf32> to vector<16xf32>
          %swap3A_398 = vector.shape_cast %select_n3A_392 : vector<16xf32> to vector<1x16xf32>
          tpu.vector_store %arg12[%swap3A_394, %swap3A_395], %swap3A_398 {strides = array<i32>} : memref<2x128xf32, #tpu.memory_space<vmem>>, vector<1x16xf32>,
          %add3A_399 = arith.constant 0 : i32
          %add3A_400 = arith.addi %mul3A_204, %add3A_399 : i32
          %get3A_401 = arith.index_cast %and3A_153 : i32 to index
          %get3A_402 = arith.index_cast %add3A_400 : i32 to index
          %get3A_403 = arith.constant 16 : index
          %get3A_404 = tpu.vector_load %arg8[%get3A_401, %get3A_402, %get3A_403] {strides = array<i32>} : memref<2x224x128xf32, #tpu.memory_space<vmem>>, vector<1x1x16xf32>,
          %get3A_405 = vector.shape_cast %get3A_404 : vector<1x1x16xf32> to vector<16xf32>
          %add3A_406 = arith.constant 1 : i32
          %add3A_407 = arith.addi %mul3A_204, %add3A_406 : i32
          %get3A_408 = arith.index_cast %and3A_153 : i32 to index
          %get3A_409 = arith.index_cast %add3A_407 : i32 to index
          %get3A_410 = arith.constant 16 : index
          %get3A_411 = tpu.vector_load %arg8[%get3A_408, %get3A_409, %get3A_410] {strides = array<i32>} : memref<2x224x128xf32, #tpu.memory_space<vmem>>, vector<1x1x16xf32>,
          %get3A_412 = vector.shape_cast %get3A_411 : vector<1x1x16xf32> to vector<16xf32>
          %add3A_413 = arith.constant 2 : i32
          %add3A_414 = arith.addi %mul3A_204, %add3A_413 : i32
          %get3A_415 = arith.index_cast %and3A_153 : i32 to index
          %get3A_416 = arith.index_cast %add3A_414 : i32 to index
          %get3A_417 = arith.constant 16 : index
          %get3A_418 = tpu.vector_load %arg8[%get3A_415, %get3A_416, %get3A_417] {strides = array<i32>} : memref<2x224x128xf32, #tpu.memory_space<vmem>>, vector<1x1x16xf32>,
          %get3A_419 = vector.shape_cast %get3A_418 : vector<1x1x16xf32> to vector<16xf32>
          %add3A_420 = arith.constant 3 : i32
          %add3A_421 = arith.addi %mul3A_204, %add3A_420 : i32
          %get3A_422 = arith.index_cast %and3A_153 : i32 to index
          %get3A_423 = arith.index_cast %add3A_421 : i32 to index
          %get3A_424 = arith.constant 16 : index
          %get3A_425 = tpu.vector_load %arg8[%get3A_422, %get3A_423, %get3A_424] {strides = array<i32>} : memref<2x224x128xf32, #tpu.memory_space<vmem>>, vector<1x1x16xf32>,
          %get3A_426 = vector.shape_cast %get3A_425 : vector<1x1x16xf32> to vector<16xf32>
          %add3A_427 = arith.constant 4 : i32
          %add3A_428 = arith.addi %mul3A_204, %add3A_427 : i32
          %get3A_429 = arith.index_cast %and3A_153 : i32 to index
          %get3A_430 = arith.index_cast %add3A_428 : i32 to index
          %get3A_431 = arith.constant 16 : index
          %get3A_432 = tpu.vector_load %arg8[%get3A_429, %get3A_430, %get3A_431] {strides = array<i32>} : memref<2x224x128xf32, #tpu.memory_space<vmem>>, vector<1x1x16xf32>,
          %get3A_433 = vector.shape_cast %get3A_432 : vector<1x1x16xf32> to vector<16xf32>
          %add3A_434 = arith.constant 5 : i32
          %add3A_435 = arith.addi %mul3A_204, %add3A_434 : i32
          %get3A_436 = arith.index_cast %and3A_153 : i32 to index
          %get3A_437 = arith.index_cast %add3A_435 : i32 to index
          %get3A_438 = arith.constant 16 : index
          %get3A_439 = tpu.vector_load %arg8[%get3A_436, %get3A_437, %get3A_438] {strides = array<i32>} : memref<2x224x128xf32, #tpu.memory_space<vmem>>, vector<1x1x16xf32>,
          %get3A_440 = vector.shape_cast %get3A_439 : vector<1x1x16xf32> to vector<16xf32>
          %add3A_441 = arith.constant 6 : i32
          %add3A_442 = arith.addi %mul3A_204, %add3A_441 : i32
          %get3A_443 = arith.index_cast %and3A_153 : i32 to index
          %get3A_444 = arith.index_cast %add3A_442 : i32 to index
          %get3A_445 = arith.constant 16 : index
          %get3A_446 = tpu.vector_load %arg8[%get3A_443, %get3A_444, %get3A_445] {strides = array<i32>} : memref<2x224x128xf32, #tpu.memory_space<vmem>>, vector<1x1x16xf32>,
          %get3A_447 = vector.shape_cast %get3A_446 : vector<1x1x16xf32> to vector<16xf32>
          %add3A_448 = arith.constant 7 : i32
          %add3A_449 = arith.addi %mul3A_204, %add3A_448 : i32
          %get3A_450 = arith.index_cast %and3A_153 : i32 to index
          %get3A_451 = arith.index_cast %add3A_449 : i32 to index
          %get3A_452 = arith.constant 16 : index
          %get3A_453 = tpu.vector_load %arg8[%get3A_450, %get3A_451, %get3A_452] {strides = array<i32>} : memref<2x224x128xf32, #tpu.memory_space<vmem>>, vector<1x1x16xf32>,
          %get3A_454 = vector.shape_cast %get3A_453 : vector<1x1x16xf32> to vector<16xf32>
          %add3A_455 = arith.constant 8 : i32
          %add3A_456 = arith.addi %mul3A_204, %add3A_455 : i32
          %get3A_457 = arith.index_cast %and3A_153 : i32 to index
          %get3A_458 = arith.index_cast %add3A_456 : i32 to index
          %get3A_459 = arith.constant 16 : index
          %get3A_460 = tpu.vector_load %arg8[%get3A_457, %get3A_458, %get3A_459] {strides = array<i32>} : memref<2x224x128xf32, #tpu.memory_space<vmem>>, vector<1x1x16xf32>,
          %get3A_461 = vector.shape_cast %get3A_460 : vector<1x1x16xf32> to vector<16xf32>
          %add3A_462 = arith.constant 9 : i32
          %add3A_463 = arith.addi %mul3A_204, %add3A_462 : i32
          %get3A_464 = arith.index_cast %and3A_153 : i32 to index
          %get3A_465 = arith.index_cast %add3A_463 : i32 to index
          %get3A_466 = arith.constant 16 : index
          %get3A_467 = tpu.vector_load %arg8[%get3A_464, %get3A_465, %get3A_466] {strides = array<i32>} : memref<2x224x128xf32, #tpu.memory_space<vmem>>, vector<1x1x16xf32>,
          %get3A_468 = vector.shape_cast %get3A_467 : vector<1x1x16xf32> to vector<16xf32>
          %add3A_469 = arith.constant 10 : i32
          %add3A_470 = arith.addi %mul3A_204, %add3A_469 : i32
          %get3A_471 = arith.index_cast %and3A_153 : i32 to index
          %get3A_472 = arith.index_cast %add3A_470 : i32 to index
          %get3A_473 = arith.constant 16 : index
          %get3A_474 = tpu.vector_load %arg8[%get3A_471, %get3A_472, %get3A_473] {strides = array<i32>} : memref<2x224x128xf32, #tpu.memory_space<vmem>>, vector<1x1x16xf32>,
          %get3A_475 = vector.shape_cast %get3A_474 : vector<1x1x16xf32> to vector<16xf32>
          %add3A_476 = arith.constant 11 : i32
          %add3A_477 = arith.addi %mul3A_204, %add3A_476 : i32
          %get3A_478 = arith.index_cast %and3A_153 : i32 to index
          %get3A_479 = arith.index_cast %add3A_477 : i32 to index
          %get3A_480 = arith.constant 16 : index
          %get3A_481 = tpu.vector_load %arg8[%get3A_478, %get3A_479, %get3A_480] {strides = array<i32>} : memref<2x224x128xf32, #tpu.memory_space<vmem>>, vector<1x1x16xf32>,
          %get3A_482 = vector.shape_cast %get3A_481 : vector<1x1x16xf32> to vector<16xf32>
          %add3A_483 = arith.constant 12 : i32
          %add3A_484 = arith.addi %mul3A_204, %add3A_483 : i32
          %get3A_485 = arith.index_cast %and3A_153 : i32 to index
          %get3A_486 = arith.index_cast %add3A_484 : i32 to index
          %get3A_487 = arith.constant 16 : index
          %get3A_488 = tpu.vector_load %arg8[%get3A_485, %get3A_486, %get3A_487] {strides = array<i32>} : memref<2x224x128xf32, #tpu.memory_space<vmem>>, vector<1x1x16xf32>,
          %get3A_489 = vector.shape_cast %get3A_488 : vector<1x1x16xf32> to vector<16xf32>
          %add3A_490 = arith.constant 13 : i32
          %add3A_491 = arith.addi %mul3A_204, %add3A_490 : i32
          %get3A_492 = arith.index_cast %and3A_153 : i32 to index
          %get3A_493 = arith.index_cast %add3A_491 : i32 to index
          %get3A_494 = arith.constant 16 : index
          %get3A_495 = tpu.vector_load %arg8[%get3A_492, %get3A_493, %get3A_494] {strides = array<i32>} : memref<2x224x128xf32, #tpu.memory_space<vmem>>, vector<1x1x16xf32>,
          %get3A_496 = vector.shape_cast %get3A_495 : vector<1x1x16xf32> to vector<16xf32>
          %add3A_497 = arith.constant 14 : i32
          %add3A_498 = arith.addi %mul3A_204, %add3A_497 : i32
          %get3A_499 = arith.index_cast %and3A_153 : i32 to index
          %get3A_500 = arith.index_cast %add3A_498 : i32 to index
          %get3A_501 = arith.constant 16 : index
          %get3A_502 = tpu.vector_load %arg8[%get3A_499, %get3A_500, %get3A_501] {strides = array<i32>} : memref<2x224x128xf32, #tpu.memory_space<vmem>>, vector<1x1x16xf32>,
          %get3A_503 = vector.shape_cast %get3A_502 : vector<1x1x16xf32> to vector<16xf32>
          %add3A_504 = arith.constant 15 : i32
          %add3A_505 = arith.addi %mul3A_204, %add3A_504 : i32
          %get3A_506 = arith.index_cast %and3A_153 : i32 to index
          %get3A_507 = arith.index_cast %add3A_505 : i32 to index
          %get3A_508 = arith.constant 16 : index
          %get3A_509 = tpu.vector_load %arg8[%get3A_506, %get3A_507, %get3A_508] {strides = array<i32>} : memref<2x224x128xf32, #tpu.memory_space<vmem>>, vector<1x1x16xf32>,
          %get3A_510 = vector.shape_cast %get3A_509 : vector<1x1x16xf32> to vector<16xf32>
          %add3A_511 = arith.addf %get3A_405, %get3A_412 : vector<16xf32>
          %add3A_512 = arith.addf %get3A_419, %get3A_426 : vector<16xf32>
          %add3A_513 = arith.addf %get3A_433, %get3A_440 : vector<16xf32>
          %add3A_514 = arith.addf %get3A_447, %get3A_454 : vector<16xf32>
          %add3A_515 = arith.addf %get3A_461, %get3A_468 : vector<16xf32>
          %add3A_516 = arith.addf %get3A_475, %get3A_482 : vector<16xf32>
          %add3A_517 = arith.addf %get3A_489, %get3A_496 : vector<16xf32>
          %add3A_518 = arith.addf %get3A_503, %get3A_510 : vector<16xf32>
          %add3A_519 = arith.addf %add3A_511, %add3A_512 : vector<16xf32>
          %add3A_520 = arith.addf %add3A_513, %add3A_514 : vector<16xf32>
          %add3A_521 = arith.addf %add3A_515, %add3A_516 : vector<16xf32>
          %add3A_522 = arith.addf %add3A_517, %add3A_518 : vector<16xf32>
          %add3A_523 = arith.addf %add3A_519, %add3A_520 : vector<16xf32>
          %add3A_524 = arith.addf %add3A_521, %add3A_522 : vector<16xf32>
          %add3A_525 = arith.addf %add3A_523, %add3A_524 : vector<16xf32>
          %max3A_526 = arith.maximumf %get3A_405, %get3A_412 : vector<16xf32>
          %max3A_527 = arith.maximumf %get3A_419, %get3A_426 : vector<16xf32>
          %max3A_528 = arith.maximumf %get3A_433, %get3A_440 : vector<16xf32>
          %max3A_529 = arith.maximumf %get3A_447, %get3A_454 : vector<16xf32>
          %max3A_530 = arith.maximumf %get3A_461, %get3A_468 : vector<16xf32>
          %max3A_531 = arith.maximumf %get3A_475, %get3A_482 : vector<16xf32>
          %max3A_532 = arith.maximumf %get3A_489, %get3A_496 : vector<16xf32>
          %max3A_533 = arith.maximumf %get3A_503, %get3A_510 : vector<16xf32>
          %max3A_534 = arith.maximumf %max3A_526, %max3A_527 : vector<16xf32>
          %max3A_535 = arith.maximumf %max3A_528, %max3A_529 : vector<16xf32>
          %max3A_536 = arith.maximumf %max3A_530, %max3A_531 : vector<16xf32>
          %max3A_537 = arith.maximumf %max3A_532, %max3A_533 : vector<16xf32>
          %max3A_538 = arith.maximumf %max3A_534, %max3A_535 : vector<16xf32>
          %max3A_539 = arith.maximumf %max3A_536, %max3A_537 : vector<16xf32>
          %max3A_540 = arith.maximumf %max3A_538, %max3A_539 : vector<16xf32>
          %get3A_541 = arith.constant 0 : i32
          %get3A_542 = arith.index_cast %get3A_541 : i32 to index
          %get3A_543 = arith.constant 16 : index
          %get3A_544 = tpu.vector_load %arg12[%get3A_542, %get3A_543] {strides = array<i32>} : memref<2x128xf32, #tpu.memory_space<vmem>>, vector<1x16xf32>,
          %get3A_545 = vector.shape_cast %get3A_544 : vector<1x16xf32> to vector<16xf32>
          %add3A_546 = arith.addf %get3A_545, %add3A_525 : vector<16xf32>
          %select_n3A_547 = arith.select %ne3A, %add3A_525, %add3A_546 : vector<16xf32>
          %swap3A_548 = arith.constant 0 : i32
          %swap3A_549 = arith.index_cast %swap3A_548 : i32 to index
          %swap3A_550 = arith.constant 16 : index
          %swap3A_551 = tpu.vector_load %arg12[%swap3A_549, %swap3A_550] {strides = array<i32>} : memref<2x128xf32, #tpu.memory_space<vmem>>, vector<1x16xf32>,
          %swap3A_552 = vector.shape_cast %swap3A_551 : vector<1x16xf32> to vector<16xf32>
          %swap3A_553 = vector.shape_cast %select_n3A_547 : vector<16xf32> to vector<1x16xf32>
          tpu.vector_store %arg12[%swap3A_549, %swap3A_550], %swap3A_553 {strides = array<i32>} : memref<2x128xf32, #tpu.memory_space<vmem>>, vector<1x16xf32>,
          %get3A_554 = arith.constant 1 : i32
          %get3A_555 = arith.index_cast %get3A_554 : i32 to index
          %get3A_556 = arith.constant 16 : index
          %get3A_557 = tpu.vector_load %arg12[%get3A_555, %get3A_556] {strides = array<i32>} : memref<2x128xf32, #tpu.memory_space<vmem>>, vector<1x16xf32>,
          %get3A_558 = vector.shape_cast %get3A_557 : vector<1x16xf32> to vector<16xf32>
          %max3A_559 = arith.maximumf %get3A_558, %max3A_540 : vector<16xf32>
          %select_n3A_560 = arith.select %ne3A, %max3A_540, %max3A_559 : vector<16xf32>
          %swap3A_561 = arith.constant 1 : i32
          %swap3A_562 = arith.index_cast %swap3A_561 : i32 to index
          %swap3A_563 = arith.constant 16 : index
          %swap3A_564 = tpu.vector_load %arg12[%swap3A_562, %swap3A_563] {strides = array<i32>} : memref<2x128xf32, #tpu.memory_space<vmem>>, vector<1x16xf32>,
          %swap3A_565 = vector.shape_cast %swap3A_564 : vector<1x16xf32> to vector<16xf32>
          %swap3A_566 = vector.shape_cast %select_n3A_560 : vector<16xf32> to vector<1x16xf32>
          tpu.vector_store %arg12[%swap3A_562, %swap3A_563], %swap3A_566 {strides = array<i32>} : memref<2x128xf32, #tpu.memory_space<vmem>>, vector<1x16xf32>,
          %add3A_567 = arith.constant 0 : i32
          %add3A_568 = arith.addi %mul3A_204, %add3A_567 : i32
          %get3A_569 = arith.index_cast %and3A_153 : i32 to index
          %get3A_570 = arith.index_cast %add3A_568 : i32 to index
          %get3A_571 = arith.constant 32 : index
          %get3A_572 = tpu.vector_load %arg8[%get3A_569, %get3A_570, %get3A_571] {strides = array<i32>} : memref<2x224x128xf32, #tpu.memory_space<vmem>>, vector<1x1x16xf32>,
          %get3A_573 = vector.shape_cast %get3A_572 : vector<1x1x16xf32> to vector<16xf32>
          %add3A_574 = arith.constant 1 : i32
          %add3A_575 = arith.addi %mul3A_204, %add3A_574 : i32
          %get3A_576 = arith.index_cast %and3A_153 : i32 to index
          %get3A_577 = arith.index_cast %add3A_575 : i32 to index
          %get3A_578 = arith.constant 32 : index
          %get3A_579 = tpu.vector_load %arg8[%get3A_576, %get3A_577, %get3A_578] {strides = array<i32>} : memref<2x224x128xf32, #tpu.memory_space<vmem>>, vector<1x1x16xf32>,
          %get3A_580 = vector.shape_cast %get3A_579 : vector<1x1x16xf32> to vector<16xf32>
          %add3A_581 = arith.constant 2 : i32
          %add3A_582 = arith.addi %mul3A_204, %add3A_581 : i32
          %get3A_583 = arith.index_cast %and3A_153 : i32 to index
          %get3A_584 = arith.index_cast %add3A_582 : i32 to index
          %get3A_585 = arith.constant 32 : index
          %get3A_586 = tpu.vector_load %arg8[%get3A_583, %get3A_584, %get3A_585] {strides = array<i32>} : memref<2x224x128xf32, #tpu.memory_space<vmem>>, vector<1x1x16xf32>,
          %get3A_587 = vector.shape_cast %get3A_586 : vector<1x1x16xf32> to vector<16xf32>
          %add3A_588 = arith.constant 3 : i32
          %add3A_589 = arith.addi %mul3A_204, %add3A_588 : i32
          %get3A_590 = arith.index_cast %and3A_153 : i32 to index
          %get3A_591 = arith.index_cast %add3A_589 : i32 to index
          %get3A_592 = arith.constant 32 : index
          %get3A_593 = tpu.vector_load %arg8[%get3A_590, %get3A_591, %get3A_592] {strides = array<i32>} : memref<2x224x128xf32, #tpu.memory_space<vmem>>, vector<1x1x16xf32>,
          %get3A_594 = vector.shape_cast %get3A_593 : vector<1x1x16xf32> to vector<16xf32>
          %add3A_595 = arith.constant 4 : i32
          %add3A_596 = arith.addi %mul3A_204, %add3A_595 : i32
          %get3A_597 = arith.index_cast %and3A_153 : i32 to index
          %get3A_598 = arith.index_cast %add3A_596 : i32 to index
          %get3A_599 = arith.constant 32 : index
          %get3A_600 = tpu.vector_load %arg8[%get3A_597, %get3A_598, %get3A_599] {strides = array<i32>} : memref<2x224x128xf32, #tpu.memory_space<vmem>>, vector<1x1x16xf32>,
          %get3A_601 = vector.shape_cast %get3A_600 : vector<1x1x16xf32> to vector<16xf32>
          %add3A_602 = arith.constant 5 : i32
          %add3A_603 = arith.addi %mul3A_204, %add3A_602 : i32
          %get3A_604 = arith.index_cast %and3A_153 : i32 to index
          %get3A_605 = arith.index_cast %add3A_603 : i32 to index
          %get3A_606 = arith.constant 32 : index
          %get3A_607 = tpu.vector_load %arg8[%get3A_604, %get3A_605, %get3A_606] {strides = array<i32>} : memref<2x224x128xf32, #tpu.memory_space<vmem>>, vector<1x1x16xf32>,
          %get3A_608 = vector.shape_cast %get3A_607 : vector<1x1x16xf32> to vector<16xf32>
          %add3A_609 = arith.constant 6 : i32
          %add3A_610 = arith.addi %mul3A_204, %add3A_609 : i32
          %get3A_611 = arith.index_cast %and3A_153 : i32 to index
          %get3A_612 = arith.index_cast %add3A_610 : i32 to index
          %get3A_613 = arith.constant 32 : index
          %get3A_614 = tpu.vector_load %arg8[%get3A_611, %get3A_612, %get3A_613] {strides = array<i32>} : memref<2x224x128xf32, #tpu.memory_space<vmem>>, vector<1x1x16xf32>,
          %get3A_615 = vector.shape_cast %get3A_614 : vector<1x1x16xf32> to vector<16xf32>
          %add3A_616 = arith.constant 7 : i32
          %add3A_617 = arith.addi %mul3A_204, %add3A_616 : i32
          %get3A_618 = arith.index_cast %and3A_153 : i32 to index
          %get3A_619 = arith.index_cast %add3A_617 : i32 to index
          %get3A_620 = arith.constant 32 : index
          %get3A_621 = tpu.vector_load %arg8[%get3A_618, %get3A_619, %get3A_620] {strides = array<i32>} : memref<2x224x128xf32, #tpu.memory_space<vmem>>, vector<1x1x16xf32>,
          %get3A_622 = vector.shape_cast %get3A_621 : vector<1x1x16xf32> to vector<16xf32>
          %add3A_623 = arith.constant 8 : i32
          %add3A_624 = arith.addi %mul3A_204, %add3A_623 : i32
          %get3A_625 = arith.index_cast %and3A_153 : i32 to index
          %get3A_626 = arith.index_cast %add3A_624 : i32 to index
          %get3A_627 = arith.constant 32 : index
          %get3A_628 = tpu.vector_load %arg8[%get3A_625, %get3A_626, %get3A_627] {strides = array<i32>} : memref<2x224x128xf32, #tpu.memory_space<vmem>>, vector<1x1x16xf32>,
          %get3A_629 = vector.shape_cast %get3A_628 : vector<1x1x16xf32> to vector<16xf32>
          %add3A_630 = arith.constant 9 : i32
          %add3A_631 = arith.addi %mul3A_204, %add3A_630 : i32
          %get3A_632 = arith.index_cast %and3A_153 : i32 to index
          %get3A_633 = arith.index_cast %add3A_631 : i32 to index
          %get3A_634 = arith.constant 32 : index
          %get3A_635 = tpu.vector_load %arg8[%get3A_632, %get3A_633, %get3A_634] {strides = array<i32>} : memref<2x224x128xf32, #tpu.memory_space<vmem>>, vector<1x1x16xf32>,
          %get3A_636 = vector.shape_cast %get3A_635 : vector<1x1x16xf32> to vector<16xf32>
          %add3A_637 = arith.constant 10 : i32
          %add3A_638 = arith.addi %mul3A_204, %add3A_637 : i32
          %get3A_639 = arith.index_cast %and3A_153 : i32 to index
          %get3A_640 = arith.index_cast %add3A_638 : i32 to index
          %get3A_641 = arith.constant 32 : index
          %get3A_642 = tpu.vector_load %arg8[%get3A_639, %get3A_640, %get3A_641] {strides = array<i32>} : memref<2x224x128xf32, #tpu.memory_space<vmem>>, vector<1x1x16xf32>,
          %get3A_643 = vector.shape_cast %get3A_642 : vector<1x1x16xf32> to vector<16xf32>
          %add3A_644 = arith.constant 11 : i32
          %add3A_645 = arith.addi %mul3A_204, %add3A_644 : i32
          %get3A_646 = arith.index_cast %and3A_153 : i32 to index
          %get3A_647 = arith.index_cast %add3A_645 : i32 to index
          %get3A_648 = arith.constant 32 : index
          %get3A_649 = tpu.vector_load %arg8[%get3A_646, %get3A_647, %get3A_648] {strides = array<i32>} : memref<2x224x128xf32, #tpu.memory_space<vmem>>, vector<1x1x16xf32>,
          %get3A_650 = vector.shape_cast %get3A_649 : vector<1x1x16xf32> to vector<16xf32>
          %add3A_651 = arith.constant 12 : i32
          %add3A_652 = arith.addi %mul3A_204, %add3A_651 : i32
          %get3A_653 = arith.index_cast %and3A_153 : i32 to index
          %get3A_654 = arith.index_cast %add3A_652 : i32 to index
          %get3A_655 = arith.constant 32 : index
          %get3A_656 = tpu.vector_load %arg8[%get3A_653, %get3A_654, %get3A_655] {strides = array<i32>} : memref<2x224x128xf32, #tpu.memory_space<vmem>>, vector<1x1x16xf32>,
          %get3A_657 = vector.shape_cast %get3A_656 : vector<1x1x16xf32> to vector<16xf32>
          %add3A_658 = arith.constant 13 : i32
          %add3A_659 = arith.addi %mul3A_204, %add3A_658 : i32
          %get3A_660 = arith.index_cast %and3A_153 : i32 to index
          %get3A_661 = arith.index_cast %add3A_659 : i32 to index
          %get3A_662 = arith.constant 32 : index
          %get3A_663 = tpu.vector_load %arg8[%get3A_660, %get3A_661, %get3A_662] {strides = array<i32>} : memref<2x224x128xf32, #tpu.memory_space<vmem>>, vector<1x1x16xf32>,
          %get3A_664 = vector.shape_cast %get3A_663 : vector<1x1x16xf32> to vector<16xf32>
          %add3A_665 = arith.constant 14 : i32
          %add3A_666 = arith.addi %mul3A_204, %add3A_665 : i32
          %get3A_667 = arith.index_cast %and3A_153 : i32 to index
          %get3A_668 = arith.index_cast %add3A_666 : i32 to index
          %get3A_669 = arith.constant 32 : index
          %get3A_670 = tpu.vector_load %arg8[%get3A_667, %get3A_668, %get3A_669] {strides = array<i32>} : memref<2x224x128xf32, #tpu.memory_space<vmem>>, vector<1x1x16xf32>,
          %get3A_671 = vector.shape_cast %get3A_670 : vector<1x1x16xf32> to vector<16xf32>
          %add3A_672 = arith.constant 15 : i32
          %add3A_673 = arith.addi %mul3A_204, %add3A_672 : i32
          %get3A_674 = arith.index_cast %and3A_153 : i32 to index
          %get3A_675 = arith.index_cast %add3A_673 : i32 to index
          %get3A_676 = arith.constant 32 : index
          %get3A_677 = tpu.vector_load %arg8[%get3A_674, %get3A_675, %get3A_676] {strides = array<i32>} : memref<2x224x128xf32, #tpu.memory_space<vmem>>, vector<1x1x16xf32>,
          %get3A_678 = vector.shape_cast %get3A_677 : vector<1x1x16xf32> to vector<16xf32>
          %add3A_679 = arith.addf %get3A_573, %get3A_580 : vector<16xf32>
          %add3A_680 = arith.addf %get3A_587, %get3A_594 : vector<16xf32>
          %add3A_681 = arith.addf %get3A_601, %get3A_608 : vector<16xf32>
          %add3A_682 = arith.addf %get3A_615, %get3A_622 : vector<16xf32>
          %add3A_683 = arith.addf %get3A_629, %get3A_636 : vector<16xf32>
          %add3A_684 = arith.addf %get3A_643, %get3A_650 : vector<16xf32>
          %add3A_685 = arith.addf %get3A_657, %get3A_664 : vector<16xf32>
          %add3A_686 = arith.addf %get3A_671, %get3A_678 : vector<16xf32>
          %add3A_687 = arith.addf %add3A_679, %add3A_680 : vector<16xf32>
          %add3A_688 = arith.addf %add3A_681, %add3A_682 : vector<16xf32>
          %add3A_689 = arith.addf %add3A_683, %add3A_684 : vector<16xf32>
          %add3A_690 = arith.addf %add3A_685, %add3A_686 : vector<16xf32>
          %add3A_691 = arith.addf %add3A_687, %add3A_688 : vector<16xf32>
          %add3A_692 = arith.addf %add3A_689, %add3A_690 : vector<16xf32>
          %add3A_693 = arith.addf %add3A_691, %add3A_692 : vector<16xf32>
          %max3A_694 = arith.maximumf %get3A_573, %get3A_580 : vector<16xf32>
          %max3A_695 = arith.maximumf %get3A_587, %get3A_594 : vector<16xf32>
          %max3A_696 = arith.maximumf %get3A_601, %get3A_608 : vector<16xf32>
          %max3A_697 = arith.maximumf %get3A_615, %get3A_622 : vector<16xf32>
          %max3A_698 = arith.maximumf %get3A_629, %get3A_636 : vector<16xf32>
          %max3A_699 = arith.maximumf %get3A_643, %get3A_650 : vector<16xf32>
          %max3A_700 = arith.maximumf %get3A_657, %get3A_664 : vector<16xf32>
          %max3A_701 = arith.maximumf %get3A_671, %get3A_678 : vector<16xf32>
          %max3A_702 = arith.maximumf %max3A_694, %max3A_695 : vector<16xf32>
          %max3A_703 = arith.maximumf %max3A_696, %max3A_697 : vector<16xf32>
          %max3A_704 = arith.maximumf %max3A_698, %max3A_699 : vector<16xf32>
          %max3A_705 = arith.maximumf %max3A_700, %max3A_701 : vector<16xf32>
          %max3A_706 = arith.maximumf %max3A_702, %max3A_703 : vector<16xf32>
          %max3A_707 = arith.maximumf %max3A_704, %max3A_705 : vector<16xf32>
          %max3A_708 = arith.maximumf %max3A_706, %max3A_707 : vector<16xf32>
          %get3A_709 = arith.constant 0 : i32
          %get3A_710 = arith.index_cast %get3A_709 : i32 to index
          %get3A_711 = arith.constant 32 : index
          %get3A_712 = tpu.vector_load %arg12[%get3A_710, %get3A_711] {strides = array<i32>} : memref<2x128xf32, #tpu.memory_space<vmem>>, vector<1x16xf32>,
          %get3A_713 = vector.shape_cast %get3A_712 : vector<1x16xf32> to vector<16xf32>
          %add3A_714 = arith.addf %get3A_713, %add3A_693 : vector<16xf32>
          %select_n3A_715 = arith.select %ne3A, %add3A_693, %add3A_714 : vector<16xf32>
          %swap3A_716 = arith.constant 0 : i32
          %swap3A_717 = arith.index_cast %swap3A_716 : i32 to index
          %swap3A_718 = arith.constant 32 : index
          %swap3A_719 = tpu.vector_load %arg12[%swap3A_717, %swap3A_718] {strides = array<i32>} : memref<2x128xf32, #tpu.memory_space<vmem>>, vector<1x16xf32>,
          %swap3A_720 = vector.shape_cast %swap3A_719 : vector<1x16xf32> to vector<16xf32>
          %swap3A_721 = vector.shape_cast %select_n3A_715 : vector<16xf32> to vector<1x16xf32>
          tpu.vector_store %arg12[%swap3A_717, %swap3A_718], %swap3A_721 {strides = array<i32>} : memref<2x128xf32, #tpu.memory_space<vmem>>, vector<1x16xf32>,
          %get3A_722 = arith.constant 1 : i32
          %get3A_723 = arith.index_cast %get3A_722 : i32 to index
          %get3A_724 = arith.constant 32 : index
          %get3A_725 = tpu.vector_load %arg12[%get3A_723, %get3A_724] {strides = array<i32>} : memref<2x128xf32, #tpu.memory_space<vmem>>, vector<1x16xf32>,
          %get3A_726 = vector.shape_cast %get3A_725 : vector<1x16xf32> to vector<16xf32>
          %max3A_727 = arith.maximumf %get3A_726, %max3A_708 : vector<16xf32>
          %select_n3A_728 = arith.select %ne3A, %max3A_708, %max3A_727 : vector<16xf32>
          %swap3A_729 = arith.constant 1 : i32
          %swap3A_730 = arith.index_cast %swap3A_729 : i32 to index
          %swap3A_731 = arith.constant 32 : index
          %swap3A_732 = tpu.vector_load %arg12[%swap3A_730, %swap3A_731] {strides = array<i32>} : memref<2x128xf32, #tpu.memory_space<vmem>>, vector<1x16xf32>,
          %swap3A_733 = vector.shape_cast %swap3A_732 : vector<1x16xf32> to vector<16xf32>
          %swap3A_734 = vector.shape_cast %select_n3A_728 : vector<16xf32> to vector<1x16xf32>
          tpu.vector_store %arg12[%swap3A_730, %swap3A_731], %swap3A_734 {strides = array<i32>} : memref<2x128xf32, #tpu.memory_space<vmem>>, vector<1x16xf32>,
          %add3A_735 = arith.constant 0 : i32
          %add3A_736 = arith.addi %mul3A_204, %add3A_735 : i32
          %get3A_737 = arith.index_cast %and3A_153 : i32 to index
          %get3A_738 = arith.index_cast %add3A_736 : i32 to index
          %get3A_739 = arith.constant 48 : index
          %get3A_740 = tpu.vector_load %arg8[%get3A_737, %get3A_738, %get3A_739] {strides = array<i32>} : memref<2x224x128xf32, #tpu.memory_space<vmem>>, vector<1x1x16xf32>,
          %get3A_741 = vector.shape_cast %get3A_740 : vector<1x1x16xf32> to vector<16xf32>
          %add3A_742 = arith.constant 1 : i32
          %add3A_743 = arith.addi %mul3A_204, %add3A_742 : i32
          %get3A_744 = arith.index_cast %and3A_153 : i32 to index
          %get3A_745 = arith.index_cast %add3A_743 : i32 to index
          %get3A_746 = arith.constant 48 : index
          %get3A_747 = tpu.vector_load %arg8[%get3A_744, %get3A_745, %get3A_746] {strides = array<i32>} : memref<2x224x128xf32, #tpu.memory_space<vmem>>, vector<1x1x16xf32>,
          %get3A_748 = vector.shape_cast %get3A_747 : vector<1x1x16xf32> to vector<16xf32>
          %add3A_749 = arith.constant 2 : i32
          %add3A_750 = arith.addi %mul3A_204, %add3A_749 : i32
          %get3A_751 = arith.index_cast %and3A_153 : i32 to index
          %get3A_752 = arith.index_cast %add3A_750 : i32 to index
          %get3A_753 = arith.constant 48 : index
          %get3A_754 = tpu.vector_load %arg8[%get3A_751, %get3A_752, %get3A_753] {strides = array<i32>} : memref<2x224x128xf32, #tpu.memory_space<vmem>>, vector<1x1x16xf32>,
          %get3A_755 = vector.shape_cast %get3A_754 : vector<1x1x16xf32> to vector<16xf32>
          %add3A_756 = arith.constant 3 : i32
          %add3A_757 = arith.addi %mul3A_204, %add3A_756 : i32
          %get3A_758 = arith.index_cast %and3A_153 : i32 to index
          %get3A_759 = arith.index_cast %add3A_757 : i32 to index
          %get3A_760 = arith.constant 48 : index
          %get3A_761 = tpu.vector_load %arg8[%get3A_758, %get3A_759, %get3A_760] {strides = array<i32>} : memref<2x224x128xf32, #tpu.memory_space<vmem>>, vector<1x1x16xf32>,
          %get3A_762 = vector.shape_cast %get3A_761 : vector<1x1x16xf32> to vector<16xf32>
          %add3A_763 = arith.constant 4 : i32
          %add3A_764 = arith.addi %mul3A_204, %add3A_763 : i32
          %get3A_765 = arith.index_cast %and3A_153 : i32 to index
          %get3A_766 = arith.index_cast %add3A_764 : i32 to index
          %get3A_767 = arith.constant 48 : index
          %get3A_768 = tpu.vector_load %arg8[%get3A_765, %get3A_766, %get3A_767] {strides = array<i32>} : memref<2x224x128xf32, #tpu.memory_space<vmem>>, vector<1x1x16xf32>,
          %get3A_769 = vector.shape_cast %get3A_768 : vector<1x1x16xf32> to vector<16xf32>
          %add3A_770 = arith.constant 5 : i32
          %add3A_771 = arith.addi %mul3A_204, %add3A_770 : i32
          %get3A_772 = arith.index_cast %and3A_153 : i32 to index
          %get3A_773 = arith.index_cast %add3A_771 : i32 to index
          %get3A_774 = arith.constant 48 : index
          %get3A_775 = tpu.vector_load %arg8[%get3A_772, %get3A_773, %get3A_774] {strides = array<i32>} : memref<2x224x128xf32, #tpu.memory_space<vmem>>, vector<1x1x16xf32>,
          %get3A_776 = vector.shape_cast %get3A_775 : vector<1x1x16xf32> to vector<16xf32>
          %add3A_777 = arith.constant 6 : i32
          %add3A_778 = arith.addi %mul3A_204, %add3A_777 : i32
          %get3A_779 = arith.index_cast %and3A_153 : i32 to index
          %get3A_780 = arith.index_cast %add3A_778 : i32 to index
          %get3A_781 = arith.constant 48 : index
          %get3A_782 = tpu.vector_load %arg8[%get3A_779, %get3A_780, %get3A_781] {strides = array<i32>} : memref<2x224x128xf32, #tpu.memory_space<vmem>>, vector<1x1x16xf32>,
          %get3A_783 = vector.shape_cast %get3A_782 : vector<1x1x16xf32> to vector<16xf32>
          %add3A_784 = arith.constant 7 : i32
          %add3A_785 = arith.addi %mul3A_204, %add3A_784 : i32
          %get3A_786 = arith.index_cast %and3A_153 : i32 to index
          %get3A_787 = arith.index_cast %add3A_785 : i32 to index
          %get3A_788 = arith.constant 48 : index
          %get3A_789 = tpu.vector_load %arg8[%get3A_786, %get3A_787, %get3A_788] {strides = array<i32>} : memref<2x224x128xf32, #tpu.memory_space<vmem>>, vector<1x1x16xf32>,
          %get3A_790 = vector.shape_cast %get3A_789 : vector<1x1x16xf32> to vector<16xf32>
          %add3A_791 = arith.constant 8 : i32
          %add3A_792 = arith.addi %mul3A_204, %add3A_791 : i32
          %get3A_793 = arith.index_cast %and3A_153 : i32 to index
          %get3A_794 = arith.index_cast %add3A_792 : i32 to index
          %get3A_795 = arith.constant 48 : index
          %get3A_796 = tpu.vector_load %arg8[%get3A_793, %get3A_794, %get3A_795] {strides = array<i32>} : memref<2x224x128xf32, #tpu.memory_space<vmem>>, vector<1x1x16xf32>,
          %get3A_797 = vector.shape_cast %get3A_796 : vector<1x1x16xf32> to vector<16xf32>
          %add3A_798 = arith.constant 9 : i32
          %add3A_799 = arith.addi %mul3A_204, %add3A_798 : i32
          %get3A_800 = arith.index_cast %and3A_153 : i32 to index
          %get3A_801 = arith.index_cast %add3A_799 : i32 to index
          %get3A_802 = arith.constant 48 : index
          %get3A_803 = tpu.vector_load %arg8[%get3A_800, %get3A_801, %get3A_802] {strides = array<i32>} : memref<2x224x128xf32, #tpu.memory_space<vmem>>, vector<1x1x16xf32>,
          %get3A_804 = vector.shape_cast %get3A_803 : vector<1x1x16xf32> to vector<16xf32>
          %add3A_805 = arith.constant 10 : i32
          %add3A_806 = arith.addi %mul3A_204, %add3A_805 : i32
          %get3A_807 = arith.index_cast %and3A_153 : i32 to index
          %get3A_808 = arith.index_cast %add3A_806 : i32 to index
          %get3A_809 = arith.constant 48 : index
          %get3A_810 = tpu.vector_load %arg8[%get3A_807, %get3A_808, %get3A_809] {strides = array<i32>} : memref<2x224x128xf32, #tpu.memory_space<vmem>>, vector<1x1x16xf32>,
          %get3A_811 = vector.shape_cast %get3A_810 : vector<1x1x16xf32> to vector<16xf32>
          %add3A_812 = arith.constant 11 : i32
          %add3A_813 = arith.addi %mul3A_204, %add3A_812 : i32
          %get3A_814 = arith.index_cast %and3A_153 : i32 to index
          %get3A_815 = arith.index_cast %add3A_813 : i32 to index
          %get3A_816 = arith.constant 48 : index
          %get3A_817 = tpu.vector_load %arg8[%get3A_814, %get3A_815, %get3A_816] {strides = array<i32>} : memref<2x224x128xf32, #tpu.memory_space<vmem>>, vector<1x1x16xf32>,
          %get3A_818 = vector.shape_cast %get3A_817 : vector<1x1x16xf32> to vector<16xf32>
          %add3A_819 = arith.constant 12 : i32
          %add3A_820 = arith.addi %mul3A_204, %add3A_819 : i32
          %get3A_821 = arith.index_cast %and3A_153 : i32 to index
          %get3A_822 = arith.index_cast %add3A_820 : i32 to index
          %get3A_823 = arith.constant 48 : index
          %get3A_824 = tpu.vector_load %arg8[%get3A_821, %get3A_822, %get3A_823] {strides = array<i32>} : memref<2x224x128xf32, #tpu.memory_space<vmem>>, vector<1x1x16xf32>,
          %get3A_825 = vector.shape_cast %get3A_824 : vector<1x1x16xf32> to vector<16xf32>
          %add3A_826 = arith.constant 13 : i32
          %add3A_827 = arith.addi %mul3A_204, %add3A_826 : i32
          %get3A_828 = arith.index_cast %and3A_153 : i32 to index
          %get3A_829 = arith.index_cast %add3A_827 : i32 to index
          %get3A_830 = arith.constant 48 : index
          %get3A_831 = tpu.vector_load %arg8[%get3A_828, %get3A_829, %get3A_830] {strides = array<i32>} : memref<2x224x128xf32, #tpu.memory_space<vmem>>, vector<1x1x16xf32>,
          %get3A_832 = vector.shape_cast %get3A_831 : vector<1x1x16xf32> to vector<16xf32>
          %add3A_833 = arith.constant 14 : i32
          %add3A_834 = arith.addi %mul3A_204, %add3A_833 : i32
          %get3A_835 = arith.index_cast %and3A_153 : i32 to index
          %get3A_836 = arith.index_cast %add3A_834 : i32 to index
          %get3A_837 = arith.constant 48 : index
          %get3A_838 = tpu.vector_load %arg8[%get3A_835, %get3A_836, %get3A_837] {strides = array<i32>} : memref<2x224x128xf32, #tpu.memory_space<vmem>>, vector<1x1x16xf32>,
          %get3A_839 = vector.shape_cast %get3A_838 : vector<1x1x16xf32> to vector<16xf32>
          %add3A_840 = arith.constant 15 : i32
          %add3A_841 = arith.addi %mul3A_204, %add3A_840 : i32
          %get3A_842 = arith.index_cast %and3A_153 : i32 to index
          %get3A_843 = arith.index_cast %add3A_841 : i32 to index
          %get3A_844 = arith.constant 48 : index
          %get3A_845 = tpu.vector_load %arg8[%get3A_842, %get3A_843, %get3A_844] {strides = array<i32>} : memref<2x224x128xf32, #tpu.memory_space<vmem>>, vector<1x1x16xf32>,
          %get3A_846 = vector.shape_cast %get3A_845 : vector<1x1x16xf32> to vector<16xf32>
          %add3A_847 = arith.addf %get3A_741, %get3A_748 : vector<16xf32>
          %add3A_848 = arith.addf %get3A_755, %get3A_762 : vector<16xf32>
          %add3A_849 = arith.addf %get3A_769, %get3A_776 : vector<16xf32>
          %add3A_850 = arith.addf %get3A_783, %get3A_790 : vector<16xf32>
          %add3A_851 = arith.addf %get3A_797, %get3A_804 : vector<16xf32>
          %add3A_852 = arith.addf %get3A_811, %get3A_818 : vector<16xf32>
          %add3A_853 = arith.addf %get3A_825, %get3A_832 : vector<16xf32>
          %add3A_854 = arith.addf %get3A_839, %get3A_846 : vector<16xf32>
          %add3A_855 = arith.addf %add3A_847, %add3A_848 : vector<16xf32>
          %add3A_856 = arith.addf %add3A_849, %add3A_850 : vector<16xf32>
          %add3A_857 = arith.addf %add3A_851, %add3A_852 : vector<16xf32>
          %add3A_858 = arith.addf %add3A_853, %add3A_854 : vector<16xf32>
          %add3A_859 = arith.addf %add3A_855, %add3A_856 : vector<16xf32>
          %add3A_860 = arith.addf %add3A_857, %add3A_858 : vector<16xf32>
          %add3A_861 = arith.addf %add3A_859, %add3A_860 : vector<16xf32>
          %max3A_862 = arith.maximumf %get3A_741, %get3A_748 : vector<16xf32>
          %max3A_863 = arith.maximumf %get3A_755, %get3A_762 : vector<16xf32>
          %max3A_864 = arith.maximumf %get3A_769, %get3A_776 : vector<16xf32>
          %max3A_865 = arith.maximumf %get3A_783, %get3A_790 : vector<16xf32>
          %max3A_866 = arith.maximumf %get3A_797, %get3A_804 : vector<16xf32>
          %max3A_867 = arith.maximumf %get3A_811, %get3A_818 : vector<16xf32>
          %max3A_868 = arith.maximumf %get3A_825, %get3A_832 : vector<16xf32>
          %max3A_869 = arith.maximumf %get3A_839, %get3A_846 : vector<16xf32>
          %max3A_870 = arith.maximumf %max3A_862, %max3A_863 : vector<16xf32>
          %max3A_871 = arith.maximumf %max3A_864, %max3A_865 : vector<16xf32>
          %max3A_872 = arith.maximumf %max3A_866, %max3A_867 : vector<16xf32>
          %max3A_873 = arith.maximumf %max3A_868, %max3A_869 : vector<16xf32>
          %max3A_874 = arith.maximumf %max3A_870, %max3A_871 : vector<16xf32>
          %max3A_875 = arith.maximumf %max3A_872, %max3A_873 : vector<16xf32>
          %max3A_876 = arith.maximumf %max3A_874, %max3A_875 : vector<16xf32>
          %get3A_877 = arith.constant 0 : i32
          %get3A_878 = arith.index_cast %get3A_877 : i32 to index
          %get3A_879 = arith.constant 48 : index
          %get3A_880 = tpu.vector_load %arg12[%get3A_878, %get3A_879] {strides = array<i32>} : memref<2x128xf32, #tpu.memory_space<vmem>>, vector<1x16xf32>,
          %get3A_881 = vector.shape_cast %get3A_880 : vector<1x16xf32> to vector<16xf32>
          %add3A_882 = arith.addf %get3A_881, %add3A_861 : vector<16xf32>
          %select_n3A_883 = arith.select %ne3A, %add3A_861, %add3A_882 : vector<16xf32>
          %swap3A_884 = arith.constant 0 : i32
          %swap3A_885 = arith.index_cast %swap3A_884 : i32 to index
          %swap3A_886 = arith.constant 48 : index
          %swap3A_887 = tpu.vector_load %arg12[%swap3A_885, %swap3A_886] {strides = array<i32>} : memref<2x128xf32, #tpu.memory_space<vmem>>, vector<1x16xf32>,
          %swap3A_888 = vector.shape_cast %swap3A_887 : vector<1x16xf32> to vector<16xf32>
          %swap3A_889 = vector.shape_cast %select_n3A_883 : vector<16xf32> to vector<1x16xf32>
          tpu.vector_store %arg12[%swap3A_885, %swap3A_886], %swap3A_889 {strides = array<i32>} : memref<2x128xf32, #tpu.memory_space<vmem>>, vector<1x16xf32>,
          %get3A_890 = arith.constant 1 : i32
          %get3A_891 = arith.index_cast %get3A_890 : i32 to index
          %get3A_892 = arith.constant 48 : index
          %get3A_893 = tpu.vector_load %arg12[%get3A_891, %get3A_892] {strides = array<i32>} : memref<2x128xf32, #tpu.memory_space<vmem>>, vector<1x16xf32>,
          %get3A_894 = vector.shape_cast %get3A_893 : vector<1x16xf32> to vector<16xf32>
          %max3A_895 = arith.maximumf %get3A_894, %max3A_876 : vector<16xf32>
          %select_n3A_896 = arith.select %ne3A, %max3A_876, %max3A_895 : vector<16xf32>
          %swap3A_897 = arith.constant 1 : i32
          %swap3A_898 = arith.index_cast %swap3A_897 : i32 to index
          %swap3A_899 = arith.constant 48 : index
          %swap3A_900 = tpu.vector_load %arg12[%swap3A_898, %swap3A_899] {strides = array<i32>} : memref<2x128xf32, #tpu.memory_space<vmem>>, vector<1x16xf32>,
          %swap3A_901 = vector.shape_cast %swap3A_900 : vector<1x16xf32> to vector<16xf32>
          %swap3A_902 = vector.shape_cast %select_n3A_896 : vector<16xf32> to vector<1x16xf32>
          tpu.vector_store %arg12[%swap3A_898, %swap3A_899], %swap3A_902 {strides = array<i32>} : memref<2x128xf32, #tpu.memory_space<vmem>>, vector<1x16xf32>,
          %add3A_903 = arith.constant 0 : i32
          %add3A_904 = arith.addi %mul3A_204, %add3A_903 : i32
          %get3A_905 = arith.index_cast %and3A_153 : i32 to index
          %get3A_906 = arith.index_cast %add3A_904 : i32 to index
          %get3A_907 = arith.constant 64 : index
          %get3A_908 = tpu.vector_load %arg8[%get3A_905, %get3A_906, %get3A_907] {strides = array<i32>} : memref<2x224x128xf32, #tpu.memory_space<vmem>>, vector<1x1x16xf32>,
          %get3A_909 = vector.shape_cast %get3A_908 : vector<1x1x16xf32> to vector<16xf32>
          %add3A_910 = arith.constant 1 : i32
          %add3A_911 = arith.addi %mul3A_204, %add3A_910 : i32
          %get3A_912 = arith.index_cast %and3A_153 : i32 to index
          %get3A_913 = arith.index_cast %add3A_911 : i32 to index
          %get3A_914 = arith.constant 64 : index
          %get3A_915 = tpu.vector_load %arg8[%get3A_912, %get3A_913, %get3A_914] {strides = array<i32>} : memref<2x224x128xf32, #tpu.memory_space<vmem>>, vector<1x1x16xf32>,
          %get3A_916 = vector.shape_cast %get3A_915 : vector<1x1x16xf32> to vector<16xf32>
          %add3A_917 = arith.constant 2 : i32
          %add3A_918 = arith.addi %mul3A_204, %add3A_917 : i32
          %get3A_919 = arith.index_cast %and3A_153 : i32 to index
          %get3A_920 = arith.index_cast %add3A_918 : i32 to index
          %get3A_921 = arith.constant 64 : index
          %get3A_922 = tpu.vector_load %arg8[%get3A_919, %get3A_920, %get3A_921] {strides = array<i32>} : memref<2x224x128xf32, #tpu.memory_space<vmem>>, vector<1x1x16xf32>,
          %get3A_923 = vector.shape_cast %get3A_922 : vector<1x1x16xf32> to vector<16xf32>
          %add3A_924 = arith.constant 3 : i32
          %add3A_925 = arith.addi %mul3A_204, %add3A_924 : i32
          %get3A_926 = arith.index_cast %and3A_153 : i32 to index
          %get3A_927 = arith.index_cast %add3A_925 : i32 to index
          %get3A_928 = arith.constant 64 : index
          %get3A_929 = tpu.vector_load %arg8[%get3A_926, %get3A_927, %get3A_928] {strides = array<i32>} : memref<2x224x128xf32, #tpu.memory_space<vmem>>, vector<1x1x16xf32>,
          %get3A_930 = vector.shape_cast %get3A_929 : vector<1x1x16xf32> to vector<16xf32>
          %add3A_931 = arith.constant 4 : i32
          %add3A_932 = arith.addi %mul3A_204, %add3A_931 : i32
          %get3A_933 = arith.index_cast %and3A_153 : i32 to index
          %get3A_934 = arith.index_cast %add3A_932 : i32 to index
          %get3A_935 = arith.constant 64 : index
          %get3A_936 = tpu.vector_load %arg8[%get3A_933, %get3A_934, %get3A_935] {strides = array<i32>} : memref<2x224x128xf32, #tpu.memory_space<vmem>>, vector<1x1x16xf32>,
          %get3A_937 = vector.shape_cast %get3A_936 : vector<1x1x16xf32> to vector<16xf32>
          %add3A_938 = arith.constant 5 : i32
          %add3A_939 = arith.addi %mul3A_204, %add3A_938 : i32
          %get3A_940 = arith.index_cast %and3A_153 : i32 to index
          %get3A_941 = arith.index_cast %add3A_939 : i32 to index
          %get3A_942 = arith.constant 64 : index
          %get3A_943 = tpu.vector_load %arg8[%get3A_940, %get3A_941, %get3A_942] {strides = array<i32>} : memref<2x224x128xf32, #tpu.memory_space<vmem>>, vector<1x1x16xf32>,
          %get3A_944 = vector.shape_cast %get3A_943 : vector<1x1x16xf32> to vector<16xf32>
          %add3A_945 = arith.constant 6 : i32
          %add3A_946 = arith.addi %mul3A_204, %add3A_945 : i32
          %get3A_947 = arith.index_cast %and3A_153 : i32 to index
          %get3A_948 = arith.index_cast %add3A_946 : i32 to index
          %get3A_949 = arith.constant 64 : index
          %get3A_950 = tpu.vector_load %arg8[%get3A_947, %get3A_948, %get3A_949] {strides = array<i32>} : memref<2x224x128xf32, #tpu.memory_space<vmem>>, vector<1x1x16xf32>,
          %get3A_951 = vector.shape_cast %get3A_950 : vector<1x1x16xf32> to vector<16xf32>
          %add3A_952 = arith.constant 7 : i32
          %add3A_953 = arith.addi %mul3A_204, %add3A_952 : i32
          %get3A_954 = arith.index_cast %and3A_153 : i32 to index
          %get3A_955 = arith.index_cast %add3A_953 : i32 to index
          %get3A_956 = arith.constant 64 : index
          %get3A_957 = tpu.vector_load %arg8[%get3A_954, %get3A_955, %get3A_956] {strides = array<i32>} : memref<2x224x128xf32, #tpu.memory_space<vmem>>, vector<1x1x16xf32>,
          %get3A_958 = vector.shape_cast %get3A_957 : vector<1x1x16xf32> to vector<16xf32>
          %add3A_959 = arith.constant 8 : i32
          %add3A_960 = arith.addi %mul3A_204, %add3A_959 : i32
          %get3A_961 = arith.index_cast %and3A_153 : i32 to index
          %get3A_962 = arith.index_cast %add3A_960 : i32 to index
          %get3A_963 = arith.constant 64 : index
          %get3A_964 = tpu.vector_load %arg8[%get3A_961, %get3A_962, %get3A_963] {strides = array<i32>} : memref<2x224x128xf32, #tpu.memory_space<vmem>>, vector<1x1x16xf32>,
          %get3A_965 = vector.shape_cast %get3A_964 : vector<1x1x16xf32> to vector<16xf32>
          %add3A_966 = arith.constant 9 : i32
          %add3A_967 = arith.addi %mul3A_204, %add3A_966 : i32
          %get3A_968 = arith.index_cast %and3A_153 : i32 to index
          %get3A_969 = arith.index_cast %add3A_967 : i32 to index
          %get3A_970 = arith.constant 64 : index
          %get3A_971 = tpu.vector_load %arg8[%get3A_968, %get3A_969, %get3A_970] {strides = array<i32>} : memref<2x224x128xf32, #tpu.memory_space<vmem>>, vector<1x1x16xf32>,
          %get3A_972 = vector.shape_cast %get3A_971 : vector<1x1x16xf32> to vector<16xf32>
          %add3A_973 = arith.constant 10 : i32
          %add3A_974 = arith.addi %mul3A_204, %add3A_973 : i32
          %get3A_975 = arith.index_cast %and3A_153 : i32 to index
          %get3A_976 = arith.index_cast %add3A_974 : i32 to index
          %get3A_977 = arith.constant 64 : index
          %get3A_978 = tpu.vector_load %arg8[%get3A_975, %get3A_976, %get3A_977] {strides = array<i32>} : memref<2x224x128xf32, #tpu.memory_space<vmem>>, vector<1x1x16xf32>,
          %get3A_979 = vector.shape_cast %get3A_978 : vector<1x1x16xf32> to vector<16xf32>
          %add3A_980 = arith.constant 11 : i32
          %add3A_981 = arith.addi %mul3A_204, %add3A_980 : i32
          %get3A_982 = arith.index_cast %and3A_153 : i32 to index
          %get3A_983 = arith.index_cast %add3A_981 : i32 to index
          %get3A_984 = arith.constant 64 : index
          %get3A_985 = tpu.vector_load %arg8[%get3A_982, %get3A_983, %get3A_984] {strides = array<i32>} : memref<2x224x128xf32, #tpu.memory_space<vmem>>, vector<1x1x16xf32>,
          %get3A_986 = vector.shape_cast %get3A_985 : vector<1x1x16xf32> to vector<16xf32>
          %add3A_987 = arith.constant 12 : i32
          %add3A_988 = arith.addi %mul3A_204, %add3A_987 : i32
          %get3A_989 = arith.index_cast %and3A_153 : i32 to index
          %get3A_990 = arith.index_cast %add3A_988 : i32 to index
          %get3A_991 = arith.constant 64 : index
          %get3A_992 = tpu.vector_load %arg8[%get3A_989, %get3A_990, %get3A_991] {strides = array<i32>} : memref<2x224x128xf32, #tpu.memory_space<vmem>>, vector<1x1x16xf32>,
          %get3A_993 = vector.shape_cast %get3A_992 : vector<1x1x16xf32> to vector<16xf32>
          %add3A_994 = arith.constant 13 : i32
          %add3A_995 = arith.addi %mul3A_204, %add3A_994 : i32
          %get3A_996 = arith.index_cast %and3A_153 : i32 to index
          %get3A_997 = arith.index_cast %add3A_995 : i32 to index
          %get3A_998 = arith.constant 64 : index
          %get3A_999 = tpu.vector_load %arg8[%get3A_996, %get3A_997, %get3A_998] {strides = array<i32>} : memref<2x224x128xf32, #tpu.memory_space<vmem>>, vector<1x1x16xf32>,
          %get3A_1000 = vector.shape_cast %get3A_999 : vector<1x1x16xf32> to vector<16xf32>
          %add3A_1001 = arith.constant 14 : i32
          %add3A_1002 = arith.addi %mul3A_204, %add3A_1001 : i32
          %get3A_1003 = arith.index_cast %and3A_153 : i32 to index
          %get3A_1004 = arith.index_cast %add3A_1002 : i32 to index
          %get3A_1005 = arith.constant 64 : index
          %get3A_1006 = tpu.vector_load %arg8[%get3A_1003, %get3A_1004, %get3A_1005] {strides = array<i32>} : memref<2x224x128xf32, #tpu.memory_space<vmem>>, vector<1x1x16xf32>,
          %get3A_1007 = vector.shape_cast %get3A_1006 : vector<1x1x16xf32> to vector<16xf32>
          %add3A_1008 = arith.constant 15 : i32
          %add3A_1009 = arith.addi %mul3A_204, %add3A_1008 : i32
          %get3A_1010 = arith.index_cast %and3A_153 : i32 to index
          %get3A_1011 = arith.index_cast %add3A_1009 : i32 to index
          %get3A_1012 = arith.constant 64 : index
          %get3A_1013 = tpu.vector_load %arg8[%get3A_1010, %get3A_1011, %get3A_1012] {strides = array<i32>} : memref<2x224x128xf32, #tpu.memory_space<vmem>>, vector<1x1x16xf32>,
          %get3A_1014 = vector.shape_cast %get3A_1013 : vector<1x1x16xf32> to vector<16xf32>
          %add3A_1015 = arith.addf %get3A_909, %get3A_916 : vector<16xf32>
          %add3A_1016 = arith.addf %get3A_923, %get3A_930 : vector<16xf32>
          %add3A_1017 = arith.addf %get3A_937, %get3A_944 : vector<16xf32>
          %add3A_1018 = arith.addf %get3A_951, %get3A_958 : vector<16xf32>
          %add3A_1019 = arith.addf %get3A_965, %get3A_972 : vector<16xf32>
          %add3A_1020 = arith.addf %get3A_979, %get3A_986 : vector<16xf32>
          %add3A_1021 = arith.addf %get3A_993, %get3A_1000 : vector<16xf32>
          %add3A_1022 = arith.addf %get3A_1007, %get3A_1014 : vector<16xf32>
          %add3A_1023 = arith.addf %add3A_1015, %add3A_1016 : vector<16xf32>
          %add3A_1024 = arith.addf %add3A_1017, %add3A_1018 : vector<16xf32>
          %add3A_1025 = arith.addf %add3A_1019, %add3A_1020 : vector<16xf32>
          %add3A_1026 = arith.addf %add3A_1021, %add3A_1022 : vector<16xf32>
          %add3A_1027 = arith.addf %add3A_1023, %add3A_1024 : vector<16xf32>
          %add3A_1028 = arith.addf %add3A_1025, %add3A_1026 : vector<16xf32>
          %add3A_1029 = arith.addf %add3A_1027, %add3A_1028 : vector<16xf32>
          %max3A_1030 = arith.maximumf %get3A_909, %get3A_916 : vector<16xf32>
          %max3A_1031 = arith.maximumf %get3A_923, %get3A_930 : vector<16xf32>
          %max3A_1032 = arith.maximumf %get3A_937, %get3A_944 : vector<16xf32>
          %max3A_1033 = arith.maximumf %get3A_951, %get3A_958 : vector<16xf32>
          %max3A_1034 = arith.maximumf %get3A_965, %get3A_972 : vector<16xf32>
          %max3A_1035 = arith.maximumf %get3A_979, %get3A_986 : vector<16xf32>
          %max3A_1036 = arith.maximumf %get3A_993, %get3A_1000 : vector<16xf32>
          %max3A_1037 = arith.maximumf %get3A_1007, %get3A_1014 : vector<16xf32>
          %max3A_1038 = arith.maximumf %max3A_1030, %max3A_1031 : vector<16xf32>
          %max3A_1039 = arith.maximumf %max3A_1032, %max3A_1033 : vector<16xf32>
          %max3A_1040 = arith.maximumf %max3A_1034, %max3A_1035 : vector<16xf32>
          %max3A_1041 = arith.maximumf %max3A_1036, %max3A_1037 : vector<16xf32>
          %max3A_1042 = arith.maximumf %max3A_1038, %max3A_1039 : vector<16xf32>
          %max3A_1043 = arith.maximumf %max3A_1040, %max3A_1041 : vector<16xf32>
          %max3A_1044 = arith.maximumf %max3A_1042, %max3A_1043 : vector<16xf32>
          %get3A_1045 = arith.constant 0 : i32
          %get3A_1046 = arith.index_cast %get3A_1045 : i32 to index
          %get3A_1047 = arith.constant 64 : index
          %get3A_1048 = tpu.vector_load %arg12[%get3A_1046, %get3A_1047] {strides = array<i32>} : memref<2x128xf32, #tpu.memory_space<vmem>>, vector<1x16xf32>,
          %get3A_1049 = vector.shape_cast %get3A_1048 : vector<1x16xf32> to vector<16xf32>
          %add3A_1050 = arith.addf %get3A_1049, %add3A_1029 : vector<16xf32>
          %select_n3A_1051 = arith.select %ne3A, %add3A_1029, %add3A_1050 : vector<16xf32>
          %swap3A_1052 = arith.constant 0 : i32
          %swap3A_1053 = arith.index_cast %swap3A_1052 : i32 to index
          %swap3A_1054 = arith.constant 64 : index
          %swap3A_1055 = tpu.vector_load %arg12[%swap3A_1053, %swap3A_1054] {strides = array<i32>} : memref<2x128xf32, #tpu.memory_space<vmem>>, vector<1x16xf32>,
          %swap3A_1056 = vector.shape_cast %swap3A_1055 : vector<1x16xf32> to vector<16xf32>
          %swap3A_1057 = vector.shape_cast %select_n3A_1051 : vector<16xf32> to vector<1x16xf32>
          tpu.vector_store %arg12[%swap3A_1053, %swap3A_1054], %swap3A_1057 {strides = array<i32>} : memref<2x128xf32, #tpu.memory_space<vmem>>, vector<1x16xf32>,
          %get3A_1058 = arith.constant 1 : i32
          %get3A_1059 = arith.index_cast %get3A_1058 : i32 to index
          %get3A_1060 = arith.constant 64 : index
          %get3A_1061 = tpu.vector_load %arg12[%get3A_1059, %get3A_1060] {strides = array<i32>} : memref<2x128xf32, #tpu.memory_space<vmem>>, vector<1x16xf32>,
          %get3A_1062 = vector.shape_cast %get3A_1061 : vector<1x16xf32> to vector<16xf32>
          %max3A_1063 = arith.maximumf %get3A_1062, %max3A_1044 : vector<16xf32>
          %select_n3A_1064 = arith.select %ne3A, %max3A_1044, %max3A_1063 : vector<16xf32>
          %swap3A_1065 = arith.constant 1 : i32
          %swap3A_1066 = arith.index_cast %swap3A_1065 : i32 to index
          %swap3A_1067 = arith.constant 64 : index
          %swap3A_1068 = tpu.vector_load %arg12[%swap3A_1066, %swap3A_1067] {strides = array<i32>} : memref<2x128xf32, #tpu.memory_space<vmem>>, vector<1x16xf32>,
          %swap3A_1069 = vector.shape_cast %swap3A_1068 : vector<1x16xf32> to vector<16xf32>
          %swap3A_1070 = vector.shape_cast %select_n3A_1064 : vector<16xf32> to vector<1x16xf32>
          tpu.vector_store %arg12[%swap3A_1066, %swap3A_1067], %swap3A_1070 {strides = array<i32>} : memref<2x128xf32, #tpu.memory_space<vmem>>, vector<1x16xf32>,
          %add3A_1071 = arith.constant 0 : i32
          %add3A_1072 = arith.addi %mul3A_204, %add3A_1071 : i32
          %get3A_1073 = arith.index_cast %and3A_153 : i32 to index
          %get3A_1074 = arith.index_cast %add3A_1072 : i32 to index
          %get3A_1075 = arith.constant 80 : index
          %get3A_1076 = tpu.vector_load %arg8[%get3A_1073, %get3A_1074, %get3A_1075] {strides = array<i32>} : memref<2x224x128xf32, #tpu.memory_space<vmem>>, vector<1x1x16xf32>,
          %get3A_1077 = vector.shape_cast %get3A_1076 : vector<1x1x16xf32> to vector<16xf32>
          %add3A_1078 = arith.constant 1 : i32
          %add3A_1079 = arith.addi %mul3A_204, %add3A_1078 : i32
          %get3A_1080 = arith.index_cast %and3A_153 : i32 to index
          %get3A_1081 = arith.index_cast %add3A_1079 : i32 to index
          %get3A_1082 = arith.constant 80 : index
          %get3A_1083 = tpu.vector_load %arg8[%get3A_1080, %get3A_1081, %get3A_1082] {strides = array<i32>} : memref<2x224x128xf32, #tpu.memory_space<vmem>>, vector<1x1x16xf32>,
          %get3A_1084 = vector.shape_cast %get3A_1083 : vector<1x1x16xf32> to vector<16xf32>
          %add3A_1085 = arith.constant 2 : i32
          %add3A_1086 = arith.addi %mul3A_204, %add3A_1085 : i32
          %get3A_1087 = arith.index_cast %and3A_153 : i32 to index
          %get3A_1088 = arith.index_cast %add3A_1086 : i32 to index
          %get3A_1089 = arith.constant 80 : index
          %get3A_1090 = tpu.vector_load %arg8[%get3A_1087, %get3A_1088, %get3A_1089] {strides = array<i32>} : memref<2x224x128xf32, #tpu.memory_space<vmem>>, vector<1x1x16xf32>,
          %get3A_1091 = vector.shape_cast %get3A_1090 : vector<1x1x16xf32> to vector<16xf32>
          %add3A_1092 = arith.constant 3 : i32
          %add3A_1093 = arith.addi %mul3A_204, %add3A_1092 : i32
          %get3A_1094 = arith.index_cast %and3A_153 : i32 to index
          %get3A_1095 = arith.index_cast %add3A_1093 : i32 to index
          %get3A_1096 = arith.constant 80 : index
          %get3A_1097 = tpu.vector_load %arg8[%get3A_1094, %get3A_1095, %get3A_1096] {strides = array<i32>} : memref<2x224x128xf32, #tpu.memory_space<vmem>>, vector<1x1x16xf32>,
          %get3A_1098 = vector.shape_cast %get3A_1097 : vector<1x1x16xf32> to vector<16xf32>
          %add3A_1099 = arith.constant 4 : i32
          %add3A_1100 = arith.addi %mul3A_204, %add3A_1099 : i32
          %get3A_1101 = arith.index_cast %and3A_153 : i32 to index
          %get3A_1102 = arith.index_cast %add3A_1100 : i32 to index
          %get3A_1103 = arith.constant 80 : index
          %get3A_1104 = tpu.vector_load %arg8[%get3A_1101, %get3A_1102, %get3A_1103] {strides = array<i32>} : memref<2x224x128xf32, #tpu.memory_space<vmem>>, vector<1x1x16xf32>,
          %get3A_1105 = vector.shape_cast %get3A_1104 : vector<1x1x16xf32> to vector<16xf32>
          %add3A_1106 = arith.constant 5 : i32
          %add3A_1107 = arith.addi %mul3A_204, %add3A_1106 : i32
          %get3A_1108 = arith.index_cast %and3A_153 : i32 to index
          %get3A_1109 = arith.index_cast %add3A_1107 : i32 to index
          %get3A_1110 = arith.constant 80 : index
          %get3A_1111 = tpu.vector_load %arg8[%get3A_1108, %get3A_1109, %get3A_1110] {strides = array<i32>} : memref<2x224x128xf32, #tpu.memory_space<vmem>>, vector<1x1x16xf32>,
          %get3A_1112 = vector.shape_cast %get3A_1111 : vector<1x1x16xf32> to vector<16xf32>
          %add3A_1113 = arith.constant 6 : i32
          %add3A_1114 = arith.addi %mul3A_204, %add3A_1113 : i32
          %get3A_1115 = arith.index_cast %and3A_153 : i32 to index
          %get3A_1116 = arith.index_cast %add3A_1114 : i32 to index
          %get3A_1117 = arith.constant 80 : index
          %get3A_1118 = tpu.vector_load %arg8[%get3A_1115, %get3A_1116, %get3A_1117] {strides = array<i32>} : memref<2x224x128xf32, #tpu.memory_space<vmem>>, vector<1x1x16xf32>,
          %get3A_1119 = vector.shape_cast %get3A_1118 : vector<1x1x16xf32> to vector<16xf32>
          %add3A_1120 = arith.constant 7 : i32
          %add3A_1121 = arith.addi %mul3A_204, %add3A_1120 : i32
          %get3A_1122 = arith.index_cast %and3A_153 : i32 to index
          %get3A_1123 = arith.index_cast %add3A_1121 : i32 to index
          %get3A_1124 = arith.constant 80 : index
          %get3A_1125 = tpu.vector_load %arg8[%get3A_1122, %get3A_1123, %get3A_1124] {strides = array<i32>} : memref<2x224x128xf32, #tpu.memory_space<vmem>>, vector<1x1x16xf32>,
          %get3A_1126 = vector.shape_cast %get3A_1125 : vector<1x1x16xf32> to vector<16xf32>
          %add3A_1127 = arith.constant 8 : i32
          %add3A_1128 = arith.addi %mul3A_204, %add3A_1127 : i32
          %get3A_1129 = arith.index_cast %and3A_153 : i32 to index
          %get3A_1130 = arith.index_cast %add3A_1128 : i32 to index
          %get3A_1131 = arith.constant 80 : index
          %get3A_1132 = tpu.vector_load %arg8[%get3A_1129, %get3A_1130, %get3A_1131] {strides = array<i32>} : memref<2x224x128xf32, #tpu.memory_space<vmem>>, vector<1x1x16xf32>,
          %get3A_1133 = vector.shape_cast %get3A_1132 : vector<1x1x16xf32> to vector<16xf32>
          %add3A_1134 = arith.constant 9 : i32
          %add3A_1135 = arith.addi %mul3A_204, %add3A_1134 : i32
          %get3A_1136 = arith.index_cast %and3A_153 : i32 to index
          %get3A_1137 = arith.index_cast %add3A_1135 : i32 to index
          %get3A_1138 = arith.constant 80 : index
          %get3A_1139 = tpu.vector_load %arg8[%get3A_1136, %get3A_1137, %get3A_1138] {strides = array<i32>} : memref<2x224x128xf32, #tpu.memory_space<vmem>>, vector<1x1x16xf32>,
          %get3A_1140 = vector.shape_cast %get3A_1139 : vector<1x1x16xf32> to vector<16xf32>
          %add3A_1141 = arith.constant 10 : i32
          %add3A_1142 = arith.addi %mul3A_204, %add3A_1141 : i32
          %get3A_1143 = arith.index_cast %and3A_153 : i32 to index
          %get3A_1144 = arith.index_cast %add3A_1142 : i32 to index
          %get3A_1145 = arith.constant 80 : index
          %get3A_1146 = tpu.vector_load %arg8[%get3A_1143, %get3A_1144, %get3A_1145] {strides = array<i32>} : memref<2x224x128xf32, #tpu.memory_space<vmem>>, vector<1x1x16xf32>,
          %get3A_1147 = vector.shape_cast %get3A_1146 : vector<1x1x16xf32> to vector<16xf32>
          %add3A_1148 = arith.constant 11 : i32
          %add3A_1149 = arith.addi %mul3A_204, %add3A_1148 : i32
          %get3A_1150 = arith.index_cast %and3A_153 : i32 to index
          %get3A_1151 = arith.index_cast %add3A_1149 : i32 to index
          %get3A_1152 = arith.constant 80 : index
          %get3A_1153 = tpu.vector_load %arg8[%get3A_1150, %get3A_1151, %get3A_1152] {strides = array<i32>} : memref<2x224x128xf32, #tpu.memory_space<vmem>>, vector<1x1x16xf32>,
          %get3A_1154 = vector.shape_cast %get3A_1153 : vector<1x1x16xf32> to vector<16xf32>
          %add3A_1155 = arith.constant 12 : i32
          %add3A_1156 = arith.addi %mul3A_204, %add3A_1155 : i32
          %get3A_1157 = arith.index_cast %and3A_153 : i32 to index
          %get3A_1158 = arith.index_cast %add3A_1156 : i32 to index
          %get3A_1159 = arith.constant 80 : index
          %get3A_1160 = tpu.vector_load %arg8[%get3A_1157, %get3A_1158, %get3A_1159] {strides = array<i32>} : memref<2x224x128xf32, #tpu.memory_space<vmem>>, vector<1x1x16xf32>,
          %get3A_1161 = vector.shape_cast %get3A_1160 : vector<1x1x16xf32> to vector<16xf32>
          %add3A_1162 = arith.constant 13 : i32
          %add3A_1163 = arith.addi %mul3A_204, %add3A_1162 : i32
          %get3A_1164 = arith.index_cast %and3A_153 : i32 to index
          %get3A_1165 = arith.index_cast %add3A_1163 : i32 to index
          %get3A_1166 = arith.constant 80 : index
          %get3A_1167 = tpu.vector_load %arg8[%get3A_1164, %get3A_1165, %get3A_1166] {strides = array<i32>} : memref<2x224x128xf32, #tpu.memory_space<vmem>>, vector<1x1x16xf32>,
          %get3A_1168 = vector.shape_cast %get3A_1167 : vector<1x1x16xf32> to vector<16xf32>
          %add3A_1169 = arith.constant 14 : i32
          %add3A_1170 = arith.addi %mul3A_204, %add3A_1169 : i32
          %get3A_1171 = arith.index_cast %and3A_153 : i32 to index
          %get3A_1172 = arith.index_cast %add3A_1170 : i32 to index
          %get3A_1173 = arith.constant 80 : index
          %get3A_1174 = tpu.vector_load %arg8[%get3A_1171, %get3A_1172, %get3A_1173] {strides = array<i32>} : memref<2x224x128xf32, #tpu.memory_space<vmem>>, vector<1x1x16xf32>,
          %get3A_1175 = vector.shape_cast %get3A_1174 : vector<1x1x16xf32> to vector<16xf32>
          %add3A_1176 = arith.constant 15 : i32
          %add3A_1177 = arith.addi %mul3A_204, %add3A_1176 : i32
          %get3A_1178 = arith.index_cast %and3A_153 : i32 to index
          %get3A_1179 = arith.index_cast %add3A_1177 : i32 to index
          %get3A_1180 = arith.constant 80 : index
          %get3A_1181 = tpu.vector_load %arg8[%get3A_1178, %get3A_1179, %get3A_1180] {strides = array<i32>} : memref<2x224x128xf32, #tpu.memory_space<vmem>>, vector<1x1x16xf32>,
          %get3A_1182 = vector.shape_cast %get3A_1181 : vector<1x1x16xf32> to vector<16xf32>
          %add3A_1183 = arith.addf %get3A_1077, %get3A_1084 : vector<16xf32>
          %add3A_1184 = arith.addf %get3A_1091, %get3A_1098 : vector<16xf32>
          %add3A_1185 = arith.addf %get3A_1105, %get3A_1112 : vector<16xf32>
          %add3A_1186 = arith.addf %get3A_1119, %get3A_1126 : vector<16xf32>
          %add3A_1187 = arith.addf %get3A_1133, %get3A_1140 : vector<16xf32>
          %add3A_1188 = arith.addf %get3A_1147, %get3A_1154 : vector<16xf32>
          %add3A_1189 = arith.addf %get3A_1161, %get3A_1168 : vector<16xf32>
          %add3A_1190 = arith.addf %get3A_1175, %get3A_1182 : vector<16xf32>
          %add3A_1191 = arith.addf %add3A_1183, %add3A_1184 : vector<16xf32>
          %add3A_1192 = arith.addf %add3A_1185, %add3A_1186 : vector<16xf32>
          %add3A_1193 = arith.addf %add3A_1187, %add3A_1188 : vector<16xf32>
          %add3A_1194 = arith.addf %add3A_1189, %add3A_1190 : vector<16xf32>
          %add3A_1195 = arith.addf %add3A_1191, %add3A_1192 : vector<16xf32>
          %add3A_1196 = arith.addf %add3A_1193, %add3A_1194 : vector<16xf32>
          %add3A_1197 = arith.addf %add3A_1195, %add3A_1196 : vector<16xf32>
          %max3A_1198 = arith.maximumf %get3A_1077, %get3A_1084 : vector<16xf32>
          %max3A_1199 = arith.maximumf %get3A_1091, %get3A_1098 : vector<16xf32>
          %max3A_1200 = arith.maximumf %get3A_1105, %get3A_1112 : vector<16xf32>
          %max3A_1201 = arith.maximumf %get3A_1119, %get3A_1126 : vector<16xf32>
          %max3A_1202 = arith.maximumf %get3A_1133, %get3A_1140 : vector<16xf32>
          %max3A_1203 = arith.maximumf %get3A_1147, %get3A_1154 : vector<16xf32>
          %max3A_1204 = arith.maximumf %get3A_1161, %get3A_1168 : vector<16xf32>
          %max3A_1205 = arith.maximumf %get3A_1175, %get3A_1182 : vector<16xf32>
          %max3A_1206 = arith.maximumf %max3A_1198, %max3A_1199 : vector<16xf32>
          %max3A_1207 = arith.maximumf %max3A_1200, %max3A_1201 : vector<16xf32>
          %max3A_1208 = arith.maximumf %max3A_1202, %max3A_1203 : vector<16xf32>
          %max3A_1209 = arith.maximumf %max3A_1204, %max3A_1205 : vector<16xf32>
          %max3A_1210 = arith.maximumf %max3A_1206, %max3A_1207 : vector<16xf32>
          %max3A_1211 = arith.maximumf %max3A_1208, %max3A_1209 : vector<16xf32>
          %max3A_1212 = arith.maximumf %max3A_1210, %max3A_1211 : vector<16xf32>
          %get3A_1213 = arith.constant 0 : i32
          %get3A_1214 = arith.index_cast %get3A_1213 : i32 to index
          %get3A_1215 = arith.constant 80 : index
          %get3A_1216 = tpu.vector_load %arg12[%get3A_1214, %get3A_1215] {strides = array<i32>} : memref<2x128xf32, #tpu.memory_space<vmem>>, vector<1x16xf32>,
          %get3A_1217 = vector.shape_cast %get3A_1216 : vector<1x16xf32> to vector<16xf32>
          %add3A_1218 = arith.addf %get3A_1217, %add3A_1197 : vector<16xf32>
          %select_n3A_1219 = arith.select %ne3A, %add3A_1197, %add3A_1218 : vector<16xf32>
          %swap3A_1220 = arith.constant 0 : i32
          %swap3A_1221 = arith.index_cast %swap3A_1220 : i32 to index
          %swap3A_1222 = arith.constant 80 : index
          %swap3A_1223 = tpu.vector_load %arg12[%swap3A_1221, %swap3A_1222] {strides = array<i32>} : memref<2x128xf32, #tpu.memory_space<vmem>>, vector<1x16xf32>,
          %swap3A_1224 = vector.shape_cast %swap3A_1223 : vector<1x16xf32> to vector<16xf32>
          %swap3A_1225 = vector.shape_cast %select_n3A_1219 : vector<16xf32> to vector<1x16xf32>
          tpu.vector_store %arg12[%swap3A_1221, %swap3A_1222], %swap3A_1225 {strides = array<i32>} : memref<2x128xf32, #tpu.memory_space<vmem>>, vector<1x16xf32>,
          %get3A_1226 = arith.constant 1 : i32
          %get3A_1227 = arith.index_cast %get3A_1226 : i32 to index
          %get3A_1228 = arith.constant 80 : index
          %get3A_1229 = tpu.vector_load %arg12[%get3A_1227, %get3A_1228] {strides = array<i32>} : memref<2x128xf32, #tpu.memory_space<vmem>>, vector<1x16xf32>,
          %get3A_1230 = vector.shape_cast %get3A_1229 : vector<1x16xf32> to vector<16xf32>
          %max3A_1231 = arith.maximumf %get3A_1230, %max3A_1212 : vector<16xf32>
          %select_n3A_1232 = arith.select %ne3A, %max3A_1212, %max3A_1231 : vector<16xf32>
          %swap3A_1233 = arith.constant 1 : i32
          %swap3A_1234 = arith.index_cast %swap3A_1233 : i32 to index
          %swap3A_1235 = arith.constant 80 : index
          %swap3A_1236 = tpu.vector_load %arg12[%swap3A_1234, %swap3A_1235] {strides = array<i32>} : memref<2x128xf32, #tpu.memory_space<vmem>>, vector<1x16xf32>,
          %swap3A_1237 = vector.shape_cast %swap3A_1236 : vector<1x16xf32> to vector<16xf32>
          %swap3A_1238 = vector.shape_cast %select_n3A_1232 : vector<16xf32> to vector<1x16xf32>
          tpu.vector_store %arg12[%swap3A_1234, %swap3A_1235], %swap3A_1238 {strides = array<i32>} : memref<2x128xf32, #tpu.memory_space<vmem>>, vector<1x16xf32>,
          %add3A_1239 = arith.constant 0 : i32
          %add3A_1240 = arith.addi %mul3A_204, %add3A_1239 : i32
          %get3A_1241 = arith.index_cast %and3A_153 : i32 to index
          %get3A_1242 = arith.index_cast %add3A_1240 : i32 to index
          %get3A_1243 = arith.constant 96 : index
          %get3A_1244 = tpu.vector_load %arg8[%get3A_1241, %get3A_1242, %get3A_1243] {strides = array<i32>} : memref<2x224x128xf32, #tpu.memory_space<vmem>>, vector<1x1x16xf32>,
          %get3A_1245 = vector.shape_cast %get3A_1244 : vector<1x1x16xf32> to vector<16xf32>
          %add3A_1246 = arith.constant 1 : i32
          %add3A_1247 = arith.addi %mul3A_204, %add3A_1246 : i32
          %get3A_1248 = arith.index_cast %and3A_153 : i32 to index
          %get3A_1249 = arith.index_cast %add3A_1247 : i32 to index
          %get3A_1250 = arith.constant 96 : index
          %get3A_1251 = tpu.vector_load %arg8[%get3A_1248, %get3A_1249, %get3A_1250] {strides = array<i32>} : memref<2x224x128xf32, #tpu.memory_space<vmem>>, vector<1x1x16xf32>,
          %get3A_1252 = vector.shape_cast %get3A_1251 : vector<1x1x16xf32> to vector<16xf32>
          %add3A_1253 = arith.constant 2 : i32
          %add3A_1254 = arith.addi %mul3A_204, %add3A_1253 : i32
          %get3A_1255 = arith.index_cast %and3A_153 : i32 to index
          %get3A_1256 = arith.index_cast %add3A_1254 : i32 to index
          %get3A_1257 = arith.constant 96 : index
          %get3A_1258 = tpu.vector_load %arg8[%get3A_1255, %get3A_1256, %get3A_1257] {strides = array<i32>} : memref<2x224x128xf32, #tpu.memory_space<vmem>>, vector<1x1x16xf32>,
          %get3A_1259 = vector.shape_cast %get3A_1258 : vector<1x1x16xf32> to vector<16xf32>
          %add3A_1260 = arith.constant 3 : i32
          %add3A_1261 = arith.addi %mul3A_204, %add3A_1260 : i32
          %get3A_1262 = arith.index_cast %and3A_153 : i32 to index
          %get3A_1263 = arith.index_cast %add3A_1261 : i32 to index
          %get3A_1264 = arith.constant 96 : index
          %get3A_1265 = tpu.vector_load %arg8[%get3A_1262, %get3A_1263, %get3A_1264] {strides = array<i32>} : memref<2x224x128xf32, #tpu.memory_space<vmem>>, vector<1x1x16xf32>,
          %get3A_1266 = vector.shape_cast %get3A_1265 : vector<1x1x16xf32> to vector<16xf32>
          %add3A_1267 = arith.constant 4 : i32
          %add3A_1268 = arith.addi %mul3A_204, %add3A_1267 : i32
          %get3A_1269 = arith.index_cast %and3A_153 : i32 to index
          %get3A_1270 = arith.index_cast %add3A_1268 : i32 to index
          %get3A_1271 = arith.constant 96 : index
          %get3A_1272 = tpu.vector_load %arg8[%get3A_1269, %get3A_1270, %get3A_1271] {strides = array<i32>} : memref<2x224x128xf32, #tpu.memory_space<vmem>>, vector<1x1x16xf32>,
          %get3A_1273 = vector.shape_cast %get3A_1272 : vector<1x1x16xf32> to vector<16xf32>
          %add3A_1274 = arith.constant 5 : i32
          %add3A_1275 = arith.addi %mul3A_204, %add3A_1274 : i32
          %get3A_1276 = arith.index_cast %and3A_153 : i32 to index
          %get3A_1277 = arith.index_cast %add3A_1275 : i32 to index
          %get3A_1278 = arith.constant 96 : index
          %get3A_1279 = tpu.vector_load %arg8[%get3A_1276, %get3A_1277, %get3A_1278] {strides = array<i32>} : memref<2x224x128xf32, #tpu.memory_space<vmem>>, vector<1x1x16xf32>,
          %get3A_1280 = vector.shape_cast %get3A_1279 : vector<1x1x16xf32> to vector<16xf32>
          %add3A_1281 = arith.constant 6 : i32
          %add3A_1282 = arith.addi %mul3A_204, %add3A_1281 : i32
          %get3A_1283 = arith.index_cast %and3A_153 : i32 to index
          %get3A_1284 = arith.index_cast %add3A_1282 : i32 to index
          %get3A_1285 = arith.constant 96 : index
          %get3A_1286 = tpu.vector_load %arg8[%get3A_1283, %get3A_1284, %get3A_1285] {strides = array<i32>} : memref<2x224x128xf32, #tpu.memory_space<vmem>>, vector<1x1x16xf32>,
          %get3A_1287 = vector.shape_cast %get3A_1286 : vector<1x1x16xf32> to vector<16xf32>
          %add3A_1288 = arith.constant 7 : i32
          %add3A_1289 = arith.addi %mul3A_204, %add3A_1288 : i32
          %get3A_1290 = arith.index_cast %and3A_153 : i32 to index
          %get3A_1291 = arith.index_cast %add3A_1289 : i32 to index
          %get3A_1292 = arith.constant 96 : index
          %get3A_1293 = tpu.vector_load %arg8[%get3A_1290, %get3A_1291, %get3A_1292] {strides = array<i32>} : memref<2x224x128xf32, #tpu.memory_space<vmem>>, vector<1x1x16xf32>,
          %get3A_1294 = vector.shape_cast %get3A_1293 : vector<1x1x16xf32> to vector<16xf32>
          %add3A_1295 = arith.constant 8 : i32
          %add3A_1296 = arith.addi %mul3A_204, %add3A_1295 : i32
          %get3A_1297 = arith.index_cast %and3A_153 : i32 to index
          %get3A_1298 = arith.index_cast %add3A_1296 : i32 to index
          %get3A_1299 = arith.constant 96 : index
          %get3A_1300 = tpu.vector_load %arg8[%get3A_1297, %get3A_1298, %get3A_1299] {strides = array<i32>} : memref<2x224x128xf32, #tpu.memory_space<vmem>>, vector<1x1x16xf32>,
          %get3A_1301 = vector.shape_cast %get3A_1300 : vector<1x1x16xf32> to vector<16xf32>
          %add3A_1302 = arith.constant 9 : i32
          %add3A_1303 = arith.addi %mul3A_204, %add3A_1302 : i32
          %get3A_1304 = arith.index_cast %and3A_153 : i32 to index
          %get3A_1305 = arith.index_cast %add3A_1303 : i32 to index
          %get3A_1306 = arith.constant 96 : index
          %get3A_1307 = tpu.vector_load %arg8[%get3A_1304, %get3A_1305, %get3A_1306] {strides = array<i32>} : memref<2x224x128xf32, #tpu.memory_space<vmem>>, vector<1x1x16xf32>,
          %get3A_1308 = vector.shape_cast %get3A_1307 : vector<1x1x16xf32> to vector<16xf32>
          %add3A_1309 = arith.constant 10 : i32
          %add3A_1310 = arith.addi %mul3A_204, %add3A_1309 : i32
          %get3A_1311 = arith.index_cast %and3A_153 : i32 to index
          %get3A_1312 = arith.index_cast %add3A_1310 : i32 to index
          %get3A_1313 = arith.constant 96 : index
          %get3A_1314 = tpu.vector_load %arg8[%get3A_1311, %get3A_1312, %get3A_1313] {strides = array<i32>} : memref<2x224x128xf32, #tpu.memory_space<vmem>>, vector<1x1x16xf32>,
          %get3A_1315 = vector.shape_cast %get3A_1314 : vector<1x1x16xf32> to vector<16xf32>
          %add3A_1316 = arith.constant 11 : i32
          %add3A_1317 = arith.addi %mul3A_204, %add3A_1316 : i32
          %get3A_1318 = arith.index_cast %and3A_153 : i32 to index
          %get3A_1319 = arith.index_cast %add3A_1317 : i32 to index
          %get3A_1320 = arith.constant 96 : index
          %get3A_1321 = tpu.vector_load %arg8[%get3A_1318, %get3A_1319, %get3A_1320] {strides = array<i32>} : memref<2x224x128xf32, #tpu.memory_space<vmem>>, vector<1x1x16xf32>,
          %get3A_1322 = vector.shape_cast %get3A_1321 : vector<1x1x16xf32> to vector<16xf32>
          %add3A_1323 = arith.constant 12 : i32
          %add3A_1324 = arith.addi %mul3A_204, %add3A_1323 : i32
          %get3A_1325 = arith.index_cast %and3A_153 : i32 to index
          %get3A_1326 = arith.index_cast %add3A_1324 : i32 to index
          %get3A_1327 = arith.constant 96 : index
          %get3A_1328 = tpu.vector_load %arg8[%get3A_1325, %get3A_1326, %get3A_1327] {strides = array<i32>} : memref<2x224x128xf32, #tpu.memory_space<vmem>>, vector<1x1x16xf32>,
          %get3A_1329 = vector.shape_cast %get3A_1328 : vector<1x1x16xf32> to vector<16xf32>
          %add3A_1330 = arith.constant 13 : i32
          %add3A_1331 = arith.addi %mul3A_204, %add3A_1330 : i32
          %get3A_1332 = arith.index_cast %and3A_153 : i32 to index
          %get3A_1333 = arith.index_cast %add3A_1331 : i32 to index
          %get3A_1334 = arith.constant 96 : index
          %get3A_1335 = tpu.vector_load %arg8[%get3A_1332, %get3A_1333, %get3A_1334] {strides = array<i32>} : memref<2x224x128xf32, #tpu.memory_space<vmem>>, vector<1x1x16xf32>,
          %get3A_1336 = vector.shape_cast %get3A_1335 : vector<1x1x16xf32> to vector<16xf32>
          %add3A_1337 = arith.constant 14 : i32
          %add3A_1338 = arith.addi %mul3A_204, %add3A_1337 : i32
          %get3A_1339 = arith.index_cast %and3A_153 : i32 to index
          %get3A_1340 = arith.index_cast %add3A_1338 : i32 to index
          %get3A_1341 = arith.constant 96 : index
          %get3A_1342 = tpu.vector_load %arg8[%get3A_1339, %get3A_1340, %get3A_1341] {strides = array<i32>} : memref<2x224x128xf32, #tpu.memory_space<vmem>>, vector<1x1x16xf32>,
          %get3A_1343 = vector.shape_cast %get3A_1342 : vector<1x1x16xf32> to vector<16xf32>
          %add3A_1344 = arith.constant 15 : i32
          %add3A_1345 = arith.addi %mul3A_204, %add3A_1344 : i32
          %get3A_1346 = arith.index_cast %and3A_153 : i32 to index
          %get3A_1347 = arith.index_cast %add3A_1345 : i32 to index
          %get3A_1348 = arith.constant 96 : index
          %get3A_1349 = tpu.vector_load %arg8[%get3A_1346, %get3A_1347, %get3A_1348] {strides = array<i32>} : memref<2x224x128xf32, #tpu.memory_space<vmem>>, vector<1x1x16xf32>,
          %get3A_1350 = vector.shape_cast %get3A_1349 : vector<1x1x16xf32> to vector<16xf32>
          %add3A_1351 = arith.addf %get3A_1245, %get3A_1252 : vector<16xf32>
          %add3A_1352 = arith.addf %get3A_1259, %get3A_1266 : vector<16xf32>
          %add3A_1353 = arith.addf %get3A_1273, %get3A_1280 : vector<16xf32>
          %add3A_1354 = arith.addf %get3A_1287, %get3A_1294 : vector<16xf32>
          %add3A_1355 = arith.addf %get3A_1301, %get3A_1308 : vector<16xf32>
          %add3A_1356 = arith.addf %get3A_1315, %get3A_1322 : vector<16xf32>
          %add3A_1357 = arith.addf %get3A_1329, %get3A_1336 : vector<16xf32>
          %add3A_1358 = arith.addf %get3A_1343, %get3A_1350 : vector<16xf32>
          %add3A_1359 = arith.addf %add3A_1351, %add3A_1352 : vector<16xf32>
          %add3A_1360 = arith.addf %add3A_1353, %add3A_1354 : vector<16xf32>
          %add3A_1361 = arith.addf %add3A_1355, %add3A_1356 : vector<16xf32>
          %add3A_1362 = arith.addf %add3A_1357, %add3A_1358 : vector<16xf32>
          %add3A_1363 = arith.addf %add3A_1359, %add3A_1360 : vector<16xf32>
          %add3A_1364 = arith.addf %add3A_1361, %add3A_1362 : vector<16xf32>
          %add3A_1365 = arith.addf %add3A_1363, %add3A_1364 : vector<16xf32>
          %max3A_1366 = arith.maximumf %get3A_1245, %get3A_1252 : vector<16xf32>
          %max3A_1367 = arith.maximumf %get3A_1259, %get3A_1266 : vector<16xf32>
          %max3A_1368 = arith.maximumf %get3A_1273, %get3A_1280 : vector<16xf32>
          %max3A_1369 = arith.maximumf %get3A_1287, %get3A_1294 : vector<16xf32>
          %max3A_1370 = arith.maximumf %get3A_1301, %get3A_1308 : vector<16xf32>
          %max3A_1371 = arith.maximumf %get3A_1315, %get3A_1322 : vector<16xf32>
          %max3A_1372 = arith.maximumf %get3A_1329, %get3A_1336 : vector<16xf32>
          %max3A_1373 = arith.maximumf %get3A_1343, %get3A_1350 : vector<16xf32>
          %max3A_1374 = arith.maximumf %max3A_1366, %max3A_1367 : vector<16xf32>
          %max3A_1375 = arith.maximumf %max3A_1368, %max3A_1369 : vector<16xf32>
          %max3A_1376 = arith.maximumf %max3A_1370, %max3A_1371 : vector<16xf32>
          %max3A_1377 = arith.maximumf %max3A_1372, %max3A_1373 : vector<16xf32>
          %max3A_1378 = arith.maximumf %max3A_1374, %max3A_1375 : vector<16xf32>
          %max3A_1379 = arith.maximumf %max3A_1376, %max3A_1377 : vector<16xf32>
          %max3A_1380 = arith.maximumf %max3A_1378, %max3A_1379 : vector<16xf32>
          %get3A_1381 = arith.constant 0 : i32
          %get3A_1382 = arith.index_cast %get3A_1381 : i32 to index
          %get3A_1383 = arith.constant 96 : index
          %get3A_1384 = tpu.vector_load %arg12[%get3A_1382, %get3A_1383] {strides = array<i32>} : memref<2x128xf32, #tpu.memory_space<vmem>>, vector<1x16xf32>,
          %get3A_1385 = vector.shape_cast %get3A_1384 : vector<1x16xf32> to vector<16xf32>
          %add3A_1386 = arith.addf %get3A_1385, %add3A_1365 : vector<16xf32>
          %select_n3A_1387 = arith.select %ne3A, %add3A_1365, %add3A_1386 : vector<16xf32>
          %swap3A_1388 = arith.constant 0 : i32
          %swap3A_1389 = arith.index_cast %swap3A_1388 : i32 to index
          %swap3A_1390 = arith.constant 96 : index
          %swap3A_1391 = tpu.vector_load %arg12[%swap3A_1389, %swap3A_1390] {strides = array<i32>} : memref<2x128xf32, #tpu.memory_space<vmem>>, vector<1x16xf32>,
          %swap3A_1392 = vector.shape_cast %swap3A_1391 : vector<1x16xf32> to vector<16xf32>
          %swap3A_1393 = vector.shape_cast %select_n3A_1387 : vector<16xf32> to vector<1x16xf32>
          tpu.vector_store %arg12[%swap3A_1389, %swap3A_1390], %swap3A_1393 {strides = array<i32>} : memref<2x128xf32, #tpu.memory_space<vmem>>, vector<1x16xf32>,
          %get3A_1394 = arith.constant 1 : i32
          %get3A_1395 = arith.index_cast %get3A_1394 : i32 to index
          %get3A_1396 = arith.constant 96 : index
          %get3A_1397 = tpu.vector_load %arg12[%get3A_1395, %get3A_1396] {strides = array<i32>} : memref<2x128xf32, #tpu.memory_space<vmem>>, vector<1x16xf32>,
          %get3A_1398 = vector.shape_cast %get3A_1397 : vector<1x16xf32> to vector<16xf32>
          %max3A_1399 = arith.maximumf %get3A_1398, %max3A_1380 : vector<16xf32>
          %select_n3A_1400 = arith.select %ne3A, %max3A_1380, %max3A_1399 : vector<16xf32>
          %swap3A_1401 = arith.constant 1 : i32
          %swap3A_1402 = arith.index_cast %swap3A_1401 : i32 to index
          %swap3A_1403 = arith.constant 96 : index
          %swap3A_1404 = tpu.vector_load %arg12[%swap3A_1402, %swap3A_1403] {strides = array<i32>} : memref<2x128xf32, #tpu.memory_space<vmem>>, vector<1x16xf32>,
          %swap3A_1405 = vector.shape_cast %swap3A_1404 : vector<1x16xf32> to vector<16xf32>
          %swap3A_1406 = vector.shape_cast %select_n3A_1400 : vector<16xf32> to vector<1x16xf32>
          tpu.vector_store %arg12[%swap3A_1402, %swap3A_1403], %swap3A_1406 {strides = array<i32>} : memref<2x128xf32, #tpu.memory_space<vmem>>, vector<1x16xf32>,
          %add3A_1407 = arith.constant 0 : i32
          %add3A_1408 = arith.addi %mul3A_204, %add3A_1407 : i32
          %get3A_1409 = arith.index_cast %and3A_153 : i32 to index
          %get3A_1410 = arith.index_cast %add3A_1408 : i32 to index
          %get3A_1411 = arith.constant 112 : index
          %get3A_1412 = tpu.vector_load %arg8[%get3A_1409, %get3A_1410, %get3A_1411] {strides = array<i32>} : memref<2x224x128xf32, #tpu.memory_space<vmem>>, vector<1x1x16xf32>,
          %get3A_1413 = vector.shape_cast %get3A_1412 : vector<1x1x16xf32> to vector<16xf32>
          %add3A_1414 = arith.constant 1 : i32
          %add3A_1415 = arith.addi %mul3A_204, %add3A_1414 : i32
          %get3A_1416 = arith.index_cast %and3A_153 : i32 to index
          %get3A_1417 = arith.index_cast %add3A_1415 : i32 to index
          %get3A_1418 = arith.constant 112 : index
          %get3A_1419 = tpu.vector_load %arg8[%get3A_1416, %get3A_1417, %get3A_1418] {strides = array<i32>} : memref<2x224x128xf32, #tpu.memory_space<vmem>>, vector<1x1x16xf32>,
          %get3A_1420 = vector.shape_cast %get3A_1419 : vector<1x1x16xf32> to vector<16xf32>
          %add3A_1421 = arith.constant 2 : i32
          %add3A_1422 = arith.addi %mul3A_204, %add3A_1421 : i32
          %get3A_1423 = arith.index_cast %and3A_153 : i32 to index
          %get3A_1424 = arith.index_cast %add3A_1422 : i32 to index
          %get3A_1425 = arith.constant 112 : index
          %get3A_1426 = tpu.vector_load %arg8[%get3A_1423, %get3A_1424, %get3A_1425] {strides = array<i32>} : memref<2x224x128xf32, #tpu.memory_space<vmem>>, vector<1x1x16xf32>,
          %get3A_1427 = vector.shape_cast %get3A_1426 : vector<1x1x16xf32> to vector<16xf32>
          %add3A_1428 = arith.constant 3 : i32
          %add3A_1429 = arith.addi %mul3A_204, %add3A_1428 : i32
          %get3A_1430 = arith.index_cast %and3A_153 : i32 to index
          %get3A_1431 = arith.index_cast %add3A_1429 : i32 to index
          %get3A_1432 = arith.constant 112 : index
          %get3A_1433 = tpu.vector_load %arg8[%get3A_1430, %get3A_1431, %get3A_1432] {strides = array<i32>} : memref<2x224x128xf32, #tpu.memory_space<vmem>>, vector<1x1x16xf32>,
          %get3A_1434 = vector.shape_cast %get3A_1433 : vector<1x1x16xf32> to vector<16xf32>
          %add3A_1435 = arith.constant 4 : i32
          %add3A_1436 = arith.addi %mul3A_204, %add3A_1435 : i32
          %get3A_1437 = arith.index_cast %and3A_153 : i32 to index
          %get3A_1438 = arith.index_cast %add3A_1436 : i32 to index
          %get3A_1439 = arith.constant 112 : index
          %get3A_1440 = tpu.vector_load %arg8[%get3A_1437, %get3A_1438, %get3A_1439] {strides = array<i32>} : memref<2x224x128xf32, #tpu.memory_space<vmem>>, vector<1x1x16xf32>,
          %get3A_1441 = vector.shape_cast %get3A_1440 : vector<1x1x16xf32> to vector<16xf32>
          %add3A_1442 = arith.constant 5 : i32
          %add3A_1443 = arith.addi %mul3A_204, %add3A_1442 : i32
          %get3A_1444 = arith.index_cast %and3A_153 : i32 to index
          %get3A_1445 = arith.index_cast %add3A_1443 : i32 to index
          %get3A_1446 = arith.constant 112 : index
          %get3A_1447 = tpu.vector_load %arg8[%get3A_1444, %get3A_1445, %get3A_1446] {strides = array<i32>} : memref<2x224x128xf32, #tpu.memory_space<vmem>>, vector<1x1x16xf32>,
          %get3A_1448 = vector.shape_cast %get3A_1447 : vector<1x1x16xf32> to vector<16xf32>
          %add3A_1449 = arith.constant 6 : i32
          %add3A_1450 = arith.addi %mul3A_204, %add3A_1449 : i32
          %get3A_1451 = arith.index_cast %and3A_153 : i32 to index
          %get3A_1452 = arith.index_cast %add3A_1450 : i32 to index
          %get3A_1453 = arith.constant 112 : index
          %get3A_1454 = tpu.vector_load %arg8[%get3A_1451, %get3A_1452, %get3A_1453] {strides = array<i32>} : memref<2x224x128xf32, #tpu.memory_space<vmem>>, vector<1x1x16xf32>,
          %get3A_1455 = vector.shape_cast %get3A_1454 : vector<1x1x16xf32> to vector<16xf32>
          %add3A_1456 = arith.constant 7 : i32
          %add3A_1457 = arith.addi %mul3A_204, %add3A_1456 : i32
          %get3A_1458 = arith.index_cast %and3A_153 : i32 to index
          %get3A_1459 = arith.index_cast %add3A_1457 : i32 to index
          %get3A_1460 = arith.constant 112 : index
          %get3A_1461 = tpu.vector_load %arg8[%get3A_1458, %get3A_1459, %get3A_1460] {strides = array<i32>} : memref<2x224x128xf32, #tpu.memory_space<vmem>>, vector<1x1x16xf32>,
          %get3A_1462 = vector.shape_cast %get3A_1461 : vector<1x1x16xf32> to vector<16xf32>
          %add3A_1463 = arith.constant 8 : i32
          %add3A_1464 = arith.addi %mul3A_204, %add3A_1463 : i32
          %get3A_1465 = arith.index_cast %and3A_153 : i32 to index
          %get3A_1466 = arith.index_cast %add3A_1464 : i32 to index
          %get3A_1467 = arith.constant 112 : index
          %get3A_1468 = tpu.vector_load %arg8[%get3A_1465, %get3A_1466, %get3A_1467] {strides = array<i32>} : memref<2x224x128xf32, #tpu.memory_space<vmem>>, vector<1x1x16xf32>,
          %get3A_1469 = vector.shape_cast %get3A_1468 : vector<1x1x16xf32> to vector<16xf32>
          %add3A_1470 = arith.constant 9 : i32
          %add3A_1471 = arith.addi %mul3A_204, %add3A_1470 : i32
          %get3A_1472 = arith.index_cast %and3A_153 : i32 to index
          %get3A_1473 = arith.index_cast %add3A_1471 : i32 to index
          %get3A_1474 = arith.constant 112 : index
          %get3A_1475 = tpu.vector_load %arg8[%get3A_1472, %get3A_1473, %get3A_1474] {strides = array<i32>} : memref<2x224x128xf32, #tpu.memory_space<vmem>>, vector<1x1x16xf32>,
          %get3A_1476 = vector.shape_cast %get3A_1475 : vector<1x1x16xf32> to vector<16xf32>
          %add3A_1477 = arith.constant 10 : i32
          %add3A_1478 = arith.addi %mul3A_204, %add3A_1477 : i32
          %get3A_1479 = arith.index_cast %and3A_153 : i32 to index
          %get3A_1480 = arith.index_cast %add3A_1478 : i32 to index
          %get3A_1481 = arith.constant 112 : index
          %get3A_1482 = tpu.vector_load %arg8[%get3A_1479, %get3A_1480, %get3A_1481] {strides = array<i32>} : memref<2x224x128xf32, #tpu.memory_space<vmem>>, vector<1x1x16xf32>,
          %get3A_1483 = vector.shape_cast %get3A_1482 : vector<1x1x16xf32> to vector<16xf32>
          %add3A_1484 = arith.constant 11 : i32
          %add3A_1485 = arith.addi %mul3A_204, %add3A_1484 : i32
          %get3A_1486 = arith.index_cast %and3A_153 : i32 to index
          %get3A_1487 = arith.index_cast %add3A_1485 : i32 to index
          %get3A_1488 = arith.constant 112 : index
          %get3A_1489 = tpu.vector_load %arg8[%get3A_1486, %get3A_1487, %get3A_1488] {strides = array<i32>} : memref<2x224x128xf32, #tpu.memory_space<vmem>>, vector<1x1x16xf32>,
          %get3A_1490 = vector.shape_cast %get3A_1489 : vector<1x1x16xf32> to vector<16xf32>
          %add3A_1491 = arith.constant 12 : i32
          %add3A_1492 = arith.addi %mul3A_204, %add3A_1491 : i32
          %get3A_1493 = arith.index_cast %and3A_153 : i32 to index
          %get3A_1494 = arith.index_cast %add3A_1492 : i32 to index
          %get3A_1495 = arith.constant 112 : index
          %get3A_1496 = tpu.vector_load %arg8[%get3A_1493, %get3A_1494, %get3A_1495] {strides = array<i32>} : memref<2x224x128xf32, #tpu.memory_space<vmem>>, vector<1x1x16xf32>,
          %get3A_1497 = vector.shape_cast %get3A_1496 : vector<1x1x16xf32> to vector<16xf32>
          %add3A_1498 = arith.constant 13 : i32
          %add3A_1499 = arith.addi %mul3A_204, %add3A_1498 : i32
          %get3A_1500 = arith.index_cast %and3A_153 : i32 to index
          %get3A_1501 = arith.index_cast %add3A_1499 : i32 to index
          %get3A_1502 = arith.constant 112 : index
          %get3A_1503 = tpu.vector_load %arg8[%get3A_1500, %get3A_1501, %get3A_1502] {strides = array<i32>} : memref<2x224x128xf32, #tpu.memory_space<vmem>>, vector<1x1x16xf32>,
          %get3A_1504 = vector.shape_cast %get3A_1503 : vector<1x1x16xf32> to vector<16xf32>
          %add3A_1505 = arith.constant 14 : i32
          %add3A_1506 = arith.addi %mul3A_204, %add3A_1505 : i32
          %get3A_1507 = arith.index_cast %and3A_153 : i32 to index
          %get3A_1508 = arith.index_cast %add3A_1506 : i32 to index
          %get3A_1509 = arith.constant 112 : index
          %get3A_1510 = tpu.vector_load %arg8[%get3A_1507, %get3A_1508, %get3A_1509] {strides = array<i32>} : memref<2x224x128xf32, #tpu.memory_space<vmem>>, vector<1x1x16xf32>,
          %get3A_1511 = vector.shape_cast %get3A_1510 : vector<1x1x16xf32> to vector<16xf32>
          %add3A_1512 = arith.constant 15 : i32
          %add3A_1513 = arith.addi %mul3A_204, %add3A_1512 : i32
          %get3A_1514 = arith.index_cast %and3A_153 : i32 to index
          %get3A_1515 = arith.index_cast %add3A_1513 : i32 to index
          %get3A_1516 = arith.constant 112 : index
          %get3A_1517 = tpu.vector_load %arg8[%get3A_1514, %get3A_1515, %get3A_1516] {strides = array<i32>} : memref<2x224x128xf32, #tpu.memory_space<vmem>>, vector<1x1x16xf32>,
          %get3A_1518 = vector.shape_cast %get3A_1517 : vector<1x1x16xf32> to vector<16xf32>
          %add3A_1519 = arith.addf %get3A_1413, %get3A_1420 : vector<16xf32>
          %add3A_1520 = arith.addf %get3A_1427, %get3A_1434 : vector<16xf32>
          %add3A_1521 = arith.addf %get3A_1441, %get3A_1448 : vector<16xf32>
          %add3A_1522 = arith.addf %get3A_1455, %get3A_1462 : vector<16xf32>
          %add3A_1523 = arith.addf %get3A_1469, %get3A_1476 : vector<16xf32>
          %add3A_1524 = arith.addf %get3A_1483, %get3A_1490 : vector<16xf32>
          %add3A_1525 = arith.addf %get3A_1497, %get3A_1504 : vector<16xf32>
          %add3A_1526 = arith.addf %get3A_1511, %get3A_1518 : vector<16xf32>
          %add3A_1527 = arith.addf %add3A_1519, %add3A_1520 : vector<16xf32>
          %add3A_1528 = arith.addf %add3A_1521, %add3A_1522 : vector<16xf32>
          %add3A_1529 = arith.addf %add3A_1523, %add3A_1524 : vector<16xf32>
          %add3A_1530 = arith.addf %add3A_1525, %add3A_1526 : vector<16xf32>
          %add3A_1531 = arith.addf %add3A_1527, %add3A_1528 : vector<16xf32>
          %add3A_1532 = arith.addf %add3A_1529, %add3A_1530 : vector<16xf32>
          %add3A_1533 = arith.addf %add3A_1531, %add3A_1532 : vector<16xf32>
          %max3A_1534 = arith.maximumf %get3A_1413, %get3A_1420 : vector<16xf32>
          %max3A_1535 = arith.maximumf %get3A_1427, %get3A_1434 : vector<16xf32>
          %max3A_1536 = arith.maximumf %get3A_1441, %get3A_1448 : vector<16xf32>
          %max3A_1537 = arith.maximumf %get3A_1455, %get3A_1462 : vector<16xf32>
          %max3A_1538 = arith.maximumf %get3A_1469, %get3A_1476 : vector<16xf32>
          %max3A_1539 = arith.maximumf %get3A_1483, %get3A_1490 : vector<16xf32>
          %max3A_1540 = arith.maximumf %get3A_1497, %get3A_1504 : vector<16xf32>
          %max3A_1541 = arith.maximumf %get3A_1511, %get3A_1518 : vector<16xf32>
          %max3A_1542 = arith.maximumf %max3A_1534, %max3A_1535 : vector<16xf32>
          %max3A_1543 = arith.maximumf %max3A_1536, %max3A_1537 : vector<16xf32>
          %max3A_1544 = arith.maximumf %max3A_1538, %max3A_1539 : vector<16xf32>
          %max3A_1545 = arith.maximumf %max3A_1540, %max3A_1541 : vector<16xf32>
          %max3A_1546 = arith.maximumf %max3A_1542, %max3A_1543 : vector<16xf32>
          %max3A_1547 = arith.maximumf %max3A_1544, %max3A_1545 : vector<16xf32>
          %max3A_1548 = arith.maximumf %max3A_1546, %max3A_1547 : vector<16xf32>
          %get3A_1549 = arith.constant 0 : i32
          %get3A_1550 = arith.index_cast %get3A_1549 : i32 to index
          %get3A_1551 = arith.constant 112 : index
          %get3A_1552 = tpu.vector_load %arg12[%get3A_1550, %get3A_1551] {strides = array<i32>} : memref<2x128xf32, #tpu.memory_space<vmem>>, vector<1x16xf32>,
          %get3A_1553 = vector.shape_cast %get3A_1552 : vector<1x16xf32> to vector<16xf32>
          %add3A_1554 = arith.addf %get3A_1553, %add3A_1533 : vector<16xf32>
          %select_n3A_1555 = arith.select %ne3A, %add3A_1533, %add3A_1554 : vector<16xf32>
          %swap3A_1556 = arith.constant 0 : i32
          %swap3A_1557 = arith.index_cast %swap3A_1556 : i32 to index
          %swap3A_1558 = arith.constant 112 : index
          %swap3A_1559 = tpu.vector_load %arg12[%swap3A_1557, %swap3A_1558] {strides = array<i32>} : memref<2x128xf32, #tpu.memory_space<vmem>>, vector<1x16xf32>,
          %swap3A_1560 = vector.shape_cast %swap3A_1559 : vector<1x16xf32> to vector<16xf32>
          %swap3A_1561 = vector.shape_cast %select_n3A_1555 : vector<16xf32> to vector<1x16xf32>
          tpu.vector_store %arg12[%swap3A_1557, %swap3A_1558], %swap3A_1561 {strides = array<i32>} : memref<2x128xf32, #tpu.memory_space<vmem>>, vector<1x16xf32>,
          %get3A_1562 = arith.constant 1 : i32
          %get3A_1563 = arith.index_cast %get3A_1562 : i32 to index
          %get3A_1564 = arith.constant 112 : index
          %get3A_1565 = tpu.vector_load %arg12[%get3A_1563, %get3A_1564] {strides = array<i32>} : memref<2x128xf32, #tpu.memory_space<vmem>>, vector<1x16xf32>,
          %get3A_1566 = vector.shape_cast %get3A_1565 : vector<1x16xf32> to vector<16xf32>
          %max3A_1567 = arith.maximumf %get3A_1566, %max3A_1548 : vector<16xf32>
          %select_n3A_1568 = arith.select %ne3A, %max3A_1548, %max3A_1567 : vector<16xf32>
          %swap3A_1569 = arith.constant 1 : i32
          %swap3A_1570 = arith.index_cast %swap3A_1569 : i32 to index
          %swap3A_1571 = arith.constant 112 : index
          %swap3A_1572 = tpu.vector_load %arg12[%swap3A_1570, %swap3A_1571] {strides = array<i32>} : memref<2x128xf32, #tpu.memory_space<vmem>>, vector<1x16xf32>,
          %swap3A_1573 = vector.shape_cast %swap3A_1572 : vector<1x16xf32> to vector<16xf32>
          %swap3A_1574 = vector.shape_cast %select_n3A_1568 : vector<16xf32> to vector<1x16xf32>
          tpu.vector_store %arg12[%swap3A_1570, %swap3A_1571], %swap3A_1574 {strides = array<i32>} : memref<2x128xf32, #tpu.memory_space<vmem>>, vector<1x16xf32>,
          %swap3A_1575 = arith.constant 0 : i32
          %swap3A_1576 = arith.index_cast %swap3A_1575 : i32 to index
          %swap3A_1577 = memref.load %arg13[%swap3A_1576] : memref<2xi32, #tpu.memory_space<smem>>
          memref.store %squeeze3A, %arg13[%swap3A_1576] : memref<2xi32, #tpu.memory_space<smem>>
          %add3A_1578 = arith.constant 16 : i32
          %add3A_1579 = arith.addi %get3A_229, %add3A_1578 : i32
          %jit3A = arith.constant 16 : i32
          %select_n3A_1580 = arith.select %ne3A, %jit3A, %add3A_1579 : i32
          %swap3A_1581 = arith.constant 1 : i32
          %swap3A_1582 = arith.index_cast %swap3A_1581 : i32 to index
          %swap3A_1583 = memref.load %arg13[%swap3A_1582] : memref<2xi32, #tpu.memory_space<smem>>
          memref.store %select_n3A_1580, %arg13[%swap3A_1582] : memref<2xi32, #tpu.memory_space<smem>>
        } else {
        }
        %not3A = arith.constant true
        %not3A_218 = arith.xori %eq3A, %not3A : i1
        %and3A_219 = arith.andi %ge3A, %not3A_218 : i1
        %convert_element_type3A_220 = arith.extui %and3A_219 : i1 to i32
        %cond3A_221 = arith.constant 0 : i32
        %cond3A_222 = arith.cmpi ne, %convert_element_type3A_220, %cond3A_221 : i32
        scf.if %cond3A_222 {
          %scan3A_224 = arith.constant 0 : i32
          %scan3A_225 = arith.constant 0 : i32
          %scan3A_226 = arith.constant 16 : i32
          %scan3A_227 = arith.addi %scan3A_225, %scan3A_226 : i32
          %scan3A_228 = arith.constant 1 : i32
          %scan3A_229 = scf.for %scan3A_231 = %scan3A_225 to %scan3A_227 step %scan3A_228 iter_args(%scan3A_232 = %scan3A_224) -> (i32)  : i32 {
            %mul3A_233 = arith.constant 256 : i32
            %mul3A_234 = arith.muli %and3A_153, %mul3A_233 : i32
            %add3A_235 = arith.addi %mul3A_234, %mul3A_204 : i32
            %add3A_236 = arith.addi %add3A_235, %scan3A_231 : i32
            %get3A_237 = arith.index_cast %add3A_236 : i32 to index
            %get3A_238 = tpu.vector_load %arg7[%get3A_237] {strides = array<i32>} : memref<512xi32, #tpu.memory_space<vmem>>, vector<16xi32>,
            %get3A_239 = vector.shape_cast %get3A_238 : vector<16xi32> to vector<16xi32>
            %slice3A_240 = vector.extract_strided_slice %get3A_239 {offsets = [0], sizes = [1], strides = [1]} : vector<16xi32> to vector<1xi32>
            %squeeze3A_241 = vector.extract %slice3A_240[0] : i32 from vector<1xi32>
            %get3A_242 = arith.constant 0 : i32
            %get3A_243 = arith.index_cast %get3A_242 : i32 to index
            %get3A_244 = memref.load %arg13[%get3A_243] : memref<2xi32, #tpu.memory_space<smem>>
            %ne3A = arith.cmpi ne, %squeeze3A_241, %get3A_244 : i32
            %convert_element_type3A_245 = arith.extui %ne3A : i1 to i32
            %cond3A_246 = arith.constant 0 : i32
            %cond3A_247 = arith.cmpi ne, %convert_element_type3A_245, %cond3A_246 : i32
            scf.if %cond3A_247 {
              %get3A_515 = arith.constant 0 : i32
              %get3A_516 = arith.index_cast %get3A_515 : i32 to index
              %get3A_517 = memref.load %arg13[%get3A_516] : memref<2xi32, #tpu.memory_space<smem>>
              %get3A_518 = arith.constant 1 : i32
              %get3A_519 = arith.index_cast %get3A_518 : i32 to index
              %get3A_520 = memref.load %arg13[%get3A_519] : memref<2xi32, #tpu.memory_space<smem>>
              %gt3A_521 = arith.constant 0 : i32
              %gt3A_522 = arith.cmpi sgt, %get3A_520, %gt3A_521 : i32
              %convert_element_type3A_523 = arith.extui %gt3A_522 : i1 to i32
              %cond3A_524 = arith.constant 0 : i32
              %cond3A_525 = arith.cmpi ne, %convert_element_type3A_523, %cond3A_524 : i32
              scf.if %cond3A_525 {
                %get3A_526 = arith.constant 0 : i32
                %get3A_527 = arith.index_cast %get3A_526 : i32 to index
                %get3A_528 = arith.constant 0 : index
                %get3A_529 = tpu.vector_load %arg12[%get3A_527, %get3A_528] {strides = array<i32>} : memref<2x128xf32, #tpu.memory_space<vmem>>, vector<1x16xf32>,
                %get3A_530 = vector.shape_cast %get3A_529 : vector<1x16xf32> to vector<16xf32>
                %add3A_531 = arith.addf %get3A_530, %broadcast_in_dim3A_4 : vector<16xf32>
                %swap3A_532 = arith.index_cast %get3A_517 : i32 to index
                %swap3A_533 = arith.constant 0 : index
                %swap3A_534 = tpu.vector_load %arg9[%swap3A_532, %swap3A_533] {strides = array<i32>} : memref<256x128xf32, #tpu.memory_space<vmem>>, vector<1x16xf32>,
                %swap3A_535 = vector.shape_cast %swap3A_534 : vector<1x16xf32> to vector<16xf32>
                %swap3A_536 = vector.shape_cast %add3A_531 : vector<16xf32> to vector<1x16xf32>
                tpu.vector_store %arg9[%swap3A_532, %swap3A_533], %swap3A_536 {strides = array<i32>} : memref<256x128xf32, #tpu.memory_space<vmem>>, vector<1x16xf32>,
                %get3A_537 = arith.constant 1 : i32
                %get3A_538 = arith.index_cast %get3A_537 : i32 to index
                %get3A_539 = arith.constant 0 : index
                %get3A_540 = tpu.vector_load %arg12[%get3A_538, %get3A_539] {strides = array<i32>} : memref<2x128xf32, #tpu.memory_space<vmem>>, vector<1x16xf32>,
                %get3A_541 = vector.shape_cast %get3A_540 : vector<1x16xf32> to vector<16xf32>
                %max3A_542 = arith.maximumf %get3A_541, %broadcast_in_dim3A_6 : vector<16xf32>
                %swap3A_543 = arith.index_cast %get3A_517 : i32 to index
                %swap3A_544 = arith.constant 0 : index
                %swap3A_545 = tpu.vector_load %arg10[%swap3A_543, %swap3A_544] {strides = array<i32>} : memref<256x128xf32, #tpu.memory_space<vmem>>, vector<1x16xf32>,
                %swap3A_546 = vector.shape_cast %swap3A_545 : vector<1x16xf32> to vector<16xf32>
                %swap3A_547 = vector.shape_cast %max3A_542 : vector<16xf32> to vector<1x16xf32>
                tpu.vector_store %arg10[%swap3A_543, %swap3A_544], %swap3A_547 {strides = array<i32>} : memref<256x128xf32, #tpu.memory_space<vmem>>, vector<1x16xf32>,
                %get3A_548 = arith.constant 0 : i32
                %get3A_549 = arith.index_cast %get3A_548 : i32 to index
                %get3A_550 = arith.constant 16 : index
                %get3A_551 = tpu.vector_load %arg12[%get3A_549, %get3A_550] {strides = array<i32>} : memref<2x128xf32, #tpu.memory_space<vmem>>, vector<1x16xf32>,
                %get3A_552 = vector.shape_cast %get3A_551 : vector<1x16xf32> to vector<16xf32>
                %add3A_553 = arith.addf %get3A_552, %broadcast_in_dim3A_4 : vector<16xf32>
                %swap3A_554 = arith.index_cast %get3A_517 : i32 to index
                %swap3A_555 = arith.constant 16 : index
                %swap3A_556 = tpu.vector_load %arg9[%swap3A_554, %swap3A_555] {strides = array<i32>} : memref<256x128xf32, #tpu.memory_space<vmem>>, vector<1x16xf32>,
                %swap3A_557 = vector.shape_cast %swap3A_556 : vector<1x16xf32> to vector<16xf32>
                %swap3A_558 = vector.shape_cast %add3A_553 : vector<16xf32> to vector<1x16xf32>
                tpu.vector_store %arg9[%swap3A_554, %swap3A_555], %swap3A_558 {strides = array<i32>} : memref<256x128xf32, #tpu.memory_space<vmem>>, vector<1x16xf32>,
                %get3A_559 = arith.constant 1 : i32
                %get3A_560 = arith.index_cast %get3A_559 : i32 to index
                %get3A_561 = arith.constant 16 : index
                %get3A_562 = tpu.vector_load %arg12[%get3A_560, %get3A_561] {strides = array<i32>} : memref<2x128xf32, #tpu.memory_space<vmem>>, vector<1x16xf32>,
                %get3A_563 = vector.shape_cast %get3A_562 : vector<1x16xf32> to vector<16xf32>
                %max3A_564 = arith.maximumf %get3A_563, %broadcast_in_dim3A_6 : vector<16xf32>
                %swap3A_565 = arith.index_cast %get3A_517 : i32 to index
                %swap3A_566 = arith.constant 16 : index
                %swap3A_567 = tpu.vector_load %arg10[%swap3A_565, %swap3A_566] {strides = array<i32>} : memref<256x128xf32, #tpu.memory_space<vmem>>, vector<1x16xf32>,
                %swap3A_568 = vector.shape_cast %swap3A_567 : vector<1x16xf32> to vector<16xf32>
                %swap3A_569 = vector.shape_cast %max3A_564 : vector<16xf32> to vector<1x16xf32>
                tpu.vector_store %arg10[%swap3A_565, %swap3A_566], %swap3A_569 {strides = array<i32>} : memref<256x128xf32, #tpu.memory_space<vmem>>, vector<1x16xf32>,
                %get3A_570 = arith.constant 0 : i32
                %get3A_571 = arith.index_cast %get3A_570 : i32 to index
                %get3A_572 = arith.constant 32 : index
                %get3A_573 = tpu.vector_load %arg12[%get3A_571, %get3A_572] {strides = array<i32>} : memref<2x128xf32, #tpu.memory_space<vmem>>, vector<1x16xf32>,
                %get3A_574 = vector.shape_cast %get3A_573 : vector<1x16xf32> to vector<16xf32>
                %add3A_575 = arith.addf %get3A_574, %broadcast_in_dim3A_4 : vector<16xf32>
                %swap3A_576 = arith.index_cast %get3A_517 : i32 to index
                %swap3A_577 = arith.constant 32 : index
                %swap3A_578 = tpu.vector_load %arg9[%swap3A_576, %swap3A_577] {strides = array<i32>} : memref<256x128xf32, #tpu.memory_space<vmem>>, vector<1x16xf32>,
                %swap3A_579 = vector.shape_cast %swap3A_578 : vector<1x16xf32> to vector<16xf32>
                %swap3A_580 = vector.shape_cast %add3A_575 : vector<16xf32> to vector<1x16xf32>
                tpu.vector_store %arg9[%swap3A_576, %swap3A_577], %swap3A_580 {strides = array<i32>} : memref<256x128xf32, #tpu.memory_space<vmem>>, vector<1x16xf32>,
                %get3A_581 = arith.constant 1 : i32
                %get3A_582 = arith.index_cast %get3A_581 : i32 to index
                %get3A_583 = arith.constant 32 : index
                %get3A_584 = tpu.vector_load %arg12[%get3A_582, %get3A_583] {strides = array<i32>} : memref<2x128xf32, #tpu.memory_space<vmem>>, vector<1x16xf32>,
                %get3A_585 = vector.shape_cast %get3A_584 : vector<1x16xf32> to vector<16xf32>
                %max3A_586 = arith.maximumf %get3A_585, %broadcast_in_dim3A_6 : vector<16xf32>
                %swap3A_587 = arith.index_cast %get3A_517 : i32 to index
                %swap3A_588 = arith.constant 32 : index
                %swap3A_589 = tpu.vector_load %arg10[%swap3A_587, %swap3A_588] {strides = array<i32>} : memref<256x128xf32, #tpu.memory_space<vmem>>, vector<1x16xf32>,
                %swap3A_590 = vector.shape_cast %swap3A_589 : vector<1x16xf32> to vector<16xf32>
                %swap3A_591 = vector.shape_cast %max3A_586 : vector<16xf32> to vector<1x16xf32>
                tpu.vector_store %arg10[%swap3A_587, %swap3A_588], %swap3A_591 {strides = array<i32>} : memref<256x128xf32, #tpu.memory_space<vmem>>, vector<1x16xf32>,
                %get3A_592 = arith.constant 0 : i32
                %get3A_593 = arith.index_cast %get3A_592 : i32 to index
                %get3A_594 = arith.constant 48 : index
                %get3A_595 = tpu.vector_load %arg12[%get3A_593, %get3A_594] {strides = array<i32>} : memref<2x128xf32, #tpu.memory_space<vmem>>, vector<1x16xf32>,
                %get3A_596 = vector.shape_cast %get3A_595 : vector<1x16xf32> to vector<16xf32>
                %add3A_597 = arith.addf %get3A_596, %broadcast_in_dim3A_4 : vector<16xf32>
                %swap3A_598 = arith.index_cast %get3A_517 : i32 to index
                %swap3A_599 = arith.constant 48 : index
                %swap3A_600 = tpu.vector_load %arg9[%swap3A_598, %swap3A_599] {strides = array<i32>} : memref<256x128xf32, #tpu.memory_space<vmem>>, vector<1x16xf32>,
                %swap3A_601 = vector.shape_cast %swap3A_600 : vector<1x16xf32> to vector<16xf32>
                %swap3A_602 = vector.shape_cast %add3A_597 : vector<16xf32> to vector<1x16xf32>
                tpu.vector_store %arg9[%swap3A_598, %swap3A_599], %swap3A_602 {strides = array<i32>} : memref<256x128xf32, #tpu.memory_space<vmem>>, vector<1x16xf32>,
                %get3A_603 = arith.constant 1 : i32
                %get3A_604 = arith.index_cast %get3A_603 : i32 to index
                %get3A_605 = arith.constant 48 : index
                %get3A_606 = tpu.vector_load %arg12[%get3A_604, %get3A_605] {strides = array<i32>} : memref<2x128xf32, #tpu.memory_space<vmem>>, vector<1x16xf32>,
                %get3A_607 = vector.shape_cast %get3A_606 : vector<1x16xf32> to vector<16xf32>
                %max3A_608 = arith.maximumf %get3A_607, %broadcast_in_dim3A_6 : vector<16xf32>
                %swap3A_609 = arith.index_cast %get3A_517 : i32 to index
                %swap3A_610 = arith.constant 48 : index
                %swap3A_611 = tpu.vector_load %arg10[%swap3A_609, %swap3A_610] {strides = array<i32>} : memref<256x128xf32, #tpu.memory_space<vmem>>, vector<1x16xf32>,
                %swap3A_612 = vector.shape_cast %swap3A_611 : vector<1x16xf32> to vector<16xf32>
                %swap3A_613 = vector.shape_cast %max3A_608 : vector<16xf32> to vector<1x16xf32>
                tpu.vector_store %arg10[%swap3A_609, %swap3A_610], %swap3A_613 {strides = array<i32>} : memref<256x128xf32, #tpu.memory_space<vmem>>, vector<1x16xf32>,
                %get3A_614 = arith.constant 0 : i32
                %get3A_615 = arith.index_cast %get3A_614 : i32 to index
                %get3A_616 = arith.constant 64 : index
                %get3A_617 = tpu.vector_load %arg12[%get3A_615, %get3A_616] {strides = array<i32>} : memref<2x128xf32, #tpu.memory_space<vmem>>, vector<1x16xf32>,
                %get3A_618 = vector.shape_cast %get3A_617 : vector<1x16xf32> to vector<16xf32>
                %add3A_619 = arith.addf %get3A_618, %broadcast_in_dim3A_4 : vector<16xf32>
                %swap3A_620 = arith.index_cast %get3A_517 : i32 to index
                %swap3A_621 = arith.constant 64 : index
                %swap3A_622 = tpu.vector_load %arg9[%swap3A_620, %swap3A_621] {strides = array<i32>} : memref<256x128xf32, #tpu.memory_space<vmem>>, vector<1x16xf32>,
                %swap3A_623 = vector.shape_cast %swap3A_622 : vector<1x16xf32> to vector<16xf32>
                %swap3A_624 = vector.shape_cast %add3A_619 : vector<16xf32> to vector<1x16xf32>
                tpu.vector_store %arg9[%swap3A_620, %swap3A_621], %swap3A_624 {strides = array<i32>} : memref<256x128xf32, #tpu.memory_space<vmem>>, vector<1x16xf32>,
                %get3A_625 = arith.constant 1 : i32
                %get3A_626 = arith.index_cast %get3A_625 : i32 to index
                %get3A_627 = arith.constant 64 : index
                %get3A_628 = tpu.vector_load %arg12[%get3A_626, %get3A_627] {strides = array<i32>} : memref<2x128xf32, #tpu.memory_space<vmem>>, vector<1x16xf32>,
                %get3A_629 = vector.shape_cast %get3A_628 : vector<1x16xf32> to vector<16xf32>
                %max3A_630 = arith.maximumf %get3A_629, %broadcast_in_dim3A_6 : vector<16xf32>
                %swap3A_631 = arith.index_cast %get3A_517 : i32 to index
                %swap3A_632 = arith.constant 64 : index
                %swap3A_633 = tpu.vector_load %arg10[%swap3A_631, %swap3A_632] {strides = array<i32>} : memref<256x128xf32, #tpu.memory_space<vmem>>, vector<1x16xf32>,
                %swap3A_634 = vector.shape_cast %swap3A_633 : vector<1x16xf32> to vector<16xf32>
                %swap3A_635 = vector.shape_cast %max3A_630 : vector<16xf32> to vector<1x16xf32>
                tpu.vector_store %arg10[%swap3A_631, %swap3A_632], %swap3A_635 {strides = array<i32>} : memref<256x128xf32, #tpu.memory_space<vmem>>, vector<1x16xf32>,
                %get3A_636 = arith.constant 0 : i32
                %get3A_637 = arith.index_cast %get3A_636 : i32 to index
                %get3A_638 = arith.constant 80 : index
                %get3A_639 = tpu.vector_load %arg12[%get3A_637, %get3A_638] {strides = array<i32>} : memref<2x128xf32, #tpu.memory_space<vmem>>, vector<1x16xf32>,
                %get3A_640 = vector.shape_cast %get3A_639 : vector<1x16xf32> to vector<16xf32>
                %add3A_641 = arith.addf %get3A_640, %broadcast_in_dim3A_4 : vector<16xf32>
                %swap3A_642 = arith.index_cast %get3A_517 : i32 to index
                %swap3A_643 = arith.constant 80 : index
                %swap3A_644 = tpu.vector_load %arg9[%swap3A_642, %swap3A_643] {strides = array<i32>} : memref<256x128xf32, #tpu.memory_space<vmem>>, vector<1x16xf32>,
                %swap3A_645 = vector.shape_cast %swap3A_644 : vector<1x16xf32> to vector<16xf32>
                %swap3A_646 = vector.shape_cast %add3A_641 : vector<16xf32> to vector<1x16xf32>
                tpu.vector_store %arg9[%swap3A_642, %swap3A_643], %swap3A_646 {strides = array<i32>} : memref<256x128xf32, #tpu.memory_space<vmem>>, vector<1x16xf32>,
                %get3A_647 = arith.constant 1 : i32
                %get3A_648 = arith.index_cast %get3A_647 : i32 to index
                %get3A_649 = arith.constant 80 : index
                %get3A_650 = tpu.vector_load %arg12[%get3A_648, %get3A_649] {strides = array<i32>} : memref<2x128xf32, #tpu.memory_space<vmem>>, vector<1x16xf32>,
                %get3A_651 = vector.shape_cast %get3A_650 : vector<1x16xf32> to vector<16xf32>
                %max3A_652 = arith.maximumf %get3A_651, %broadcast_in_dim3A_6 : vector<16xf32>
                %swap3A_653 = arith.index_cast %get3A_517 : i32 to index
                %swap3A_654 = arith.constant 80 : index
                %swap3A_655 = tpu.vector_load %arg10[%swap3A_653, %swap3A_654] {strides = array<i32>} : memref<256x128xf32, #tpu.memory_space<vmem>>, vector<1x16xf32>,
                %swap3A_656 = vector.shape_cast %swap3A_655 : vector<1x16xf32> to vector<16xf32>
                %swap3A_657 = vector.shape_cast %max3A_652 : vector<16xf32> to vector<1x16xf32>
                tpu.vector_store %arg10[%swap3A_653, %swap3A_654], %swap3A_657 {strides = array<i32>} : memref<256x128xf32, #tpu.memory_space<vmem>>, vector<1x16xf32>,
                %get3A_658 = arith.constant 0 : i32
                %get3A_659 = arith.index_cast %get3A_658 : i32 to index
                %get3A_660 = arith.constant 96 : index
                %get3A_661 = tpu.vector_load %arg12[%get3A_659, %get3A_660] {strides = array<i32>} : memref<2x128xf32, #tpu.memory_space<vmem>>, vector<1x16xf32>,
                %get3A_662 = vector.shape_cast %get3A_661 : vector<1x16xf32> to vector<16xf32>
                %add3A_663 = arith.addf %get3A_662, %broadcast_in_dim3A_4 : vector<16xf32>
                %swap3A_664 = arith.index_cast %get3A_517 : i32 to index
                %swap3A_665 = arith.constant 96 : index
                %swap3A_666 = tpu.vector_load %arg9[%swap3A_664, %swap3A_665] {strides = array<i32>} : memref<256x128xf32, #tpu.memory_space<vmem>>, vector<1x16xf32>,
                %swap3A_667 = vector.shape_cast %swap3A_666 : vector<1x16xf32> to vector<16xf32>
                %swap3A_668 = vector.shape_cast %add3A_663 : vector<16xf32> to vector<1x16xf32>
                tpu.vector_store %arg9[%swap3A_664, %swap3A_665], %swap3A_668 {strides = array<i32>} : memref<256x128xf32, #tpu.memory_space<vmem>>, vector<1x16xf32>,
                %get3A_669 = arith.constant 1 : i32
                %get3A_670 = arith.index_cast %get3A_669 : i32 to index
                %get3A_671 = arith.constant 96 : index
                %get3A_672 = tpu.vector_load %arg12[%get3A_670, %get3A_671] {strides = array<i32>} : memref<2x128xf32, #tpu.memory_space<vmem>>, vector<1x16xf32>,
                %get3A_673 = vector.shape_cast %get3A_672 : vector<1x16xf32> to vector<16xf32>
                %max3A_674 = arith.maximumf %get3A_673, %broadcast_in_dim3A_6 : vector<16xf32>
                %swap3A_675 = arith.index_cast %get3A_517 : i32 to index
                %swap3A_676 = arith.constant 96 : index
                %swap3A_677 = tpu.vector_load %arg10[%swap3A_675, %swap3A_676] {strides = array<i32>} : memref<256x128xf32, #tpu.memory_space<vmem>>, vector<1x16xf32>,
                %swap3A_678 = vector.shape_cast %swap3A_677 : vector<1x16xf32> to vector<16xf32>
                %swap3A_679 = vector.shape_cast %max3A_674 : vector<16xf32> to vector<1x16xf32>
                tpu.vector_store %arg10[%swap3A_675, %swap3A_676], %swap3A_679 {strides = array<i32>} : memref<256x128xf32, #tpu.memory_space<vmem>>, vector<1x16xf32>,
                %get3A_680 = arith.constant 0 : i32
                %get3A_681 = arith.index_cast %get3A_680 : i32 to index
                %get3A_682 = arith.constant 112 : index
                %get3A_683 = tpu.vector_load %arg12[%get3A_681, %get3A_682] {strides = array<i32>} : memref<2x128xf32, #tpu.memory_space<vmem>>, vector<1x16xf32>,
                %get3A_684 = vector.shape_cast %get3A_683 : vector<1x16xf32> to vector<16xf32>
                %add3A_685 = arith.addf %get3A_684, %broadcast_in_dim3A_4 : vector<16xf32>
                %swap3A_686 = arith.index_cast %get3A_517 : i32 to index
                %swap3A_687 = arith.constant 112 : index
                %swap3A_688 = tpu.vector_load %arg9[%swap3A_686, %swap3A_687] {strides = array<i32>} : memref<256x128xf32, #tpu.memory_space<vmem>>, vector<1x16xf32>,
                %swap3A_689 = vector.shape_cast %swap3A_688 : vector<1x16xf32> to vector<16xf32>
                %swap3A_690 = vector.shape_cast %add3A_685 : vector<16xf32> to vector<1x16xf32>
                tpu.vector_store %arg9[%swap3A_686, %swap3A_687], %swap3A_690 {strides = array<i32>} : memref<256x128xf32, #tpu.memory_space<vmem>>, vector<1x16xf32>,
                %get3A_691 = arith.constant 1 : i32
                %get3A_692 = arith.index_cast %get3A_691 : i32 to index
                %get3A_693 = arith.constant 112 : index
                %get3A_694 = tpu.vector_load %arg12[%get3A_692, %get3A_693] {strides = array<i32>} : memref<2x128xf32, #tpu.memory_space<vmem>>, vector<1x16xf32>,
                %get3A_695 = vector.shape_cast %get3A_694 : vector<1x16xf32> to vector<16xf32>
                %max3A_696 = arith.maximumf %get3A_695, %broadcast_in_dim3A_6 : vector<16xf32>
                %swap3A_697 = arith.index_cast %get3A_517 : i32 to index
                %swap3A_698 = arith.constant 112 : index
                %swap3A_699 = tpu.vector_load %arg10[%swap3A_697, %swap3A_698] {strides = array<i32>} : memref<256x128xf32, #tpu.memory_space<vmem>>, vector<1x16xf32>,
                %swap3A_700 = vector.shape_cast %swap3A_699 : vector<1x16xf32> to vector<16xf32>
                %swap3A_701 = vector.shape_cast %max3A_696 : vector<16xf32> to vector<1x16xf32>
                tpu.vector_store %arg10[%swap3A_697, %swap3A_698], %swap3A_701 {strides = array<i32>} : memref<256x128xf32, #tpu.memory_space<vmem>>, vector<1x16xf32>,
                %jit3A_702 = arith.constant 16 : i32
                %div3A = arith.divsi %get3A_517, %jit3A_702 : i32
                %sign3A = arith.constant 0 : i32
                %sign3A_703 = arith.cmpi sgt, %get3A_517, %sign3A : i32
                %sign3A_704 = arith.extui %sign3A_703 : i1 to i32
                %sign3A_705 = arith.constant 0 : i32
                %sign3A_706 = arith.cmpi slt, %get3A_517, %sign3A_705 : i32
                %sign3A_707 = arith.extui %sign3A_706 : i1 to i32
                %sign3A_708 = arith.subi %sign3A_704, %sign3A_707 : i32
                %sign3A_709 = arith.constant 0 : i32
                %sign3A_710 = arith.cmpi sgt, %jit3A_702, %sign3A_709 : i32
                %sign3A_711 = arith.extui %sign3A_710 : i1 to i32
                %sign3A_712 = arith.constant 0 : i32
                %sign3A_713 = arith.cmpi slt, %jit3A_702, %sign3A_712 : i32
                %sign3A_714 = arith.extui %sign3A_713 : i1 to i32
                %sign3A_715 = arith.subi %sign3A_711, %sign3A_714 : i32
                %ne3A_716 = arith.cmpi ne, %sign3A_708, %sign3A_715 : i32
                %rem3A = arith.remsi %get3A_517, %jit3A_702 : i32
                %ne3A_717 = arith.constant 0 : i32
                %ne3A_718 = arith.cmpi ne, %rem3A, %ne3A_717 : i32
                %and3A_719 = arith.andi %ne3A_716, %ne3A_718 : i1
                %sub3A_720 = arith.constant 1 : i32
                %sub3A_721 = arith.subi %div3A, %sub3A_720 : i32
                %select_n3A_722 = arith.select %and3A_719, %sub3A_721, %div3A : i32
                %convert_element_type3A_723 = arith.sitofp %get3A_520 : i32 to f32
                %add3A_724 = vector.broadcast %convert_element_type3A_723 : f32 to vector<16xf32>
                %add3A_725 = arith.addf %broadcast_in_dim3A_4, %add3A_724 : vector<16xf32>
                %jit3A_726 = arith.constant 16 : i32
                %eq3A_727 = arith.constant 0 : i32
                %eq3A_728 = arith.cmpi eq, %jit3A_726, %eq3A_727 : i32
                %jit3A_729 = arith.constant 1 : i32
                %select_n3A_730 = arith.select %eq3A_728, %jit3A_729, %jit3A_726 : i32
                %rem3A_731 = arith.remsi %get3A_517, %select_n3A_730 : i32
                %ne3A_732 = arith.constant 0 : i32
                %ne3A_733 = arith.cmpi ne, %rem3A_731, %ne3A_732 : i32
                %lt3A_734 = arith.constant 0 : i32
                %lt3A_735 = arith.cmpi slt, %rem3A_731, %lt3A_734 : i32
                %lt3A_736 = arith.constant 0 : i32
                %lt3A_737 = arith.cmpi slt, %select_n3A_730, %lt3A_736 : i32
                %ne3A_738 = arith.xori %lt3A_735, %lt3A_737 : i1
                %and3A_739 = arith.andi %ne3A_738, %ne3A_733 : i1
                %add3A_740 = arith.addi %rem3A_731, %select_n3A_730 : i32
                %select_n3A_741 = arith.select %and3A_739, %add3A_740, %rem3A_731 : i32
                %eq3A_742 = vector.broadcast %select_n3A_741 : i32 to vector<16xi32>
                %eq3A_743 = arith.cmpi eq, %iota3A, %eq3A_742 : vector<16xi32>
                %get3A_744 = arith.index_cast %select_n3A_722 : i32 to index
                %get3A_745 = arith.constant 0 : index
                %get3A_746 = tpu.vector_load %arg11[%get3A_744, %get3A_745] {strides = array<i32>} : memref<16x16xf32, #tpu.memory_space<vmem>>, vector<1x16xf32>,
                %get3A_747 = vector.shape_cast %get3A_746 : vector<1x16xf32> to vector<16xf32>
                %select_n3A_748 = arith.select %eq3A_743, %add3A_725, %get3A_747 : vector<16xi1>, vector<16xf32>
                %swap3A_749 = arith.index_cast %select_n3A_722 : i32 to index
                %swap3A_750 = arith.constant 0 : index
                %swap3A_751 = tpu.vector_load %arg11[%swap3A_749, %swap3A_750] {strides = array<i32>} : memref<16x16xf32, #tpu.memory_space<vmem>>, vector<1x16xf32>,
                %swap3A_752 = vector.shape_cast %swap3A_751 : vector<1x16xf32> to vector<16xf32>
                %swap3A_753 = vector.shape_cast %select_n3A_748 : vector<16xf32> to vector<1x16xf32>
                tpu.vector_store %arg11[%swap3A_749, %swap3A_750], %swap3A_753 {strides = array<i32>} : memref<16x16xf32, #tpu.memory_space<vmem>>, vector<1x16xf32>,
              } else {
              }
            } else {
            }
            %add3A_248 = arith.addi %mul3A_204, %scan3A_231 : i32
            %get3A_249 = arith.index_cast %and3A_153 : i32 to index
            %get3A_250 = arith.index_cast %add3A_248 : i32 to index
            %get3A_251 = arith.constant 0 : index
            %get3A_252 = tpu.vector_load %arg8[%get3A_249, %get3A_250, %get3A_251] {strides = array<i32>} : memref<2x224x128xf32, #tpu.memory_space<vmem>>, vector<1x1x16xf32>,
            %get3A_253 = vector.shape_cast %get3A_252 : vector<1x1x16xf32> to vector<16xf32>
            %get3A_254 = arith.constant 0 : i32
            %get3A_255 = arith.index_cast %get3A_254 : i32 to index
            %get3A_256 = arith.constant 0 : index
            %get3A_257 = tpu.vector_load %arg12[%get3A_255, %get3A_256] {strides = array<i32>} : memref<2x128xf32, #tpu.memory_space<vmem>>, vector<1x16xf32>,
            %get3A_258 = vector.shape_cast %get3A_257 : vector<1x16xf32> to vector<16xf32>
            %add3A_259 = arith.addf %get3A_258, %get3A_253 : vector<16xf32>
            %select_n3A = arith.select %ne3A, %get3A_253, %add3A_259 : vector<16xf32>
            %swap3A_260 = arith.constant 0 : i32
            %swap3A_261 = arith.index_cast %swap3A_260 : i32 to index
            %swap3A_262 = arith.constant 0 : index
            %swap3A_263 = tpu.vector_load %arg12[%swap3A_261, %swap3A_262] {strides = array<i32>} : memref<2x128xf32, #tpu.memory_space<vmem>>, vector<1x16xf32>,
            %swap3A_264 = vector.shape_cast %swap3A_263 : vector<1x16xf32> to vector<16xf32>
            %swap3A_265 = vector.shape_cast %select_n3A : vector<16xf32> to vector<1x16xf32>
            tpu.vector_store %arg12[%swap3A_261, %swap3A_262], %swap3A_265 {strides = array<i32>} : memref<2x128xf32, #tpu.memory_space<vmem>>, vector<1x16xf32>,
            %get3A_266 = arith.constant 1 : i32
            %get3A_267 = arith.index_cast %get3A_266 : i32 to index
            %get3A_268 = arith.constant 0 : index
            %get3A_269 = tpu.vector_load %arg12[%get3A_267, %get3A_268] {strides = array<i32>} : memref<2x128xf32, #tpu.memory_space<vmem>>, vector<1x16xf32>,
            %get3A_270 = vector.shape_cast %get3A_269 : vector<1x16xf32> to vector<16xf32>
            %max3A = arith.maximumf %get3A_270, %get3A_253 : vector<16xf32>
            %select_n3A_271 = arith.select %ne3A, %get3A_253, %max3A : vector<16xf32>
            %swap3A_272 = arith.constant 1 : i32
            %swap3A_273 = arith.index_cast %swap3A_272 : i32 to index
            %swap3A_274 = arith.constant 0 : index
            %swap3A_275 = tpu.vector_load %arg12[%swap3A_273, %swap3A_274] {strides = array<i32>} : memref<2x128xf32, #tpu.memory_space<vmem>>, vector<1x16xf32>,
            %swap3A_276 = vector.shape_cast %swap3A_275 : vector<1x16xf32> to vector<16xf32>
            %swap3A_277 = vector.shape_cast %select_n3A_271 : vector<16xf32> to vector<1x16xf32>
            tpu.vector_store %arg12[%swap3A_273, %swap3A_274], %swap3A_277 {strides = array<i32>} : memref<2x128xf32, #tpu.memory_space<vmem>>, vector<1x16xf32>,
            %add3A_278 = arith.addi %mul3A_204, %scan3A_231 : i32
            %get3A_279 = arith.index_cast %and3A_153 : i32 to index
            %get3A_280 = arith.index_cast %add3A_278 : i32 to index
            %get3A_281 = arith.constant 16 : index
            %get3A_282 = tpu.vector_load %arg8[%get3A_279, %get3A_280, %get3A_281] {strides = array<i32>} : memref<2x224x128xf32, #tpu.memory_space<vmem>>, vector<1x1x16xf32>,
            %get3A_283 = vector.shape_cast %get3A_282 : vector<1x1x16xf32> to vector<16xf32>
            %get3A_284 = arith.constant 0 : i32
            %get3A_285 = arith.index_cast %get3A_284 : i32 to index
            %get3A_286 = arith.constant 16 : index
            %get3A_287 = tpu.vector_load %arg12[%get3A_285, %get3A_286] {strides = array<i32>} : memref<2x128xf32, #tpu.memory_space<vmem>>, vector<1x16xf32>,
            %get3A_288 = vector.shape_cast %get3A_287 : vector<1x16xf32> to vector<16xf32>
            %add3A_289 = arith.addf %get3A_288, %get3A_283 : vector<16xf32>
            %select_n3A_290 = arith.select %ne3A, %get3A_283, %add3A_289 : vector<16xf32>
            %swap3A_291 = arith.constant 0 : i32
            %swap3A_292 = arith.index_cast %swap3A_291 : i32 to index
            %swap3A_293 = arith.constant 16 : index
            %swap3A_294 = tpu.vector_load %arg12[%swap3A_292, %swap3A_293] {strides = array<i32>} : memref<2x128xf32, #tpu.memory_space<vmem>>, vector<1x16xf32>,
            %swap3A_295 = vector.shape_cast %swap3A_294 : vector<1x16xf32> to vector<16xf32>
            %swap3A_296 = vector.shape_cast %select_n3A_290 : vector<16xf32> to vector<1x16xf32>
            tpu.vector_store %arg12[%swap3A_292, %swap3A_293], %swap3A_296 {strides = array<i32>} : memref<2x128xf32, #tpu.memory_space<vmem>>, vector<1x16xf32>,
            %get3A_297 = arith.constant 1 : i32
            %get3A_298 = arith.index_cast %get3A_297 : i32 to index
            %get3A_299 = arith.constant 16 : index
            %get3A_300 = tpu.vector_load %arg12[%get3A_298, %get3A_299] {strides = array<i32>} : memref<2x128xf32, #tpu.memory_space<vmem>>, vector<1x16xf32>,
            %get3A_301 = vector.shape_cast %get3A_300 : vector<1x16xf32> to vector<16xf32>
            %max3A_302 = arith.maximumf %get3A_301, %get3A_283 : vector<16xf32>
            %select_n3A_303 = arith.select %ne3A, %get3A_283, %max3A_302 : vector<16xf32>
            %swap3A_304 = arith.constant 1 : i32
            %swap3A_305 = arith.index_cast %swap3A_304 : i32 to index
            %swap3A_306 = arith.constant 16 : index
            %swap3A_307 = tpu.vector_load %arg12[%swap3A_305, %swap3A_306] {strides = array<i32>} : memref<2x128xf32, #tpu.memory_space<vmem>>, vector<1x16xf32>,
            %swap3A_308 = vector.shape_cast %swap3A_307 : vector<1x16xf32> to vector<16xf32>
            %swap3A_309 = vector.shape_cast %select_n3A_303 : vector<16xf32> to vector<1x16xf32>
            tpu.vector_store %arg12[%swap3A_305, %swap3A_306], %swap3A_309 {strides = array<i32>} : memref<2x128xf32, #tpu.memory_space<vmem>>, vector<1x16xf32>,
            %add3A_310 = arith.addi %mul3A_204, %scan3A_231 : i32
            %get3A_311 = arith.index_cast %and3A_153 : i32 to index
            %get3A_312 = arith.index_cast %add3A_310 : i32 to index
            %get3A_313 = arith.constant 32 : index
            %get3A_314 = tpu.vector_load %arg8[%get3A_311, %get3A_312, %get3A_313] {strides = array<i32>} : memref<2x224x128xf32, #tpu.memory_space<vmem>>, vector<1x1x16xf32>,
            %get3A_315 = vector.shape_cast %get3A_314 : vector<1x1x16xf32> to vector<16xf32>
            %get3A_316 = arith.constant 0 : i32
            %get3A_317 = arith.index_cast %get3A_316 : i32 to index
            %get3A_318 = arith.constant 32 : index
            %get3A_319 = tpu.vector_load %arg12[%get3A_317, %get3A_318] {strides = array<i32>} : memref<2x128xf32, #tpu.memory_space<vmem>>, vector<1x16xf32>,
            %get3A_320 = vector.shape_cast %get3A_319 : vector<1x16xf32> to vector<16xf32>
            %add3A_321 = arith.addf %get3A_320, %get3A_315 : vector<16xf32>
            %select_n3A_322 = arith.select %ne3A, %get3A_315, %add3A_321 : vector<16xf32>
            %swap3A_323 = arith.constant 0 : i32
            %swap3A_324 = arith.index_cast %swap3A_323 : i32 to index
            %swap3A_325 = arith.constant 32 : index
            %swap3A_326 = tpu.vector_load %arg12[%swap3A_324, %swap3A_325] {strides = array<i32>} : memref<2x128xf32, #tpu.memory_space<vmem>>, vector<1x16xf32>,
            %swap3A_327 = vector.shape_cast %swap3A_326 : vector<1x16xf32> to vector<16xf32>
            %swap3A_328 = vector.shape_cast %select_n3A_322 : vector<16xf32> to vector<1x16xf32>
            tpu.vector_store %arg12[%swap3A_324, %swap3A_325], %swap3A_328 {strides = array<i32>} : memref<2x128xf32, #tpu.memory_space<vmem>>, vector<1x16xf32>,
            %get3A_329 = arith.constant 1 : i32
            %get3A_330 = arith.index_cast %get3A_329 : i32 to index
            %get3A_331 = arith.constant 32 : index
            %get3A_332 = tpu.vector_load %arg12[%get3A_330, %get3A_331] {strides = array<i32>} : memref<2x128xf32, #tpu.memory_space<vmem>>, vector<1x16xf32>,
            %get3A_333 = vector.shape_cast %get3A_332 : vector<1x16xf32> to vector<16xf32>
            %max3A_334 = arith.maximumf %get3A_333, %get3A_315 : vector<16xf32>
            %select_n3A_335 = arith.select %ne3A, %get3A_315, %max3A_334 : vector<16xf32>
            %swap3A_336 = arith.constant 1 : i32
            %swap3A_337 = arith.index_cast %swap3A_336 : i32 to index
            %swap3A_338 = arith.constant 32 : index
            %swap3A_339 = tpu.vector_load %arg12[%swap3A_337, %swap3A_338] {strides = array<i32>} : memref<2x128xf32, #tpu.memory_space<vmem>>, vector<1x16xf32>,
            %swap3A_340 = vector.shape_cast %swap3A_339 : vector<1x16xf32> to vector<16xf32>
            %swap3A_341 = vector.shape_cast %select_n3A_335 : vector<16xf32> to vector<1x16xf32>
            tpu.vector_store %arg12[%swap3A_337, %swap3A_338], %swap3A_341 {strides = array<i32>} : memref<2x128xf32, #tpu.memory_space<vmem>>, vector<1x16xf32>,
            %add3A_342 = arith.addi %mul3A_204, %scan3A_231 : i32
            %get3A_343 = arith.index_cast %and3A_153 : i32 to index
            %get3A_344 = arith.index_cast %add3A_342 : i32 to index
            %get3A_345 = arith.constant 48 : index
            %get3A_346 = tpu.vector_load %arg8[%get3A_343, %get3A_344, %get3A_345] {strides = array<i32>} : memref<2x224x128xf32, #tpu.memory_space<vmem>>, vector<1x1x16xf32>,
            %get3A_347 = vector.shape_cast %get3A_346 : vector<1x1x16xf32> to vector<16xf32>
            %get3A_348 = arith.constant 0 : i32
            %get3A_349 = arith.index_cast %get3A_348 : i32 to index
            %get3A_350 = arith.constant 48 : index
            %get3A_351 = tpu.vector_load %arg12[%get3A_349, %get3A_350] {strides = array<i32>} : memref<2x128xf32, #tpu.memory_space<vmem>>, vector<1x16xf32>,
            %get3A_352 = vector.shape_cast %get3A_351 : vector<1x16xf32> to vector<16xf32>
            %add3A_353 = arith.addf %get3A_352, %get3A_347 : vector<16xf32>
            %select_n3A_354 = arith.select %ne3A, %get3A_347, %add3A_353 : vector<16xf32>
            %swap3A_355 = arith.constant 0 : i32
            %swap3A_356 = arith.index_cast %swap3A_355 : i32 to index
            %swap3A_357 = arith.constant 48 : index
            %swap3A_358 = tpu.vector_load %arg12[%swap3A_356, %swap3A_357] {strides = array<i32>} : memref<2x128xf32, #tpu.memory_space<vmem>>, vector<1x16xf32>,
            %swap3A_359 = vector.shape_cast %swap3A_358 : vector<1x16xf32> to vector<16xf32>
            %swap3A_360 = vector.shape_cast %select_n3A_354 : vector<16xf32> to vector<1x16xf32>
            tpu.vector_store %arg12[%swap3A_356, %swap3A_357], %swap3A_360 {strides = array<i32>} : memref<2x128xf32, #tpu.memory_space<vmem>>, vector<1x16xf32>,
            %get3A_361 = arith.constant 1 : i32
            %get3A_362 = arith.index_cast %get3A_361 : i32 to index
            %get3A_363 = arith.constant 48 : index
            %get3A_364 = tpu.vector_load %arg12[%get3A_362, %get3A_363] {strides = array<i32>} : memref<2x128xf32, #tpu.memory_space<vmem>>, vector<1x16xf32>,
            %get3A_365 = vector.shape_cast %get3A_364 : vector<1x16xf32> to vector<16xf32>
            %max3A_366 = arith.maximumf %get3A_365, %get3A_347 : vector<16xf32>
            %select_n3A_367 = arith.select %ne3A, %get3A_347, %max3A_366 : vector<16xf32>
            %swap3A_368 = arith.constant 1 : i32
            %swap3A_369 = arith.index_cast %swap3A_368 : i32 to index
            %swap3A_370 = arith.constant 48 : index
            %swap3A_371 = tpu.vector_load %arg12[%swap3A_369, %swap3A_370] {strides = array<i32>} : memref<2x128xf32, #tpu.memory_space<vmem>>, vector<1x16xf32>,
            %swap3A_372 = vector.shape_cast %swap3A_371 : vector<1x16xf32> to vector<16xf32>
            %swap3A_373 = vector.shape_cast %select_n3A_367 : vector<16xf32> to vector<1x16xf32>
            tpu.vector_store %arg12[%swap3A_369, %swap3A_370], %swap3A_373 {strides = array<i32>} : memref<2x128xf32, #tpu.memory_space<vmem>>, vector<1x16xf32>,
            %add3A_374 = arith.addi %mul3A_204, %scan3A_231 : i32
            %get3A_375 = arith.index_cast %and3A_153 : i32 to index
            %get3A_376 = arith.index_cast %add3A_374 : i32 to index
            %get3A_377 = arith.constant 64 : index
            %get3A_378 = tpu.vector_load %arg8[%get3A_375, %get3A_376, %get3A_377] {strides = array<i32>} : memref<2x224x128xf32, #tpu.memory_space<vmem>>, vector<1x1x16xf32>,
            %get3A_379 = vector.shape_cast %get3A_378 : vector<1x1x16xf32> to vector<16xf32>
            %get3A_380 = arith.constant 0 : i32
            %get3A_381 = arith.index_cast %get3A_380 : i32 to index
            %get3A_382 = arith.constant 64 : index
            %get3A_383 = tpu.vector_load %arg12[%get3A_381, %get3A_382] {strides = array<i32>} : memref<2x128xf32, #tpu.memory_space<vmem>>, vector<1x16xf32>,
            %get3A_384 = vector.shape_cast %get3A_383 : vector<1x16xf32> to vector<16xf32>
            %add3A_385 = arith.addf %get3A_384, %get3A_379 : vector<16xf32>
            %select_n3A_386 = arith.select %ne3A, %get3A_379, %add3A_385 : vector<16xf32>
            %swap3A_387 = arith.constant 0 : i32
            %swap3A_388 = arith.index_cast %swap3A_387 : i32 to index
            %swap3A_389 = arith.constant 64 : index
            %swap3A_390 = tpu.vector_load %arg12[%swap3A_388, %swap3A_389] {strides = array<i32>} : memref<2x128xf32, #tpu.memory_space<vmem>>, vector<1x16xf32>,
            %swap3A_391 = vector.shape_cast %swap3A_390 : vector<1x16xf32> to vector<16xf32>
            %swap3A_392 = vector.shape_cast %select_n3A_386 : vector<16xf32> to vector<1x16xf32>
            tpu.vector_store %arg12[%swap3A_388, %swap3A_389], %swap3A_392 {strides = array<i32>} : memref<2x128xf32, #tpu.memory_space<vmem>>, vector<1x16xf32>,
            %get3A_393 = arith.constant 1 : i32
            %get3A_394 = arith.index_cast %get3A_393 : i32 to index
            %get3A_395 = arith.constant 64 : index
            %get3A_396 = tpu.vector_load %arg12[%get3A_394, %get3A_395] {strides = array<i32>} : memref<2x128xf32, #tpu.memory_space<vmem>>, vector<1x16xf32>,
            %get3A_397 = vector.shape_cast %get3A_396 : vector<1x16xf32> to vector<16xf32>
            %max3A_398 = arith.maximumf %get3A_397, %get3A_379 : vector<16xf32>
            %select_n3A_399 = arith.select %ne3A, %get3A_379, %max3A_398 : vector<16xf32>
            %swap3A_400 = arith.constant 1 : i32
            %swap3A_401 = arith.index_cast %swap3A_400 : i32 to index
            %swap3A_402 = arith.constant 64 : index
            %swap3A_403 = tpu.vector_load %arg12[%swap3A_401, %swap3A_402] {strides = array<i32>} : memref<2x128xf32, #tpu.memory_space<vmem>>, vector<1x16xf32>,
            %swap3A_404 = vector.shape_cast %swap3A_403 : vector<1x16xf32> to vector<16xf32>
            %swap3A_405 = vector.shape_cast %select_n3A_399 : vector<16xf32> to vector<1x16xf32>
            tpu.vector_store %arg12[%swap3A_401, %swap3A_402], %swap3A_405 {strides = array<i32>} : memref<2x128xf32, #tpu.memory_space<vmem>>, vector<1x16xf32>,
            %add3A_406 = arith.addi %mul3A_204, %scan3A_231 : i32
            %get3A_407 = arith.index_cast %and3A_153 : i32 to index
            %get3A_408 = arith.index_cast %add3A_406 : i32 to index
            %get3A_409 = arith.constant 80 : index
            %get3A_410 = tpu.vector_load %arg8[%get3A_407, %get3A_408, %get3A_409] {strides = array<i32>} : memref<2x224x128xf32, #tpu.memory_space<vmem>>, vector<1x1x16xf32>,
            %get3A_411 = vector.shape_cast %get3A_410 : vector<1x1x16xf32> to vector<16xf32>
            %get3A_412 = arith.constant 0 : i32
            %get3A_413 = arith.index_cast %get3A_412 : i32 to index
            %get3A_414 = arith.constant 80 : index
            %get3A_415 = tpu.vector_load %arg12[%get3A_413, %get3A_414] {strides = array<i32>} : memref<2x128xf32, #tpu.memory_space<vmem>>, vector<1x16xf32>,
            %get3A_416 = vector.shape_cast %get3A_415 : vector<1x16xf32> to vector<16xf32>
            %add3A_417 = arith.addf %get3A_416, %get3A_411 : vector<16xf32>
            %select_n3A_418 = arith.select %ne3A, %get3A_411, %add3A_417 : vector<16xf32>
            %swap3A_419 = arith.constant 0 : i32
            %swap3A_420 = arith.index_cast %swap3A_419 : i32 to index
            %swap3A_421 = arith.constant 80 : index
            %swap3A_422 = tpu.vector_load %arg12[%swap3A_420, %swap3A_421] {strides = array<i32>} : memref<2x128xf32, #tpu.memory_space<vmem>>, vector<1x16xf32>,
            %swap3A_423 = vector.shape_cast %swap3A_422 : vector<1x16xf32> to vector<16xf32>
            %swap3A_424 = vector.shape_cast %select_n3A_418 : vector<16xf32> to vector<1x16xf32>
            tpu.vector_store %arg12[%swap3A_420, %swap3A_421], %swap3A_424 {strides = array<i32>} : memref<2x128xf32, #tpu.memory_space<vmem>>, vector<1x16xf32>,
            %get3A_425 = arith.constant 1 : i32
            %get3A_426 = arith.index_cast %get3A_425 : i32 to index
            %get3A_427 = arith.constant 80 : index
            %get3A_428 = tpu.vector_load %arg12[%get3A_426, %get3A_427] {strides = array<i32>} : memref<2x128xf32, #tpu.memory_space<vmem>>, vector<1x16xf32>,
            %get3A_429 = vector.shape_cast %get3A_428 : vector<1x16xf32> to vector<16xf32>
            %max3A_430 = arith.maximumf %get3A_429, %get3A_411 : vector<16xf32>
            %select_n3A_431 = arith.select %ne3A, %get3A_411, %max3A_430 : vector<16xf32>
            %swap3A_432 = arith.constant 1 : i32
            %swap3A_433 = arith.index_cast %swap3A_432 : i32 to index
            %swap3A_434 = arith.constant 80 : index
            %swap3A_435 = tpu.vector_load %arg12[%swap3A_433, %swap3A_434] {strides = array<i32>} : memref<2x128xf32, #tpu.memory_space<vmem>>, vector<1x16xf32>,
            %swap3A_436 = vector.shape_cast %swap3A_435 : vector<1x16xf32> to vector<16xf32>
            %swap3A_437 = vector.shape_cast %select_n3A_431 : vector<16xf32> to vector<1x16xf32>
            tpu.vector_store %arg12[%swap3A_433, %swap3A_434], %swap3A_437 {strides = array<i32>} : memref<2x128xf32, #tpu.memory_space<vmem>>, vector<1x16xf32>,
            %add3A_438 = arith.addi %mul3A_204, %scan3A_231 : i32
            %get3A_439 = arith.index_cast %and3A_153 : i32 to index
            %get3A_440 = arith.index_cast %add3A_438 : i32 to index
            %get3A_441 = arith.constant 96 : index
            %get3A_442 = tpu.vector_load %arg8[%get3A_439, %get3A_440, %get3A_441] {strides = array<i32>} : memref<2x224x128xf32, #tpu.memory_space<vmem>>, vector<1x1x16xf32>,
            %get3A_443 = vector.shape_cast %get3A_442 : vector<1x1x16xf32> to vector<16xf32>
            %get3A_444 = arith.constant 0 : i32
            %get3A_445 = arith.index_cast %get3A_444 : i32 to index
            %get3A_446 = arith.constant 96 : index
            %get3A_447 = tpu.vector_load %arg12[%get3A_445, %get3A_446] {strides = array<i32>} : memref<2x128xf32, #tpu.memory_space<vmem>>, vector<1x16xf32>,
            %get3A_448 = vector.shape_cast %get3A_447 : vector<1x16xf32> to vector<16xf32>
            %add3A_449 = arith.addf %get3A_448, %get3A_443 : vector<16xf32>
            %select_n3A_450 = arith.select %ne3A, %get3A_443, %add3A_449 : vector<16xf32>
            %swap3A_451 = arith.constant 0 : i32
            %swap3A_452 = arith.index_cast %swap3A_451 : i32 to index
            %swap3A_453 = arith.constant 96 : index
            %swap3A_454 = tpu.vector_load %arg12[%swap3A_452, %swap3A_453] {strides = array<i32>} : memref<2x128xf32, #tpu.memory_space<vmem>>, vector<1x16xf32>,
            %swap3A_455 = vector.shape_cast %swap3A_454 : vector<1x16xf32> to vector<16xf32>
            %swap3A_456 = vector.shape_cast %select_n3A_450 : vector<16xf32> to vector<1x16xf32>
            tpu.vector_store %arg12[%swap3A_452, %swap3A_453], %swap3A_456 {strides = array<i32>} : memref<2x128xf32, #tpu.memory_space<vmem>>, vector<1x16xf32>,
            %get3A_457 = arith.constant 1 : i32
            %get3A_458 = arith.index_cast %get3A_457 : i32 to index
            %get3A_459 = arith.constant 96 : index
            %get3A_460 = tpu.vector_load %arg12[%get3A_458, %get3A_459] {strides = array<i32>} : memref<2x128xf32, #tpu.memory_space<vmem>>, vector<1x16xf32>,
            %get3A_461 = vector.shape_cast %get3A_460 : vector<1x16xf32> to vector<16xf32>
            %max3A_462 = arith.maximumf %get3A_461, %get3A_443 : vector<16xf32>
            %select_n3A_463 = arith.select %ne3A, %get3A_443, %max3A_462 : vector<16xf32>
            %swap3A_464 = arith.constant 1 : i32
            %swap3A_465 = arith.index_cast %swap3A_464 : i32 to index
            %swap3A_466 = arith.constant 96 : index
            %swap3A_467 = tpu.vector_load %arg12[%swap3A_465, %swap3A_466] {strides = array<i32>} : memref<2x128xf32, #tpu.memory_space<vmem>>, vector<1x16xf32>,
            %swap3A_468 = vector.shape_cast %swap3A_467 : vector<1x16xf32> to vector<16xf32>
            %swap3A_469 = vector.shape_cast %select_n3A_463 : vector<16xf32> to vector<1x16xf32>
            tpu.vector_store %arg12[%swap3A_465, %swap3A_466], %swap3A_469 {strides = array<i32>} : memref<2x128xf32, #tpu.memory_space<vmem>>, vector<1x16xf32>,
            %add3A_470 = arith.addi %mul3A_204, %scan3A_231 : i32
            %get3A_471 = arith.index_cast %and3A_153 : i32 to index
            %get3A_472 = arith.index_cast %add3A_470 : i32 to index
            %get3A_473 = arith.constant 112 : index
            %get3A_474 = tpu.vector_load %arg8[%get3A_471, %get3A_472, %get3A_473] {strides = array<i32>} : memref<2x224x128xf32, #tpu.memory_space<vmem>>, vector<1x1x16xf32>,
            %get3A_475 = vector.shape_cast %get3A_474 : vector<1x1x16xf32> to vector<16xf32>
            %get3A_476 = arith.constant 0 : i32
            %get3A_477 = arith.index_cast %get3A_476 : i32 to index
            %get3A_478 = arith.constant 112 : index
            %get3A_479 = tpu.vector_load %arg12[%get3A_477, %get3A_478] {strides = array<i32>} : memref<2x128xf32, #tpu.memory_space<vmem>>, vector<1x16xf32>,
            %get3A_480 = vector.shape_cast %get3A_479 : vector<1x16xf32> to vector<16xf32>
            %add3A_481 = arith.addf %get3A_480, %get3A_475 : vector<16xf32>
            %select_n3A_482 = arith.select %ne3A, %get3A_475, %add3A_481 : vector<16xf32>
            %swap3A_483 = arith.constant 0 : i32
            %swap3A_484 = arith.index_cast %swap3A_483 : i32 to index
            %swap3A_485 = arith.constant 112 : index
            %swap3A_486 = tpu.vector_load %arg12[%swap3A_484, %swap3A_485] {strides = array<i32>} : memref<2x128xf32, #tpu.memory_space<vmem>>, vector<1x16xf32>,
            %swap3A_487 = vector.shape_cast %swap3A_486 : vector<1x16xf32> to vector<16xf32>
            %swap3A_488 = vector.shape_cast %select_n3A_482 : vector<16xf32> to vector<1x16xf32>
            tpu.vector_store %arg12[%swap3A_484, %swap3A_485], %swap3A_488 {strides = array<i32>} : memref<2x128xf32, #tpu.memory_space<vmem>>, vector<1x16xf32>,
            %get3A_489 = arith.constant 1 : i32
            %get3A_490 = arith.index_cast %get3A_489 : i32 to index
            %get3A_491 = arith.constant 112 : index
            %get3A_492 = tpu.vector_load %arg12[%get3A_490, %get3A_491] {strides = array<i32>} : memref<2x128xf32, #tpu.memory_space<vmem>>, vector<1x16xf32>,
            %get3A_493 = vector.shape_cast %get3A_492 : vector<1x16xf32> to vector<16xf32>
            %max3A_494 = arith.maximumf %get3A_493, %get3A_475 : vector<16xf32>
            %select_n3A_495 = arith.select %ne3A, %get3A_475, %max3A_494 : vector<16xf32>
            %swap3A_496 = arith.constant 1 : i32
            %swap3A_497 = arith.index_cast %swap3A_496 : i32 to index
            %swap3A_498 = arith.constant 112 : index
            %swap3A_499 = tpu.vector_load %arg12[%swap3A_497, %swap3A_498] {strides = array<i32>} : memref<2x128xf32, #tpu.memory_space<vmem>>, vector<1x16xf32>,
            %swap3A_500 = vector.shape_cast %swap3A_499 : vector<1x16xf32> to vector<16xf32>
            %swap3A_501 = vector.shape_cast %select_n3A_495 : vector<16xf32> to vector<1x16xf32>
            tpu.vector_store %arg12[%swap3A_497, %swap3A_498], %swap3A_501 {strides = array<i32>} : memref<2x128xf32, #tpu.memory_space<vmem>>, vector<1x16xf32>,
            %get3A_502 = arith.constant 1 : i32
            %get3A_503 = arith.index_cast %get3A_502 : i32 to index
            %get3A_504 = memref.load %arg13[%get3A_503] : memref<2xi32, #tpu.memory_space<smem>>
            %swap3A_505 = arith.constant 0 : i32
            %swap3A_506 = arith.index_cast %swap3A_505 : i32 to index
            %swap3A_507 = memref.load %arg13[%swap3A_506] : memref<2xi32, #tpu.memory_space<smem>>
            memref.store %squeeze3A_241, %arg13[%swap3A_506] : memref<2xi32, #tpu.memory_space<smem>>
            %add3A_508 = arith.constant 1 : i32
            %add3A_509 = arith.addi %get3A_504, %add3A_508 : i32
            %jit3A = arith.constant 1 : i32
            %select_n3A_510 = arith.select %ne3A, %jit3A, %add3A_509 : i32
            %swap3A_511 = arith.constant 1 : i32
            %swap3A_512 = arith.index_cast %swap3A_511 : i32 to index
            %swap3A_513 = memref.load %arg13[%swap3A_512] : memref<2xi32, #tpu.memory_space<smem>>
            memref.store %select_n3A_510, %arg13[%swap3A_512] : memref<2xi32, #tpu.memory_space<smem>>
            %scan3A_514 = arith.constant 0 : i32
            scf.yield %scan3A_514 : i32
          }
          %scan3A_230 = arith.constant 16 : i32
        } else {
        }
        %scan3A_223 = arith.constant 0 : i32
        scf.yield %scan3A_223 : i32
      }
      %scan3A_194 = arith.constant 14 : i32
      %scan3A_195 = arith.constant 0 : i32
      scf.yield %scan3A_195 : i32
    }
    %scan3A_143 = arith.constant 14 : i32
    %get3A = arith.constant 0 : i32
    %get3A_144 = arith.index_cast %get3A : i32 to index
    %get3A_145 = memref.load %arg13[%get3A_144] : memref<2xi32, #tpu.memory_space<smem>>
    %get3A_146 = arith.constant 1 : i32
    %get3A_147 = arith.index_cast %get3A_146 : i32 to index
    %get3A_148 = memref.load %arg13[%get3A_147] : memref<2xi32, #tpu.memory_space<smem>>
    %gt3A = arith.constant 0 : i32
    %gt3A_149 = arith.cmpi sgt, %get3A_148, %gt3A : i32
    %convert_element_type3A = arith.extui %gt3A_149 : i1 to i32
    %cond3A = arith.constant 0 : i32
    %cond3A_150 = arith.cmpi ne, %convert_element_type3A, %cond3A : i32
    scf.if %cond3A_150 {
      %get3A_151 = arith.constant 0 : i32
      %get3A_152 = arith.index_cast %get3A_151 : i32 to index
      %get3A_153 = arith.constant 0 : index
      %get3A_154 = tpu.vector_load %arg12[%get3A_152, %get3A_153] {strides = array<i32>} : memref<2x128xf32, #tpu.memory_space<vmem>>, vector<1x16xf32>,
      %get3A_155 = vector.shape_cast %get3A_154 : vector<1x16xf32> to vector<16xf32>
      %add3A_156 = arith.addf %get3A_155, %broadcast_in_dim3A_4 : vector<16xf32>
      %swap3A_157 = arith.index_cast %get3A_145 : i32 to index
      %swap3A_158 = arith.constant 0 : index
      %swap3A_159 = tpu.vector_load %arg9[%swap3A_157, %swap3A_158] {strides = array<i32>} : memref<256x128xf32, #tpu.memory_space<vmem>>, vector<1x16xf32>,
      %swap3A_160 = vector.shape_cast %swap3A_159 : vector<1x16xf32> to vector<16xf32>
      %swap3A_161 = vector.shape_cast %add3A_156 : vector<16xf32> to vector<1x16xf32>
      tpu.vector_store %arg9[%swap3A_157, %swap3A_158], %swap3A_161 {strides = array<i32>} : memref<256x128xf32, #tpu.memory_space<vmem>>, vector<1x16xf32>,
      %get3A_162 = arith.constant 1 : i32
      %get3A_163 = arith.index_cast %get3A_162 : i32 to index
      %get3A_164 = arith.constant 0 : index
      %get3A_165 = tpu.vector_load %arg12[%get3A_163, %get3A_164] {strides = array<i32>} : memref<2x128xf32, #tpu.memory_space<vmem>>, vector<1x16xf32>,
      %get3A_166 = vector.shape_cast %get3A_165 : vector<1x16xf32> to vector<16xf32>
      %max3A = arith.maximumf %get3A_166, %broadcast_in_dim3A_6 : vector<16xf32>
      %swap3A_167 = arith.index_cast %get3A_145 : i32 to index
      %swap3A_168 = arith.constant 0 : index
      %swap3A_169 = tpu.vector_load %arg10[%swap3A_167, %swap3A_168] {strides = array<i32>} : memref<256x128xf32, #tpu.memory_space<vmem>>, vector<1x16xf32>,
      %swap3A_170 = vector.shape_cast %swap3A_169 : vector<1x16xf32> to vector<16xf32>
      %swap3A_171 = vector.shape_cast %max3A : vector<16xf32> to vector<1x16xf32>
      tpu.vector_store %arg10[%swap3A_167, %swap3A_168], %swap3A_171 {strides = array<i32>} : memref<256x128xf32, #tpu.memory_space<vmem>>, vector<1x16xf32>,
      %get3A_172 = arith.constant 0 : i32
      %get3A_173 = arith.index_cast %get3A_172 : i32 to index
      %get3A_174 = arith.constant 16 : index
      %get3A_175 = tpu.vector_load %arg12[%get3A_173, %get3A_174] {strides = array<i32>} : memref<2x128xf32, #tpu.memory_space<vmem>>, vector<1x16xf32>,
      %get3A_176 = vector.shape_cast %get3A_175 : vector<1x16xf32> to vector<16xf32>
      %add3A_177 = arith.addf %get3A_176, %broadcast_in_dim3A_4 : vector<16xf32>
      %swap3A_178 = arith.index_cast %get3A_145 : i32 to index
      %swap3A_179 = arith.constant 16 : index
      %swap3A_180 = tpu.vector_load %arg9[%swap3A_178, %swap3A_179] {strides = array<i32>} : memref<256x128xf32, #tpu.memory_space<vmem>>, vector<1x16xf32>,
      %swap3A_181 = vector.shape_cast %swap3A_180 : vector<1x16xf32> to vector<16xf32>
      %swap3A_182 = vector.shape_cast %add3A_177 : vector<16xf32> to vector<1x16xf32>
      tpu.vector_store %arg9[%swap3A_178, %swap3A_179], %swap3A_182 {strides = array<i32>} : memref<256x128xf32, #tpu.memory_space<vmem>>, vector<1x16xf32>,
      %get3A_183 = arith.constant 1 : i32
      %get3A_184 = arith.index_cast %get3A_183 : i32 to index
      %get3A_185 = arith.constant 16 : index
      %get3A_186 = tpu.vector_load %arg12[%get3A_184, %get3A_185] {strides = array<i32>} : memref<2x128xf32, #tpu.memory_space<vmem>>, vector<1x16xf32>,
      %get3A_187 = vector.shape_cast %get3A_186 : vector<1x16xf32> to vector<16xf32>
      %max3A_188 = arith.maximumf %get3A_187, %broadcast_in_dim3A_6 : vector<16xf32>
      %swap3A_189 = arith.index_cast %get3A_145 : i32 to index
      %swap3A_190 = arith.constant 16 : index
      %swap3A_191 = tpu.vector_load %arg10[%swap3A_189, %swap3A_190] {strides = array<i32>} : memref<256x128xf32, #tpu.memory_space<vmem>>, vector<1x16xf32>,
      %swap3A_192 = vector.shape_cast %swap3A_191 : vector<1x16xf32> to vector<16xf32>
      %swap3A_193 = vector.shape_cast %max3A_188 : vector<16xf32> to vector<1x16xf32>
      tpu.vector_store %arg10[%swap3A_189, %swap3A_190], %swap3A_193 {strides = array<i32>} : memref<256x128xf32, #tpu.memory_space<vmem>>, vector<1x16xf32>,
      %get3A_194 = arith.constant 0 : i32
      %get3A_195 = arith.index_cast %get3A_194 : i32 to index
      %get3A_196 = arith.constant 32 : index
      %get3A_197 = tpu.vector_load %arg12[%get3A_195, %get3A_196] {strides = array<i32>} : memref<2x128xf32, #tpu.memory_space<vmem>>, vector<1x16xf32>,
      %get3A_198 = vector.shape_cast %get3A_197 : vector<1x16xf32> to vector<16xf32>
      %add3A_199 = arith.addf %get3A_198, %broadcast_in_dim3A_4 : vector<16xf32>
      %swap3A_200 = arith.index_cast %get3A_145 : i32 to index
      %swap3A_201 = arith.constant 32 : index
      %swap3A_202 = tpu.vector_load %arg9[%swap3A_200, %swap3A_201] {strides = array<i32>} : memref<256x128xf32, #tpu.memory_space<vmem>>, vector<1x16xf32>,
      %swap3A_203 = vector.shape_cast %swap3A_202 : vector<1x16xf32> to vector<16xf32>
      %swap3A_204 = vector.shape_cast %add3A_199 : vector<16xf32> to vector<1x16xf32>
      tpu.vector_store %arg9[%swap3A_200, %swap3A_201], %swap3A_204 {strides = array<i32>} : memref<256x128xf32, #tpu.memory_space<vmem>>, vector<1x16xf32>,
      %get3A_205 = arith.constant 1 : i32
      %get3A_206 = arith.index_cast %get3A_205 : i32 to index
      %get3A_207 = arith.constant 32 : index
      %get3A_208 = tpu.vector_load %arg12[%get3A_206, %get3A_207] {strides = array<i32>} : memref<2x128xf32, #tpu.memory_space<vmem>>, vector<1x16xf32>,
      %get3A_209 = vector.shape_cast %get3A_208 : vector<1x16xf32> to vector<16xf32>
      %max3A_210 = arith.maximumf %get3A_209, %broadcast_in_dim3A_6 : vector<16xf32>
      %swap3A_211 = arith.index_cast %get3A_145 : i32 to index
      %swap3A_212 = arith.constant 32 : index
      %swap3A_213 = tpu.vector_load %arg10[%swap3A_211, %swap3A_212] {strides = array<i32>} : memref<256x128xf32, #tpu.memory_space<vmem>>, vector<1x16xf32>,
      %swap3A_214 = vector.shape_cast %swap3A_213 : vector<1x16xf32> to vector<16xf32>
      %swap3A_215 = vector.shape_cast %max3A_210 : vector<16xf32> to vector<1x16xf32>
      tpu.vector_store %arg10[%swap3A_211, %swap3A_212], %swap3A_215 {strides = array<i32>} : memref<256x128xf32, #tpu.memory_space<vmem>>, vector<1x16xf32>,
      %get3A_216 = arith.constant 0 : i32
      %get3A_217 = arith.index_cast %get3A_216 : i32 to index
      %get3A_218 = arith.constant 48 : index
      %get3A_219 = tpu.vector_load %arg12[%get3A_217, %get3A_218] {strides = array<i32>} : memref<2x128xf32, #tpu.memory_space<vmem>>, vector<1x16xf32>,
      %get3A_220 = vector.shape_cast %get3A_219 : vector<1x16xf32> to vector<16xf32>
      %add3A_221 = arith.addf %get3A_220, %broadcast_in_dim3A_4 : vector<16xf32>
      %swap3A_222 = arith.index_cast %get3A_145 : i32 to index
      %swap3A_223 = arith.constant 48 : index
      %swap3A_224 = tpu.vector_load %arg9[%swap3A_222, %swap3A_223] {strides = array<i32>} : memref<256x128xf32, #tpu.memory_space<vmem>>, vector<1x16xf32>,
      %swap3A_225 = vector.shape_cast %swap3A_224 : vector<1x16xf32> to vector<16xf32>
      %swap3A_226 = vector.shape_cast %add3A_221 : vector<16xf32> to vector<1x16xf32>
      tpu.vector_store %arg9[%swap3A_222, %swap3A_223], %swap3A_226 {strides = array<i32>} : memref<256x128xf32, #tpu.memory_space<vmem>>, vector<1x16xf32>,
      %get3A_227 = arith.constant 1 : i32
      %get3A_228 = arith.index_cast %get3A_227 : i32 to index
      %get3A_229 = arith.constant 48 : index
      %get3A_230 = tpu.vector_load %arg12[%get3A_228, %get3A_229] {strides = array<i32>} : memref<2x128xf32, #tpu.memory_space<vmem>>, vector<1x16xf32>,
      %get3A_231 = vector.shape_cast %get3A_230 : vector<1x16xf32> to vector<16xf32>
      %max3A_232 = arith.maximumf %get3A_231, %broadcast_in_dim3A_6 : vector<16xf32>
      %swap3A_233 = arith.index_cast %get3A_145 : i32 to index
      %swap3A_234 = arith.constant 48 : index
      %swap3A_235 = tpu.vector_load %arg10[%swap3A_233, %swap3A_234] {strides = array<i32>} : memref<256x128xf32, #tpu.memory_space<vmem>>, vector<1x16xf32>,
      %swap3A_236 = vector.shape_cast %swap3A_235 : vector<1x16xf32> to vector<16xf32>
      %swap3A_237 = vector.shape_cast %max3A_232 : vector<16xf32> to vector<1x16xf32>
      tpu.vector_store %arg10[%swap3A_233, %swap3A_234], %swap3A_237 {strides = array<i32>} : memref<256x128xf32, #tpu.memory_space<vmem>>, vector<1x16xf32>,
      %get3A_238 = arith.constant 0 : i32
      %get3A_239 = arith.index_cast %get3A_238 : i32 to index
      %get3A_240 = arith.constant 64 : index
      %get3A_241 = tpu.vector_load %arg12[%get3A_239, %get3A_240] {strides = array<i32>} : memref<2x128xf32, #tpu.memory_space<vmem>>, vector<1x16xf32>,
      %get3A_242 = vector.shape_cast %get3A_241 : vector<1x16xf32> to vector<16xf32>
      %add3A_243 = arith.addf %get3A_242, %broadcast_in_dim3A_4 : vector<16xf32>
      %swap3A_244 = arith.index_cast %get3A_145 : i32 to index
      %swap3A_245 = arith.constant 64 : index
      %swap3A_246 = tpu.vector_load %arg9[%swap3A_244, %swap3A_245] {strides = array<i32>} : memref<256x128xf32, #tpu.memory_space<vmem>>, vector<1x16xf32>,
      %swap3A_247 = vector.shape_cast %swap3A_246 : vector<1x16xf32> to vector<16xf32>
      %swap3A_248 = vector.shape_cast %add3A_243 : vector<16xf32> to vector<1x16xf32>
      tpu.vector_store %arg9[%swap3A_244, %swap3A_245], %swap3A_248 {strides = array<i32>} : memref<256x128xf32, #tpu.memory_space<vmem>>, vector<1x16xf32>,
      %get3A_249 = arith.constant 1 : i32
      %get3A_250 = arith.index_cast %get3A_249 : i32 to index
      %get3A_251 = arith.constant 64 : index
      %get3A_252 = tpu.vector_load %arg12[%get3A_250, %get3A_251] {strides = array<i32>} : memref<2x128xf32, #tpu.memory_space<vmem>>, vector<1x16xf32>,
      %get3A_253 = vector.shape_cast %get3A_252 : vector<1x16xf32> to vector<16xf32>
      %max3A_254 = arith.maximumf %get3A_253, %broadcast_in_dim3A_6 : vector<16xf32>
      %swap3A_255 = arith.index_cast %get3A_145 : i32 to index
      %swap3A_256 = arith.constant 64 : index
      %swap3A_257 = tpu.vector_load %arg10[%swap3A_255, %swap3A_256] {strides = array<i32>} : memref<256x128xf32, #tpu.memory_space<vmem>>, vector<1x16xf32>,
      %swap3A_258 = vector.shape_cast %swap3A_257 : vector<1x16xf32> to vector<16xf32>
      %swap3A_259 = vector.shape_cast %max3A_254 : vector<16xf32> to vector<1x16xf32>
      tpu.vector_store %arg10[%swap3A_255, %swap3A_256], %swap3A_259 {strides = array<i32>} : memref<256x128xf32, #tpu.memory_space<vmem>>, vector<1x16xf32>,
      %get3A_260 = arith.constant 0 : i32
      %get3A_261 = arith.index_cast %get3A_260 : i32 to index
      %get3A_262 = arith.constant 80 : index
      %get3A_263 = tpu.vector_load %arg12[%get3A_261, %get3A_262] {strides = array<i32>} : memref<2x128xf32, #tpu.memory_space<vmem>>, vector<1x16xf32>,
      %get3A_264 = vector.shape_cast %get3A_263 : vector<1x16xf32> to vector<16xf32>
      %add3A_265 = arith.addf %get3A_264, %broadcast_in_dim3A_4 : vector<16xf32>
      %swap3A_266 = arith.index_cast %get3A_145 : i32 to index
      %swap3A_267 = arith.constant 80 : index
      %swap3A_268 = tpu.vector_load %arg9[%swap3A_266, %swap3A_267] {strides = array<i32>} : memref<256x128xf32, #tpu.memory_space<vmem>>, vector<1x16xf32>,
      %swap3A_269 = vector.shape_cast %swap3A_268 : vector<1x16xf32> to vector<16xf32>
      %swap3A_270 = vector.shape_cast %add3A_265 : vector<16xf32> to vector<1x16xf32>
      tpu.vector_store %arg9[%swap3A_266, %swap3A_267], %swap3A_270 {strides = array<i32>} : memref<256x128xf32, #tpu.memory_space<vmem>>, vector<1x16xf32>,
      %get3A_271 = arith.constant 1 : i32
      %get3A_272 = arith.index_cast %get3A_271 : i32 to index
      %get3A_273 = arith.constant 80 : index
      %get3A_274 = tpu.vector_load %arg12[%get3A_272, %get3A_273] {strides = array<i32>} : memref<2x128xf32, #tpu.memory_space<vmem>>, vector<1x16xf32>,
      %get3A_275 = vector.shape_cast %get3A_274 : vector<1x16xf32> to vector<16xf32>
      %max3A_276 = arith.maximumf %get3A_275, %broadcast_in_dim3A_6 : vector<16xf32>
      %swap3A_277 = arith.index_cast %get3A_145 : i32 to index
      %swap3A_278 = arith.constant 80 : index
      %swap3A_279 = tpu.vector_load %arg10[%swap3A_277, %swap3A_278] {strides = array<i32>} : memref<256x128xf32, #tpu.memory_space<vmem>>, vector<1x16xf32>,
      %swap3A_280 = vector.shape_cast %swap3A_279 : vector<1x16xf32> to vector<16xf32>
      %swap3A_281 = vector.shape_cast %max3A_276 : vector<16xf32> to vector<1x16xf32>
      tpu.vector_store %arg10[%swap3A_277, %swap3A_278], %swap3A_281 {strides = array<i32>} : memref<256x128xf32, #tpu.memory_space<vmem>>, vector<1x16xf32>,
      %get3A_282 = arith.constant 0 : i32
      %get3A_283 = arith.index_cast %get3A_282 : i32 to index
      %get3A_284 = arith.constant 96 : index
      %get3A_285 = tpu.vector_load %arg12[%get3A_283, %get3A_284] {strides = array<i32>} : memref<2x128xf32, #tpu.memory_space<vmem>>, vector<1x16xf32>,
      %get3A_286 = vector.shape_cast %get3A_285 : vector<1x16xf32> to vector<16xf32>
      %add3A_287 = arith.addf %get3A_286, %broadcast_in_dim3A_4 : vector<16xf32>
      %swap3A_288 = arith.index_cast %get3A_145 : i32 to index
      %swap3A_289 = arith.constant 96 : index
      %swap3A_290 = tpu.vector_load %arg9[%swap3A_288, %swap3A_289] {strides = array<i32>} : memref<256x128xf32, #tpu.memory_space<vmem>>, vector<1x16xf32>,
      %swap3A_291 = vector.shape_cast %swap3A_290 : vector<1x16xf32> to vector<16xf32>
      %swap3A_292 = vector.shape_cast %add3A_287 : vector<16xf32> to vector<1x16xf32>
      tpu.vector_store %arg9[%swap3A_288, %swap3A_289], %swap3A_292 {strides = array<i32>} : memref<256x128xf32, #tpu.memory_space<vmem>>, vector<1x16xf32>,
      %get3A_293 = arith.constant 1 : i32
      %get3A_294 = arith.index_cast %get3A_293 : i32 to index
      %get3A_295 = arith.constant 96 : index
      %get3A_296 = tpu.vector_load %arg12[%get3A_294, %get3A_295] {strides = array<i32>} : memref<2x128xf32, #tpu.memory_space<vmem>>, vector<1x16xf32>,
      %get3A_297 = vector.shape_cast %get3A_296 : vector<1x16xf32> to vector<16xf32>
      %max3A_298 = arith.maximumf %get3A_297, %broadcast_in_dim3A_6 : vector<16xf32>
      %swap3A_299 = arith.index_cast %get3A_145 : i32 to index
      %swap3A_300 = arith.constant 96 : index
      %swap3A_301 = tpu.vector_load %arg10[%swap3A_299, %swap3A_300] {strides = array<i32>} : memref<256x128xf32, #tpu.memory_space<vmem>>, vector<1x16xf32>,
      %swap3A_302 = vector.shape_cast %swap3A_301 : vector<1x16xf32> to vector<16xf32>
      %swap3A_303 = vector.shape_cast %max3A_298 : vector<16xf32> to vector<1x16xf32>
      tpu.vector_store %arg10[%swap3A_299, %swap3A_300], %swap3A_303 {strides = array<i32>} : memref<256x128xf32, #tpu.memory_space<vmem>>, vector<1x16xf32>,
      %get3A_304 = arith.constant 0 : i32
      %get3A_305 = arith.index_cast %get3A_304 : i32 to index
      %get3A_306 = arith.constant 112 : index
      %get3A_307 = tpu.vector_load %arg12[%get3A_305, %get3A_306] {strides = array<i32>} : memref<2x128xf32, #tpu.memory_space<vmem>>, vector<1x16xf32>,
      %get3A_308 = vector.shape_cast %get3A_307 : vector<1x16xf32> to vector<16xf32>
      %add3A_309 = arith.addf %get3A_308, %broadcast_in_dim3A_4 : vector<16xf32>
      %swap3A_310 = arith.index_cast %get3A_145 : i32 to index
      %swap3A_311 = arith.constant 112 : index
      %swap3A_312 = tpu.vector_load %arg9[%swap3A_310, %swap3A_311] {strides = array<i32>} : memref<256x128xf32, #tpu.memory_space<vmem>>, vector<1x16xf32>,
      %swap3A_313 = vector.shape_cast %swap3A_312 : vector<1x16xf32> to vector<16xf32>
      %swap3A_314 = vector.shape_cast %add3A_309 : vector<16xf32> to vector<1x16xf32>
      tpu.vector_store %arg9[%swap3A_310, %swap3A_311], %swap3A_314 {strides = array<i32>} : memref<256x128xf32, #tpu.memory_space<vmem>>, vector<1x16xf32>,
      %get3A_315 = arith.constant 1 : i32
      %get3A_316 = arith.index_cast %get3A_315 : i32 to index
      %get3A_317 = arith.constant 112 : index
      %get3A_318 = tpu.vector_load %arg12[%get3A_316, %get3A_317] {strides = array<i32>} : memref<2x128xf32, #tpu.memory_space<vmem>>, vector<1x16xf32>,
      %get3A_319 = vector.shape_cast %get3A_318 : vector<1x16xf32> to vector<16xf32>
      %max3A_320 = arith.maximumf %get3A_319, %broadcast_in_dim3A_6 : vector<16xf32>
      %swap3A_321 = arith.index_cast %get3A_145 : i32 to index
      %swap3A_322 = arith.constant 112 : index
      %swap3A_323 = tpu.vector_load %arg10[%swap3A_321, %swap3A_322] {strides = array<i32>} : memref<256x128xf32, #tpu.memory_space<vmem>>, vector<1x16xf32>,
      %swap3A_324 = vector.shape_cast %swap3A_323 : vector<1x16xf32> to vector<16xf32>
      %swap3A_325 = vector.shape_cast %max3A_320 : vector<16xf32> to vector<1x16xf32>
      tpu.vector_store %arg10[%swap3A_321, %swap3A_322], %swap3A_325 {strides = array<i32>} : memref<256x128xf32, #tpu.memory_space<vmem>>, vector<1x16xf32>,
      %jit3A = arith.constant 16 : i32
      %div3A = arith.divsi %get3A_145, %jit3A : i32
      %sign3A = arith.constant 0 : i32
      %sign3A_326 = arith.cmpi sgt, %get3A_145, %sign3A : i32
      %sign3A_327 = arith.extui %sign3A_326 : i1 to i32
      %sign3A_328 = arith.constant 0 : i32
      %sign3A_329 = arith.cmpi slt, %get3A_145, %sign3A_328 : i32
      %sign3A_330 = arith.extui %sign3A_329 : i1 to i32
      %sign3A_331 = arith.subi %sign3A_327, %sign3A_330 : i32
      %sign3A_332 = arith.constant 0 : i32
      %sign3A_333 = arith.cmpi sgt, %jit3A, %sign3A_332 : i32
      %sign3A_334 = arith.extui %sign3A_333 : i1 to i32
      %sign3A_335 = arith.constant 0 : i32
      %sign3A_336 = arith.cmpi slt, %jit3A, %sign3A_335 : i32
      %sign3A_337 = arith.extui %sign3A_336 : i1 to i32
      %sign3A_338 = arith.subi %sign3A_334, %sign3A_337 : i32
      %ne3A = arith.cmpi ne, %sign3A_331, %sign3A_338 : i32
      %rem3A = arith.remsi %get3A_145, %jit3A : i32
      %ne3A_339 = arith.constant 0 : i32
      %ne3A_340 = arith.cmpi ne, %rem3A, %ne3A_339 : i32
      %and3A = arith.andi %ne3A, %ne3A_340 : i1
      %sub3A = arith.constant 1 : i32
      %sub3A_341 = arith.subi %div3A, %sub3A : i32
      %select_n3A = arith.select %and3A, %sub3A_341, %div3A : i32
      %convert_element_type3A_342 = arith.sitofp %get3A_148 : i32 to f32
      %add3A_343 = vector.broadcast %convert_element_type3A_342 : f32 to vector<16xf32>
      %add3A_344 = arith.addf %broadcast_in_dim3A_4, %add3A_343 : vector<16xf32>
      %jit3A_345 = arith.constant 16 : i32
      %eq3A = arith.constant 0 : i32
      %eq3A_346 = arith.cmpi eq, %jit3A_345, %eq3A : i32
      %jit3A_347 = arith.constant 1 : i32
      %select_n3A_348 = arith.select %eq3A_346, %jit3A_347, %jit3A_345 : i32
      %rem3A_349 = arith.remsi %get3A_145, %select_n3A_348 : i32
      %ne3A_350 = arith.constant 0 : i32
      %ne3A_351 = arith.cmpi ne, %rem3A_349, %ne3A_350 : i32
      %lt3A = arith.constant 0 : i32
      %lt3A_352 = arith.cmpi slt, %rem3A_349, %lt3A : i32
      %lt3A_353 = arith.constant 0 : i32
      %lt3A_354 = arith.cmpi slt, %select_n3A_348, %lt3A_353 : i32
      %ne3A_355 = arith.xori %lt3A_352, %lt3A_354 : i1
      %and3A_356 = arith.andi %ne3A_355, %ne3A_351 : i1
      %add3A_357 = arith.addi %rem3A_349, %select_n3A_348 : i32
      %select_n3A_358 = arith.select %and3A_356, %add3A_357, %rem3A_349 : i32
      %eq3A_359 = vector.broadcast %select_n3A_358 : i32 to vector<16xi32>
      %eq3A_360 = arith.cmpi eq, %iota3A, %eq3A_359 : vector<16xi32>
      %get3A_361 = arith.index_cast %select_n3A : i32 to index
      %get3A_362 = arith.constant 0 : index
      %get3A_363 = tpu.vector_load %arg11[%get3A_361, %get3A_362] {strides = array<i32>} : memref<16x16xf32, #tpu.memory_space<vmem>>, vector<1x16xf32>,
      %get3A_364 = vector.shape_cast %get3A_363 : vector<1x16xf32> to vector<16xf32>
      %select_n3A_365 = arith.select %eq3A_360, %add3A_344, %get3A_364 : vector<16xi1>, vector<16xf32>
      %swap3A_366 = arith.index_cast %select_n3A : i32 to index
      %swap3A_367 = arith.constant 0 : index
      %swap3A_368 = tpu.vector_load %arg11[%swap3A_366, %swap3A_367] {strides = array<i32>} : memref<16x16xf32, #tpu.memory_space<vmem>>, vector<1x16xf32>,
      %swap3A_369 = vector.shape_cast %swap3A_368 : vector<1x16xf32> to vector<16xf32>
      %swap3A_370 = vector.shape_cast %select_n3A_365 : vector<16xf32> to vector<1x16xf32>
      tpu.vector_store %arg11[%swap3A_366, %swap3A_367], %swap3A_370 {strides = array<i32>} : memref<16x16xf32, #tpu.memory_space<vmem>>, vector<1x16xf32>,
    } else {
    }
    "tpu.region"() ({
      %run_scoped3A = tpu.sem_alloc : memref<!tpu.dma_semaphore, #tpu.memory_space<semaphore_mem>>
      %dma_start3A_151 = arith.constant 0 : i32
      %dma_start3A_152 = arith.constant 0 : i32
      %dma_start3A_153 = tpu.memref_slice %arg4[%add3A, %dma_start3A_151, %dma_start3A_152] : memref<32x256x128xf32, #tpu.memory_space<hbm>> -> memref<1x256x128xf32, #tpu.memory_space<hbm>>
      %dma_start3A_154 = tpu.memref_squeeze %dma_start3A_153 : memref<1x256x128xf32, #tpu.memory_space<hbm>> -> memref<256x128xf32, #tpu.memory_space<hbm>>
      %dma_start3A_155 = arith.constant 0 : i32
      %dma_start3A_156 = arith.constant 0 : i32
      %dma_start3A_157 = tpu.memref_slice %arg4[%add3A, %dma_start3A_155, %dma_start3A_156] : memref<32x256x128xf32, #tpu.memory_space<hbm>> -> memref<1x256x128xf32, #tpu.memory_space<hbm>>
      %dma_start3A_158 = tpu.memref_squeeze %dma_start3A_157 : memref<1x256x128xf32, #tpu.memory_space<hbm>> -> memref<256x128xf32, #tpu.memory_space<hbm>>
      tpu.enqueue_dma source(%arg9 : memref<256x128xf32, #tpu.memory_space<vmem>>) target(%dma_start3A_158 : memref<256x128xf32, #tpu.memory_space<hbm>>) target_semaphore(%run_scoped3A : memref<!tpu.dma_semaphore, #tpu.memory_space<semaphore_mem>>)
      %dma_wait3A = arith.constant 0 : i32
      %dma_wait3A_159 = arith.constant 0 : i32
      %dma_wait3A_160 = tpu.memref_slice %arg4[%add3A, %dma_wait3A, %dma_wait3A_159] : memref<32x256x128xf32, #tpu.memory_space<hbm>> -> memref<1x256x128xf32, #tpu.memory_space<hbm>>
      %dma_wait3A_161 = tpu.memref_squeeze %dma_wait3A_160 : memref<1x256x128xf32, #tpu.memory_space<hbm>> -> memref<256x128xf32, #tpu.memory_space<hbm>>
      %dma_wait3A_162 = arith.constant 0 : i32
      %dma_wait3A_163 = arith.constant 0 : i32
      %dma_wait3A_164 = tpu.memref_slice %arg4[%add3A, %dma_wait3A_162, %dma_wait3A_163] : memref<32x256x128xf32, #tpu.memory_space<hbm>> -> memref<1x256x128xf32, #tpu.memory_space<hbm>>
      %dma_wait3A_165 = tpu.memref_squeeze %dma_wait3A_164 : memref<1x256x128xf32, #tpu.memory_space<hbm>> -> memref<256x128xf32, #tpu.memory_space<hbm>>
      tpu.wait_dma2 semaphore(%run_scoped3A : memref<!tpu.dma_semaphore, #tpu.memory_space<semaphore_mem>>) src(%arg9 : memref<256x128xf32, #tpu.memory_space<vmem>>) dst(%dma_wait3A_165 : memref<256x128xf32, #tpu.memory_space<hbm>>)
      tpu.yield
    }) : () -> ()
    "tpu.region"() ({
      %run_scoped3A = tpu.sem_alloc : memref<!tpu.dma_semaphore, #tpu.memory_space<semaphore_mem>>
      %dma_start3A_151 = arith.constant 0 : i32
      %dma_start3A_152 = arith.constant 0 : i32
      %dma_start3A_153 = tpu.memref_slice %arg5[%add3A, %dma_start3A_151, %dma_start3A_152] : memref<32x256x128xf32, #tpu.memory_space<hbm>> -> memref<1x256x128xf32, #tpu.memory_space<hbm>>
      %dma_start3A_154 = tpu.memref_squeeze %dma_start3A_153 : memref<1x256x128xf32, #tpu.memory_space<hbm>> -> memref<256x128xf32, #tpu.memory_space<hbm>>
      %dma_start3A_155 = arith.constant 0 : i32
      %dma_start3A_156 = arith.constant 0 : i32
      %dma_start3A_157 = tpu.memref_slice %arg5[%add3A, %dma_start3A_155, %dma_start3A_156] : memref<32x256x128xf32, #tpu.memory_space<hbm>> -> memref<1x256x128xf32, #tpu.memory_space<hbm>>
      %dma_start3A_158 = tpu.memref_squeeze %dma_start3A_157 : memref<1x256x128xf32, #tpu.memory_space<hbm>> -> memref<256x128xf32, #tpu.memory_space<hbm>>
      tpu.enqueue_dma source(%arg10 : memref<256x128xf32, #tpu.memory_space<vmem>>) target(%dma_start3A_158 : memref<256x128xf32, #tpu.memory_space<hbm>>) target_semaphore(%run_scoped3A : memref<!tpu.dma_semaphore, #tpu.memory_space<semaphore_mem>>)
      %dma_wait3A = arith.constant 0 : i32
      %dma_wait3A_159 = arith.constant 0 : i32
      %dma_wait3A_160 = tpu.memref_slice %arg5[%add3A, %dma_wait3A, %dma_wait3A_159] : memref<32x256x128xf32, #tpu.memory_space<hbm>> -> memref<1x256x128xf32, #tpu.memory_space<hbm>>
      %dma_wait3A_161 = tpu.memref_squeeze %dma_wait3A_160 : memref<1x256x128xf32, #tpu.memory_space<hbm>> -> memref<256x128xf32, #tpu.memory_space<hbm>>
      %dma_wait3A_162 = arith.constant 0 : i32
      %dma_wait3A_163 = arith.constant 0 : i32
      %dma_wait3A_164 = tpu.memref_slice %arg5[%add3A, %dma_wait3A_162, %dma_wait3A_163] : memref<32x256x128xf32, #tpu.memory_space<hbm>> -> memref<1x256x128xf32, #tpu.memory_space<hbm>>
      %dma_wait3A_165 = tpu.memref_squeeze %dma_wait3A_164 : memref<1x256x128xf32, #tpu.memory_space<hbm>> -> memref<256x128xf32, #tpu.memory_space<hbm>>
      tpu.wait_dma2 semaphore(%run_scoped3A : memref<!tpu.dma_semaphore, #tpu.memory_space<semaphore_mem>>) src(%arg10 : memref<256x128xf32, #tpu.memory_space<vmem>>) dst(%dma_wait3A_165 : memref<256x128xf32, #tpu.memory_space<hbm>>)
      tpu.yield
    }) : () -> ()
    "tpu.region"() ({
      %run_scoped3A = tpu.sem_alloc : memref<!tpu.dma_semaphore, #tpu.memory_space<semaphore_mem>>
      %dma_start3A_151 = arith.constant 0 : i32
      %dma_start3A_152 = arith.constant 0 : i32
      %dma_start3A_153 = tpu.memref_slice %arg6[%add3A, %dma_start3A_151, %dma_start3A_152] : memref<32x16x16xf32, #tpu.memory_space<hbm>> -> memref<1x16x16xf32, #tpu.memory_space<hbm>>
      %dma_start3A_154 = tpu.memref_squeeze %dma_start3A_153 : memref<1x16x16xf32, #tpu.memory_space<hbm>> -> memref<16x16xf32, #tpu.memory_space<hbm>>
      %dma_start3A_155 = arith.constant 0 : i32
      %dma_start3A_156 = arith.constant 0 : i32
      %dma_start3A_157 = tpu.memref_slice %arg6[%add3A, %dma_start3A_155, %dma_start3A_156] : memref<32x16x16xf32, #tpu.memory_space<hbm>> -> memref<1x16x16xf32, #tpu.memory_space<hbm>>
      %dma_start3A_158 = tpu.memref_squeeze %dma_start3A_157 : memref<1x16x16xf32, #tpu.memory_space<hbm>> -> memref<16x16xf32, #tpu.memory_space<hbm>>
      tpu.enqueue_dma source(%arg11 : memref<16x16xf32, #tpu.memory_space<vmem>>) target(%dma_start3A_158 : memref<16x16xf32, #tpu.memory_space<hbm>>) target_semaphore(%run_scoped3A : memref<!tpu.dma_semaphore, #tpu.memory_space<semaphore_mem>>)
      %dma_wait3A = arith.constant 0 : i32
      %dma_wait3A_159 = arith.constant 0 : i32
      %dma_wait3A_160 = tpu.memref_slice %arg6[%add3A, %dma_wait3A, %dma_wait3A_159] : memref<32x16x16xf32, #tpu.memory_space<hbm>> -> memref<1x16x16xf32, #tpu.memory_space<hbm>>
      %dma_wait3A_161 = tpu.memref_squeeze %dma_wait3A_160 : memref<1x16x16xf32, #tpu.memory_space<hbm>> -> memref<16x16xf32, #tpu.memory_space<hbm>>
      %dma_wait3A_162 = arith.constant 0 : i32
      %dma_wait3A_163 = arith.constant 0 : i32
      %dma_wait3A_164 = tpu.memref_slice %arg6[%add3A, %dma_wait3A_162, %dma_wait3A_163] : memref<32x16x16xf32, #tpu.memory_space<hbm>> -> memref<1x16x16xf32, #tpu.memory_space<hbm>>
      %dma_wait3A_165 = tpu.memref_squeeze %dma_wait3A_164 : memref<1x16x16xf32, #tpu.memory_space<hbm>> -> memref<16x16xf32, #tpu.memory_space<hbm>>
      tpu.wait_dma2 semaphore(%run_scoped3A : memref<!tpu.dma_semaphore, #tpu.memory_space<semaphore_mem>>) src(%arg11 : memref<16x16xf32, #tpu.memory_space<vmem>>) dst(%dma_wait3A_165 : memref<16x16xf32, #tpu.memory_space<hbm>>)
      tpu.yield
    }) : () -> ()
    return
  }
}

module attributes {stable_mosaic.version = 14 : i64} {
  func.func @_tc_body(%arg0: memref<256x128xf32, #tpu.memory_space<vmem>>, %arg1: memref<32x256x128xf32, #tpu.memory_space<vmem>>, %arg2: memref<32x256x128xf32, #tpu.memory_space<vmem>>, %arg3: memref<32x256xf32, #tpu.memory_space<vmem>>, %arg4: memref<384x32xf32, #tpu.memory_space<vmem>>, %arg5: memref<32xf32, #tpu.memory_space<vmem>>, %arg6: memref<32x128xf32, #tpu.memory_space<vmem>>, %arg7: memref<128xf32, #tpu.memory_space<vmem>>, %arg8: memref<256x128xf32, #tpu.memory_space<vmem>>) attributes {dimension_semantics = [], scalar_prefetch = 0 : i64, scratch_operands = 0 : i64, tpu.core_type = #tpu.core_type<tc>} {
    %get3A = arith.constant 0 : index
    %get3A_0 = arith.constant 0 : index
    %get3A_1 = vector.load %arg3[%get3A, %get3A_0] : memref<32x256xf32, #tpu.memory_space<vmem>>, vector<32x256xf32>
    %broadcast_in_dim3A = vector.shape_cast %get3A_1 : vector<32x256xf32> to vector<32x256x1xf32>
    %gt3A = arith.constant 0.000000e+00 : f32
    %gt3A_2 = vector.broadcast %gt3A : f32 to vector<32x256x1xf32>
    %gt3A_3 = arith.cmpf ogt, %broadcast_in_dim3A, %gt3A_2 : vector<32x256x1xf32>
    %get3A_4 = arith.constant 0 : index
    %get3A_5 = arith.constant 0 : index
    %get3A_6 = arith.constant 0 : index
    %get3A_7 = vector.load %arg1[%get3A_4, %get3A_5, %get3A_6] : memref<32x256x128xf32, #tpu.memory_space<vmem>>, vector<32x256x128xf32>
    %jit3A = arith.constant 0.000000e+00 : f32
    %broadcast_in_dim3A_8 = vector.shape_cast %gt3A_3 : vector<32x256x1xi1> to vector<32x256x1xi1>
    %broadcast_in_dim3A_9 = vector.broadcast %broadcast_in_dim3A_8 : vector<32x256x1xi1> to vector<32x256x128xi1>
    %broadcast_in_dim3A_10 = vector.broadcast %jit3A : f32 to vector<32x256x128xf32>
    %select_n3A = arith.select %broadcast_in_dim3A_9, %get3A_7, %broadcast_in_dim3A_10 : vector<32x256x128xi1>, vector<32x256x128xf32>
    %reduce_sum3A = arith.constant dense<0.000000e+00> : vector<256x128xf32>
    %reduce_sum3A_11 = vector.multi_reduction <add>, %select_n3A, %reduce_sum3A [0] : vector<32x256x128xf32> to vector<256x128xf32>
    %get3A_12 = arith.constant 0 : index
    %get3A_13 = arith.constant 0 : index
    %get3A_14 = arith.constant 0 : index
    %get3A_15 = vector.load %arg2[%get3A_12, %get3A_13, %get3A_14] : memref<32x256x128xf32, #tpu.memory_space<vmem>>, vector<32x256x128xf32>
    %jit3A_16 = arith.constant -3.000000e+38 : f32
    %broadcast_in_dim3A_17 = vector.shape_cast %gt3A_3 : vector<32x256x1xi1> to vector<32x256x1xi1>
    %broadcast_in_dim3A_18 = vector.broadcast %broadcast_in_dim3A_17 : vector<32x256x1xi1> to vector<32x256x128xi1>
    %broadcast_in_dim3A_19 = vector.broadcast %jit3A_16 : f32 to vector<32x256x128xf32>
    %select_n3A_20 = arith.select %broadcast_in_dim3A_18, %get3A_15, %broadcast_in_dim3A_19 : vector<32x256x128xi1>, vector<32x256x128xf32>
    %reduce_max3A = arith.constant dense<0xFF800000> : vector<256x128xf32>
    %reduce_max3A_21 = vector.multi_reduction <maximumf>, %select_n3A_20, %reduce_max3A [0] : vector<32x256x128xf32> to vector<256x128xf32>
    %reduce_sum3A_22 = arith.constant dense<0.000000e+00> : vector<256x1xf32>
    %reduce_sum3A_23 = vector.multi_reduction <add>, %broadcast_in_dim3A, %reduce_sum3A_22 [0] : vector<32x256x1xf32> to vector<256x1xf32>
    %max3A = arith.constant 1.000000e+00 : f32
    %max3A_24 = vector.broadcast %max3A : f32 to vector<256x1xf32>
    %max3A_25 = arith.maximumf %reduce_sum3A_23, %max3A_24 : vector<256x1xf32>
    %div3A = vector.broadcast %max3A_25 : vector<256x1xf32> to vector<256x128xf32>
    %div3A_26 = arith.divf %reduce_sum3A_11, %div3A : vector<256x128xf32>
    %gt3A_27 = arith.constant 0.000000e+00 : f32
    %gt3A_28 = vector.broadcast %gt3A_27 : f32 to vector<256x1xf32>
    %gt3A_29 = arith.cmpf ogt, %reduce_sum3A_23, %gt3A_28 : vector<256x1xf32>
    %jit3A_30 = arith.constant 0.000000e+00 : f32
    %broadcast_in_dim3A_31 = vector.shape_cast %gt3A_29 : vector<256x1xi1> to vector<256x1xi1>
    %broadcast_in_dim3A_32 = vector.broadcast %broadcast_in_dim3A_31 : vector<256x1xi1> to vector<256x128xi1>
    %broadcast_in_dim3A_33 = vector.broadcast %jit3A_30 : f32 to vector<256x128xf32>
    %select_n3A_34 = arith.select %broadcast_in_dim3A_32, %reduce_max3A_21, %broadcast_in_dim3A_33 : vector<256x128xi1>, vector<256x128xf32>
    %get3A_35 = arith.constant 0 : index
    %get3A_36 = arith.constant 0 : index
    %get3A_37 = vector.load %arg0[%get3A_35, %get3A_36] : memref<256x128xf32, #tpu.memory_space<vmem>>, vector<256x128xf32>
    %get3A_38 = arith.constant 0 : index
    %get3A_39 = arith.constant 0 : index
    %get3A_40 = vector.load %arg4[%get3A_38, %get3A_39] : memref<384x32xf32, #tpu.memory_space<vmem>>, vector<128x32xf32>
    %dot_general3A = arith.constant dense<0.000000e+00> : vector<256x32xf32>
    %dot_general3A_41 = tpu.matmul %get3A_37, %get3A_40, %dot_general3A {dimension_numbers = #tpu.dot_dimension_numbers<[1], [0], [0], [1], [0, 0, 1, 1], [], []>, transpose_lhs_hint = false} : vector<256x128xf32>, vector<128x32xf32>, vector<256x32xf32> -> vector<256x32xf32>
    %get3A_42 = arith.constant 128 : index
    %get3A_43 = arith.constant 0 : index
    %get3A_44 = vector.load %arg4[%get3A_42, %get3A_43] : memref<384x32xf32, #tpu.memory_space<vmem>>, vector<128x32xf32>
    %dot_general3A_45 = arith.constant dense<0.000000e+00> : vector<256x32xf32>
    %dot_general3A_46 = tpu.matmul %div3A_26, %get3A_44, %dot_general3A_45 {dimension_numbers = #tpu.dot_dimension_numbers<[1], [0], [0], [1], [0, 0, 1, 1], [], []>, transpose_lhs_hint = false} : vector<256x128xf32>, vector<128x32xf32>, vector<256x32xf32> -> vector<256x32xf32>
    %add3A = arith.addf %dot_general3A_41, %dot_general3A_46 : vector<256x32xf32>
    %get3A_47 = arith.constant 256 : index
    %get3A_48 = arith.constant 0 : index
    %get3A_49 = vector.load %arg4[%get3A_47, %get3A_48] : memref<384x32xf32, #tpu.memory_space<vmem>>, vector<128x32xf32>
    %dot_general3A_50 = arith.constant dense<0.000000e+00> : vector<256x32xf32>
    %dot_general3A_51 = tpu.matmul %select_n3A_34, %get3A_49, %dot_general3A_50 {dimension_numbers = #tpu.dot_dimension_numbers<[1], [0], [0], [1], [0, 0, 1, 1], [], []>, transpose_lhs_hint = false} : vector<256x128xf32>, vector<128x32xf32>, vector<256x32xf32> -> vector<256x32xf32>
    %add3A_52 = arith.addf %add3A, %dot_general3A_51 : vector<256x32xf32>
    %get3A_53 = arith.constant 0 : index
    %get3A_54 = vector.load %arg5[%get3A_53] : memref<32xf32, #tpu.memory_space<vmem>>, vector<32xf32>
    %broadcast_in_dim3A_55 = vector.shape_cast %get3A_54 : vector<32xf32> to vector<1x32xf32>
    %add3A_56 = vector.broadcast %broadcast_in_dim3A_55 : vector<1x32xf32> to vector<256x32xf32>
    %add3A_57 = arith.addf %add3A_52, %add3A_56 : vector<256x32xf32>
    %max3A_58 = arith.constant 0.000000e+00 : f32
    %max3A_59 = vector.broadcast %max3A_58 : f32 to vector<256x32xf32>
    %max3A_60 = arith.maximumf %add3A_57, %max3A_59 : vector<256x32xf32>
    %get3A_61 = arith.constant 0 : index
    %get3A_62 = arith.constant 0 : index
    %get3A_63 = vector.load %arg6[%get3A_61, %get3A_62] : memref<32x128xf32, #tpu.memory_space<vmem>>, vector<32x128xf32>
    %dot_general3A_64 = arith.constant dense<0.000000e+00> : vector<256x128xf32>
    %dot_general3A_65 = tpu.matmul %max3A_60, %get3A_63, %dot_general3A_64 {dimension_numbers = #tpu.dot_dimension_numbers<[1], [0], [0], [1], [0, 0, 1, 1], [], []>, transpose_lhs_hint = false} : vector<256x32xf32>, vector<32x128xf32>, vector<256x128xf32> -> vector<256x128xf32>
    %get3A_66 = arith.constant 0 : index
    %get3A_67 = vector.load %arg7[%get3A_66] : memref<128xf32, #tpu.memory_space<vmem>>, vector<128xf32>
    %broadcast_in_dim3A_68 = vector.shape_cast %get3A_67 : vector<128xf32> to vector<1x128xf32>
    %add3A_69 = vector.broadcast %broadcast_in_dim3A_68 : vector<1x128xf32> to vector<256x128xf32>
    %add3A_70 = arith.addf %dot_general3A_65, %add3A_69 : vector<256x128xf32>
    %max3A_71 = arith.constant 0.000000e+00 : f32
    %max3A_72 = vector.broadcast %max3A_71 : f32 to vector<256x128xf32>
    %max3A_73 = arith.maximumf %add3A_70, %max3A_72 : vector<256x128xf32>
    %swap3A = arith.constant 0 : index
    %swap3A_74 = arith.constant 0 : index
    %swap3A_75 = vector.load %arg8[%swap3A, %swap3A_74] : memref<256x128xf32, #tpu.memory_space<vmem>>, vector<256x128xf32>
    tpu.vector_store %arg8[%swap3A, %swap3A_74], %max3A_73 {strides = array<i32>} : memref<256x128xf32, #tpu.memory_space<vmem>>, vector<256x128xf32>,
    return
  }
}

</mosaic_0001>

<sc_bundles>
// kernel: kernel.4.cloned.1.call-start
scs
__scs_entry_jumppad:
0x0: {  	(pc) =	sbr.rel $0x88, $3  }
0x1: {  	(tag) =	ssettag $0x0;
	lr =	simm.s32 $0x1  }
0x2: {  	[smem:$0x3F9A] =	sst lr;
	_ =	strace $0xD0000000  }
0x3: {  	_ = 	snop  }
0x4: {  	_ = 	snop  }
0x5: {  	_ = 	snop  }
0x6: {  	_ = 	snop  }
0x7: {  	_ = 	snop  }
__scs_overlays_trampoline_lowered:
0x8: {  	[smem:$0x3FA9] =	sst s0  }
0x9: {  	[smem:$0x3FAA] =	sst s1  }
0xa: {  	[smem:$0x3FAB] =	sst s2  }
0xb: {  	[smem:$0x3FAC] =	sst s3  }
0xc: {  	[smem:$0x3FAD] =	sst s4  }
0xd: {  	[smem:$0x3FAE] =	sst s5  }
0xe: {  	[smem:$0x3FAF] =	sst s6  }
0xf: {  	[smem:$0x3FB0] =	sst s7  }
0x10: {  	[smem:$0x3FB1] =	sst s8  }
0x11: {  	[smem:$0x3FB2] =	sst s9;
	s0 =	simm.s32 @!p0 $0x0  }
0x12: {  	s1 =	sld [smem:$0x3F98];
	s0 =	simm.s32 @p0 $0x1  }
0x13: {  	[smem:$0x3FB3] =	sst s0;
	s0 =	simm.s32 @!p1 $0x0  }
0x14: {  	s2 =	sld [smem:$0x3F97];
	s0 =	simm.s32 @p1 $0x1  }
0x15: {  	[smem:$0x3FB4] =	sst s0;
	s0 =	simm.s32 @!p2 $0x0  }
0x16: {  	s3 =	sld [smem:$0x3FDB];
	s0 =	simm.s32 @p2 $0x1  }
0x17: {  	s4 =	simm.s32 $0x1BF5;
	[smem:$0x3FB6] =	sst s0  }
0x18: {  	s0 =	sld [smem:$0x3F99];
	_ =	swait.ge [sflag:s4], $0x0  }
0x19: {  	s7 =	sld [smem:$0x3F9A]  }
0x1a: {  	s8 =	sadd.s32 $0xFFFFE003, lr  }
0x1b: {  	s9 =	sadd.s32 $0xFFFFFEF7, lr;
	s5 =	simm.s32 $0xFFFFFFFF;
	p2 =	slt.u32 s8, $0xFFFFF086  }
0x1c: {  	p1 =	slt.u32 s9, $0xF7A;
	s5 =	simm.s32 @!p2 $0x0  }
0x1d: {  	s5 =	simm.s32 @p1 $0x1;
	p0 =	seq.s32 s7, s2  }
0x1e: {  	s7 =	smul.u32 @!p0 $0xF7A, s2;
	p2 =	seq.s32 @!p0 s5, $0x0  }
0x1f: {  	s9 =	smul.u32 $0xF7A, s1;
	s8 =	simm.s32 @!p0 $0x1BF5;
	p2 =	por !p2, p0  }
0x20: {  	[sflag:s8] =	ssyncset.s32 @!p0 $0xFFFFF086;
	s6 =	sadd.s32 @!p0 s3, s7;
	s7 =	simm.s32 @!p0 $0x108  }
0x21: {  	s3 =	sadd.s32 s3, s9;
	s6 =	sadd.s32 @!p0 $0x88, s6;
	s7 =	simm.s32 @p2 $0x1082  }
0x22: {  	[simem:s7], [sflag:s8] =	dma.local @!p0 [hbm:s6], $0xF7A  }
0x23: {  	s9 =	sor.u32 $0xD0000000, s2;
	s6 =	simm.s32 $0x108;
	_ =	swait.ge @!p0 [sflag:s8], $0x0  }
0x24: {  	s3 =	sadd.s32 $0x88, s3;
	s6 =	simm.s32 @!p1 $0x1082;
	[sflag:s4] =	ssyncset.s32 $0xFFFFF086  }
0x25: {  	[simem:s6], [sflag:s4] =	dma.local [hbm:s3], $0xF7A  }
0x26: {  	[smem:$0x3F9A] =	sst s1;
	(tag) =	ssettag s2;
	_ =	strace s9  }
0x27: {  	s1 =	sld [smem:$0x3FAA]  }
0x28: {  	s2 =	sld [smem:$0x3FAB]  }
0x29: {  	s4 =	sld [smem:$0x3FAD]  }
0x2a: {  	p0 =	seq.s32 s5, $0x0;
	s5 =	sld [smem:$0x3FAE]  }
0x2b: {  	s6 =	sld [smem:$0x3FAF]  }
0x2c: {  	s7 =	sld [smem:$0x3FB0]  }
0x2d: {  	s3 =	simm.s32 $0x108;
	s8 =	sld [smem:$0x3FB1]  }
0x2e: {  	s3 =	simm.s32 @!p0 $0x1082;
	s9 =	sld [smem:$0x3FB2]  }
0x2f: {  	lr =	sadd.s32 s0, s3;
	s0 =	sld [smem:$0x3FA9]  }
0x30: {  	s3 =	sld [smem:$0x3FAC]  }
0x31: {  	[smem:$0x3FB5] =	sst s10  }
0x32: {  	s10 =	sld [smem:$0x3FB3];
	_ =	sdelay $0x3  }
0x33: {  	p0 =	seq.s32 s10, $0x1;
	s10 =	sld [smem:$0x3FB5];
	_ =	sdelay $0x3  }
0x34: {  	[smem:$0x3FB5] =	sst s10  }
0x35: {  	s10 =	sld [smem:$0x3FB4];
	_ =	sdelay $0x3  }
0x36: {  	p1 =	seq.s32 s10, $0x1;
	s10 =	sld [smem:$0x3FB5];
	_ =	sdelay $0x3  }
0x37: {  	[smem:$0x3FB5] =	sst s10  }
0x38: {  	s10 =	sld [smem:$0x3FB6]  }
0x39: {  	_ = 	snop;
	(pc) =	sbr.ind lr, $3  }
0x3a: {  	_ = 	snop  }
0x3b: {  	_ = 	snop  }
0x3c: {  	p2 =	seq.s32 s10, $0x1;
	s10 =	sld [smem:$0x3FB5]  }
0x3d: {  	_ =	shalt  }
0x3e: {  	_ =	shalt  }
0x3f: {  	_ =	shalt  }
0x40: {  	_ =	shalt  }
0x41: {  	_ =	shalt  }
0x42: {  	_ =	shalt  }
0x43: {  	_ =	shalt  }
0x44: {  	_ =	shalt  }
0x45: {  	_ =	shalt  }
0x46: {  	_ =	shalt  }
0x47: {  	_ =	shalt  }
0x48: {  	_ =	shalt  }
0x49: {  	_ =	shalt  }
0x4a: {  	_ =	shalt  }
0x4b: {  	_ =	shalt  }
0x4c: {  	_ =	shalt  }
0x4d: {  	_ =	shalt  }
0x4e: {  	_ =	shalt  }
0x4f: {  	_ =	shalt  }
0x50: {  	_ =	shalt  }
0x51: {  	_ =	shalt  }
0x52: {  	_ =	shalt  }
0x53: {  	_ =	shalt  }
0x54: {  	_ =	shalt  }
0x55: {  	_ =	shalt  }
0x56: {  	_ =	shalt  }
0x57: {  	_ =	shalt  }
0x58: {  	_ =	shalt  }
0x59: {  	_ =	shalt  }
0x5a: {  	_ =	shalt  }
0x5b: {  	_ =	shalt  }
0x5c: {  	_ =	shalt  }
0x5d: {  	_ =	shalt  }
0x5e: {  	_ =	shalt  }
0x5f: {  	_ =	shalt  }
0x60: {  	_ =	shalt  }
0x61: {  	_ =	shalt  }
0x62: {  	_ =	shalt  }
0x63: {  	_ =	shalt  }
0x64: {  	_ =	shalt  }
0x65: {  	_ =	shalt  }
0x66: {  	_ =	shalt  }
0x67: {  	_ =	shalt  }
0x68: {  	_ =	shalt  }
0x69: {  	_ =	shalt  }
0x6a: {  	_ =	shalt  }
0x6b: {  	_ =	shalt  }
0x6c: {  	_ =	shalt  }
0x6d: {  	_ =	shalt  }
0x6e: {  	_ =	shalt  }
0x6f: {  	_ =	shalt  }
0x70: {  	_ =	shalt  }
0x71: {  	_ =	shalt  }
0x72: {  	_ =	shalt  }
0x73: {  	_ =	shalt  }
0x74: {  	_ =	shalt  }
0x75: {  	_ =	shalt  }
0x76: {  	_ =	shalt  }
0x77: {  	_ =	shalt  }
0x78: {  	_ =	shalt  }
0x79: {  	_ =	shalt  }
0x7a: {  	_ =	shalt  }
0x7b: {  	_ =	shalt  }
0x7c: {  	_ =	shalt  }
0x7d: {  	_ =	shalt  }
0x7e: {  	_ =	shalt  }
0x7f: {  	_ =	shalt  }
0x80: {  	_ =	shalt  }
0x81: {  	_ =	shalt  }
0x82: {  	_ =	shalt  }
0x83: {  	_ =	shalt  }
0x84: {  	_ =	shalt  }
0x85: {  	_ =	shalt  }
0x86: {  	_ =	shalt  }
0x87: {  	_ =	shalt  }
.Lfunc_end0:
.L_simem_size_0:
called_computation_lowered:
.L_overlay_start_0:
0x88: {  	s2 =	sld [smem:$0x3FD9]  }
0x89: {  	s3 =	sld [smem:$0x3FFE];
	_ =	sdelay $0x1  }
0x8a: {  	s1 =	srdreg.scid  }
0x8b: {  	s0 =	sand.u32 $0x1, s1  }
0x8c: {  	s17 =	sshll.u32 s0, $0xA;
	s2 =	sadd.s32 s3, s2  }
0x8d: {  	s2 =	sadd.s32 s2, s17  }
0x8e: {  	[smem:$0x3FC1] =	sst s2  }
0x8f: {  	_ = 	snop  }
0x90: {  	s2 =	sld [smem:$0x3FC9]  }
0x91: {  	s18 =	sld [smem:$0x3FC7];
	(tm) =	ssettm $0x1  }
0x92: {  	s4 =	sld [smem:$0x3FFB];
	_ =	sdelay $0x3  }
0x93: {  	_ =	strace s4  }
0x94: {  	s4 =	sld [smem:$0x3FFC];
	_ =	sdelay $0x3  }
0x95: {  	_ =	strace s4  }
0x96: {  	s4 =	sld [smem:$0x3FFD];
	_ =	sdelay $0x3  }
0x97: {  	_ =	strace s4  }
0x98: {  	_ =	strace $0x8FFFFFFF  }
0x99: {  	s19 =	sld [smem:$0x3FDB];
	_ =	sdelay $0x1  }
0x9a: {  	s5 =	simm.s32 $_scs_section_size  }
0x9b: {  	s6 =	simm.s32 $_size__tile_overlayer_lowered;
	s7 =	simm.s32 $_tile_overlayer_lowered  }
0x9c: {  	s22 =	simm.s32 $0x1BFF;
	s21 =	sshll.u32 s7, $0x1;
	s4 =	sadd.s32 s5, s19  }
0x9d: {  	s8 =	simm.s32 $0x0;
	s20 =	sshll.u32 s6, $0x1;
	s6 =	sadd.s32 s21, s4  }
0x9e: {  	[timem:s8], [sflag:s22] =	dma.local [hbm:s6], s20  }
0x9f: {  	_ =	swait.ge [sflag:s22], s20  }
0xa0: {  	s5 =	ssub.s32 $0x0, s20;
	[sflag:s22] =	ssyncset.done $0x0  }
0xa1: {  	[sflag:s22] =	ssyncadd.s32 s5;
	_ =	sdelay $0x1  }
0xa2: {  	s23 =	simm.s32 $0x1B8B  }
0xa3: {  	_ =	swait.ge [sflag:s23], $0x1  }
0xa4: {  	[sflag:s23] =	ssyncset.done $0x0  }
0xa5: {  	s25 =	simm.s32 $0x1B8E;
	s24 =	sld [smem:$0x3FFE];
	[sflag:s23] =	ssyncadd.s32 $0xFFFFFFFF  }
0xa6: {  	s26 =	simm.s32 $execute0_lowered;
	[smem:$0x3FD2] =	sst s25  }
0xa7: {  	s6 =	sshll.u32 s26, $0x1;
	_ =	strace $0x80000046;
	[dreg:$0x1] =	wrdreg $0xFFFFFFFF  }
0xa8: {  	s28 =	simm.s32 $_size_execute0_lowered;
	s4 =	sadd.s32 s4, s6;
	[dreg:$0x0] =	wrdreg $0x0  }
0xa9: {  	s6 =	sshll.u32 s28, $0x1;
	[dreg:$0x2] =	wrdreg s4  }
0xaa: {  	[dreg:$0x3] =	wrdreg s6  }
0xab: {  	[dreg:$0x4] =	wrdreg $0xC0  }
0xac: {  	_ =	task [dreg:s8], $0x5FFFF  }
0xad: {  	[dreg:$0x1] =	wrdreg $0xFFFFFFFF  }
0xae: {  	[dreg:$0x0] =	wrdreg $0x60  }
0xaf: {  	[dreg:$0x2] =	wrdreg s2  }
0xb0: {  	[dreg:$0x3] =	wrdreg s18  }
0xb1: {  	[dreg:$0x4] =	wrdreg s24  }
0xb2: {  	[dreg:$0x5] =	wrdreg $0x9  }
0xb3: {  	_ =	task.clear_ibuf [dreg:s8], $0x6FFFF;
	_ =	strace $0x90000046  }
0xb4: {  	s29 =	simm.s32 $0x9;
	_ =	strace $0x80000048  }
0xb5: {  	_ =	swait.ge [sflag:s29], $0x1  }
0xb6: {  	[sflag:s29] =	ssyncadd.s32 $0xFFFFFFFF  }
0xb7: {  	_ =	strace $0x90000048  }
0xb8: {  	_ =	sfence  }
0xb9: {  	s30 =	sld [smem:$0x0];
	_ =	sdelay $0x2  }
0xba: {  	s31 =	sshll.u32 s1, $0xD;
	s1 =	sshrl.u32 s1, $0x2  }
0xbb: {  	s3 =	sand.u32 $0x4000, s31;
	s1 =	sadd.s32 s1, s30  }
0xbc: {  	s0 =	sor.u32 s3, s0;
	s1 =	sshll.u32 s1, $0x11  }
0xbd: {  	s0 =	sor.u32 s1, s0  }
0xbe: {  	s0 =	sadd.s32 $0x8F2B, s0  }
0xbf: {  	[sflag:s0] =	ssyncadd.remote.s32 $0x1  }
0xc0: {  	_ =	sfence.sel $0xFFFF  }
0xc1: {  	[dreg:$0x0] =	wrdreg $0xFFFFFFFF;
	(pc) =	sbr.abs _section_cstart, $3  }
0xc2: {  	[dreg:$0x1] =	wrdreg $0xFFFFFFFF  }
0xc3: {  	_ =	task.clear_ibuf [dreg:s8], $0x2FFFF;
	_ =	strace $0x9FFFFFFF  }
0xc4: {  	(tm) =	ssettm $0x7FFFFFFF  }
0xc5: {  	_ =	shalt  }
tec
execute0_lowered:
.L_overlay_start_1:
0x0: {  	(tag) =	ssettag $0x1  }
0x1: {  	s1 =	rddreg [dreg:$0x0]  }
0x2: {  	s3 =	rddreg [dreg:$0x1]  }
0x3: {  	s6 =	rddreg [dreg:$0x2]  }
0x4: {  	s5 =	srdreg.scid;
	s0 =	stileid.u32  }
0x5: {  	s4 =	simm.s32 $0x0;
	s13 =	simm.s32 $0x200;
	s14 =	simm.s32 $0xE200  }
0x6: {  	s15 =	simm.s32 $0x5;
	s16 =	simm.s32 $0x16200;
	s17 =	simm.s32 $0x1E200  }
0x7: {  	s7 =	sand.u32 $0x1, s5;
	s28 =	sshll.u32 s0, $0x1;
	[smem:$0x7FF] =	sst s4  }
0x8: {  	s18 =	simm.s32 $0x0;
	s8 =	sor.u32 s7, s28;
	_ =	strace $0x80000047  }
0x9: {  	s7 =	ssub.s32 $0x2, s7;
	s9 =	sshll.u32 s8, $0xC;
	s5 =	smul.u32 $0xC40, s8  }
.Ltmp0:
0xa: {  	s8 =	sshll.u32 s8, $0x8;
	s29 =	sshrl.u32 s7, $0x1;
	(pc) =	sbr.rel .LBB2_1-.Ltmp0, $4  }
0xb: {  	s10 =	sadd.s32 s9, s6;
	s11 =	sadd.s32 s8, s6;
	s12 =	ssub.s32 s7, s29  }
0xc: {  	s6 =	smin.u32 s5, $0x17A60;
	s9 =	sadd.s32 $0x3600, s10;
	s10 =	sadd.s32 $0x23600, s10  }
0xd: {  	s11 =	sadd.s32 $0x1600, s11;
	s30 =	sshll.u32 s6, $0x4;
	s31 =	sshrl.u32 s6, $0x3  }
0xe: {  	v0 =	vimm.f32 $0.0e+00;
	v1 =	vlaneseq.u32;
	s12 =	smax.u32 s12, $0x1;
	s7 =	sadd.s32 s1, s30;
	s8 =	sadd.s32 s3, s31  }
.LBB2_18:
0xf: {  	[hbm4b:s9+s4] =	stream.linear.scatter [tilespmem:s14], [sflag:$0x5], $0x8000, $0x38;
	[tilespmem:$0x1EB00] =	vst v63  }
0x10: {  	_ =	swait.ge [sflag:s15], $0x8000  }
0x11: {  	[sflag:s15] =	ssyncset.done $0x0  }
0x12: {  	[sflag:s15] =	ssyncadd.s32 $0xFFFF8000  }
0x13: {  	[hbm4b:s10+s4] =	stream.linear.scatter [tilespmem:s16], [sflag:$0x5], $0x8000, $0x38;
	[tilespmem:$0x1EB00] =	vst v63  }
0x14: {  	s18 =	sadd.s32 $0x1, s18;
	_ =	swait.ge [sflag:s15], $0x8000  }
0x15: {  	p0 =	sne.s32 s18, s12;
	[sflag:s15] =	ssyncset.done $0x0  }
.Ltmp1:
0x16: {  	[sflag:s15] =	ssyncadd.s32 $0xFFFF8000;
	(pc) =	sbr.rel @!p0 .LBB2_19-.Ltmp1, $4  }
0x17: {  	[hbm4b:s11+s4] =	stream.linear.scatter [tilespmem:s17], [sflag:$0x5], $0x800, $0x38;
	[tilespmem:$0x1EB00] =	vst v63  }
0x18: {  	_ =	swait.ge [sflag:s15], $0x800  }
0x19: {  	[sflag:s15] =	ssyncset.done $0x0  }
0x1a: {  	[sflag:s15] =	ssyncadd.s32 $0xFFFFF800  }
.LBB2_1:
0x1b: {  	[tilespmem:$0x1E200] =	vst v0  }
0x1c: {  	[tilespmem:$0x1E280] =	vst v0  }
0x1d: {  	[tilespmem:$0x1E300] =	vst v0  }
0x1e: {  	[tilespmem:$0x1E380] =	vst v0  }
0x1f: {  	[tilespmem:$0x1E400] =	vst v0  }
0x20: {  	[tilespmem:$0x1E480] =	vst v0  }
0x21: {  	[tilespmem:$0x1E500] =	vst v0  }
0x22: {  	[tilespmem:$0x1E580] =	vst v0  }
0x23: {  	[tilespmem:$0x1E600] =	vst v0  }
0x24: {  	[tilespmem:$0x1E680] =	vst v0  }
0x25: {  	[tilespmem:$0x1E700] =	vst v0  }
0x26: {  	[tilespmem:$0x1E780] =	vst v0  }
0x27: {  	[tilespmem:$0x1E800] =	vst v0  }
0x28: {  	[tilespmem:$0x1E880] =	vst v0  }
0x29: {  	[tilespmem:$0x1E900] =	vst v0  }
.Ltmp2:
0x2a: {  	[tilespmem:$0x1E980] =	vst v0;
	s29 =	simm.s32 $0xFFFFFFFF;
	(pc) =	sbr.rel .LBB2_3-.Ltmp2, $4  }
0x2b: {  	[tilespmem:s13], [sflag:$0x1] =	stream.linear.gather [hbm4b:s7+s4], $0x7000, $0x38;
	[tilespmem:$0x1EB00] =	vst v63  }
0x2c: {  	p0 =	por $0x0, $0x0;
	[smem:$0x0] =	sst s29  }
0x2d: {  	s19 =	simm.s32 $0x0;
	s20 =	simm.s32 $0x0;
	[smem:$0x1] =	sst s4  }
0x2e: {  	[tilespmem:s4], [sflag:$0x3] =	stream.linear.gather [hbm4b:s8+s4], $0xE0, $0x38;
	[tilespmem:$0x1EB00] =	vst v63  }
.LBB2_2:
0x2f: {  	p1 =	seq.s32 s20, $0xE  }
.Ltmp3:
0x30: {  	_ = 	snop;
	(pc) =	sbr.rel @p1 .LBB2_16-.Ltmp3, $2  }
0x31: {  	_ =	sdelay $0x2  }
0x32: {  	p0 =	por !p0, !p0  }
.LBB2_3:
0x33: {  	s21 =	smov.u32 s20  }
0x34: {  	s23 =	sand.u32 $0x1, s20;
	s22 =	simm.s32 $0x1;
	s20 =	sadd.s32 $0x1, s20  }
0x35: {  	s24 =	sadd.s32 $0x1, s23;
	p1 =	seq.s32 s21, $0xD;
	s2 =	smul.u32 $0x1C000, s23  }
0x36: {  	_ =	swait.ge [sflag:s24], $0x7000;
	s25 =	smul.u32 @!p1 $0xE0, s20;
	s26 =	sand.u32 @!p1 $0x1, s20  }
0x37: {  	s22 =	simm.s32 @!p0 $0x0;
	[sflag:s24] =	ssyncset.done $0x0;
	s28 =	smul.u32 @!p1 $0x1C000, s26  }
0x38: {  	s31 =	sadd.s32 $0x3, s23;
	s0 =	smul.u32 $0x1C000, s22;
	[sflag:s24] =	ssyncadd.s32 $0xFFFF9000  }
0x39: {  	s30 =	sadd.s32 @!p1 $0x1, s26;
	_ =	swait.ge [sflag:s31], $0xE0;
	s28 =	sshrl.u32 @!p1 s28, $0x2  }
0x3a: {  	s25 =	sadd.s32 @!p1 s6, s25;
	[sflag:s31] =	ssyncset.done $0x0;
	s24 =	sor.u32 @!p1 $0x200, s28  }
0x3b: {  	s28 =	sshll.u32 @!p1 s25, $0x4;
	s25 =	sshrl.u32 @!p1 s25, $0x3;
	[sflag:s31] =	ssyncadd.s32 $0xFFFFFF20  }
0x3c: {  	s28 =	sadd.s32 @!p1 s1, s28;
	s31 =	simm.s32 @!p1 $0x0;
	s25 =	sadd.s32 @!p1 s3, s25  }
0x3d: {  	[tilespmem:s24], [sflag:s30] =	stream.linear.gather @!p1 [hbm4b:s28+s31], $0x7000, $0x38;
	[tilespmem:$0x1EB00] =	vst v63  }
.Ltmp4:
0x3e: {  	s28 =	sshll.u32 @!p1 s26, $0x8;
	s26 =	sadd.s32 @!p1 $0x3, s26;
	(pc) =	sbr.rel .LBB2_4-.Ltmp4, $4  }
0x3f: {  	[tilespmem:s28], [sflag:s26] =	stream.linear.gather @!p1 [hbm4b:s25+s31], $0xE0, $0x38;
	[tilespmem:$0x1EB00] =	vst v63  }
0x40: {  	s23 =	sshll.u32 s23, $0x8;
	s28 =	smul.u32 $0xE0, s21;
	s31 =	sshrl.u32 s2, $0x2  }
0x41: {  	s24 =	sshrl.u32 s0, $0x2;
	s21 =	sshll.u32 s22, $0x8;
	s26 =	sor.u32 $0x200, s31  }
0x42: {  	s22 =	sor.u32 $0x240, s24;
	s25 =	simm.s32 $0x0;
	s24 =	sadd.s32 s6, s28;
	v2 =	vmov s26  }
.LBB2_14:
0x43: {  	[smem:$0x0] =	sst s29  }
0x44: {  	[smem:$0x1] =	sst s19  }
.LBB2_15:
0x45: {  	s25 =	sadd.s32 $0x1, s25  }
0x46: {  	p1 =	seq.s32 s25, $0xE  }
.Ltmp5:
0x47: {  	_ = 	snop;
	(pc) =	sbr.rel @p1 .LBB2_2-.Ltmp5, $2  }
0x48: {  	_ =	sdelay $0x2  }
0x49: {  	s21 =	sadd.s32 $0x10, s21;
	s22 =	sadd.s32 $0x800, s22  }
.LBB2_4:
0x4a: {  	s28 =	sshll.u32 s25, $0x4  }
0x4b: {  	s26 =	sadd.s32 s23, s28  }
0x4c: {  	s30 =	sand.u32 $0x70, s28;
	s26 =	sand.u32 $0x180, s26  }
0x4d: {  	s26 =	sor.u32 s30, s26  }
0x4e: {  	v3 =	vld [tilespmem:s26+$0x0];
	_ =	sdelay $0x4  }
0x4f: {  	(v2sf) =	vpush v3, $0x0  }
0x50: {  	(v2sf) =	vpush v3, $0xF;
	_ =	sdelay $0xd  }
0x51: {  	s31 =	sadd.s32 s28, s24;
	s26 =	spop (v2sf)  }
0x52: {  	p1 =	slt.u32 s31, s5;
	s28 =	spop (v2sf)  }
0x53: {  	p2 =	sne.s32 @!p1 s26, s28  }
0x54: {  	p2 =	por p1, p2  }
.Ltmp6:
0x55: {  	_ = 	snop;
	(pc) =	sbr.rel @p2 .LBB2_5-.Ltmp6, $1  }
0x56: {  	_ =	sdelay $0x3  }
0x57: {  	p2 =	seq.s32 s26, s29  }
0x58: {  	p3 =	slt.s32 @!p2 s19, $0x1  }
0x59: {  	p2 =	por p2, p3  }
.Ltmp7:
0x5a: {  	_ = 	snop;
	(pc) =	sbr.rel @p2 .LBB2_8-.Ltmp7, $1  }
0x5b: {  	_ =	sdelay $0x3  }
0x5c: {  	v3 =	vld [tilespmem:$0x1EA00];
	_ =	sdelay $0x4  }
0x5d: {  	v3 =	vadd.f32 $0.0e+00, v3  }
0x5e: {  	s30 =	sshll.u32 s29, $0x7  }
0x5f: {  	[tilespmem:s30+$0xE200] =	vst v3  }
0x60: {  	v3 =	vld [tilespmem:$0x1EA80];
	_ =	sdelay $0x4  }
0x61: {  	v3 =	vmax.f32 v3, $-3.000000010e+38  }
0x62: {  	[tilespmem:s30+$0x16200] =	vst v3  }
0x63: {  	v3 =	vld [tilespmem:$0x1EA10];
	_ =	sdelay $0x4  }
0x64: {  	v3 =	vadd.f32 $0.0e+00, v3;
	_ =	sdelay $0x1  }
0x65: {  	[tilespmem:s30+$0xE210] =	vst v3  }
0x66: {  	v3 =	vld [tilespmem:$0x1EA90];
	_ =	sdelay $0x4  }
0x67: {  	v3 =	vmax.f32 v3, $-3.000000010e+38  }
0x68: {  	[tilespmem:s30+$0x16210] =	vst v3  }
0x69: {  	v3 =	vld [tilespmem:$0x1EA20];
	_ =	sdelay $0x4  }
0x6a: {  	v3 =	vadd.f32 $0.0e+00, v3;
	_ =	sdelay $0x1  }
0x6b: {  	[tilespmem:s30+$0xE220] =	vst v3  }
0x6c: {  	v3 =	vld [tilespmem:$0x1EAA0];
	_ =	sdelay $0x4  }
0x6d: {  	v3 =	vmax.f32 v3, $-3.000000010e+38  }
0x6e: {  	[tilespmem:s30+$0x16220] =	vst v3  }
0x6f: {  	v3 =	vld [tilespmem:$0x1EA30];
	_ =	sdelay $0x4  }
0x70: {  	v3 =	vadd.f32 $0.0e+00, v3;
	_ =	sdelay $0x1  }
0x71: {  	[tilespmem:s30+$0xE230] =	vst v3  }
0x72: {  	v3 =	vld [tilespmem:$0x1EAB0];
	_ =	sdelay $0x4  }
0x73: {  	v3 =	vmax.f32 v3, $-3.000000010e+38  }
0x74: {  	[tilespmem:s30+$0x16230] =	vst v3  }
0x75: {  	v3 =	vld [tilespmem:$0x1EA40];
	_ =	sdelay $0x4  }
0x76: {  	v3 =	vadd.f32 $0.0e+00, v3;
	_ =	sdelay $0x1  }
0x77: {  	[tilespmem:s30+$0xE240] =	vst v3  }
0x78: {  	v3 =	vld [tilespmem:$0x1EAC0];
	_ =	sdelay $0x4  }
0x79: {  	v3 =	vmax.f32 v3, $-3.000000010e+38  }
0x7a: {  	[tilespmem:s30+$0x16240] =	vst v3  }
0x7b: {  	v3 =	vld [tilespmem:$0x1EA50];
	_ =	sdelay $0x4  }
0x7c: {  	v3 =	vadd.f32 $0.0e+00, v3;
	_ =	sdelay $0x1  }
0x7d: {  	[tilespmem:s30+$0xE250] =	vst v3  }
0x7e: {  	v3 =	vld [tilespmem:$0x1EAD0];
	_ =	sdelay $0x4  }
0x7f: {  	v3 =	vmax.f32 v3, $-3.000000010e+38  }
0x80: {  	[tilespmem:s30+$0x16250] =	vst v3  }
0x81: {  	v3 =	vld [tilespmem:$0x1EA60];
	_ =	sdelay $0x4  }
0x82: {  	v3 =	vadd.f32 $0.0e+00, v3;
	_ =	sdelay $0x1  }
0x83: {  	[tilespmem:s30+$0xE260] =	vst v3  }
0x84: {  	v3 =	vld [tilespmem:$0x1EAE0];
	_ =	sdelay $0x4  }
0x85: {  	v3 =	vmax.f32 v3, $-3.000000010e+38  }
0x86: {  	[tilespmem:s30+$0x16260] =	vst v3  }
0x87: {  	v3 =	vld [tilespmem:$0x1EA70];
	_ =	sdelay $0x3  }
0x88: {  	s31 =	sshra.s32 s29, $0x1F  }
0x89: {  	s31 =	sshrl.u32 s31, $0x1C;
	v3 =	vadd.f32 $0.0e+00, v3  }
0x8a: {  	s31 =	sadd.s32 s31, s29  }
0x8b: {  	s0 =	sand.u32 $0xFFFFFFF0, s31;
	[tilespmem:s30+$0xE270] =	vst v3  }
0x8c: {  	p2 =	slt.s32 s29, $0x1;
	p3 =	sne.s32 s29, s0;
	v3 =	vld [tilespmem:$0x1EAF0]  }
0x8d: {  	p2 =	por !p2, !p3  }
0x8e: {  	s0 =	simm.s32 $0x1;
	p2 =	por !p2, !p2  }
0x8f: {  	s31 =	sshrl.u32 s31, $0x4;
	s0 =	simm.s32 @!p2 $0x0  }
0x90: {  	s0 =	ssub.s32 s31, s0  }
0x91: {  	s0 =	sshll.u32 s0, $0x9;
	v3 =	vmax.f32 v3, $-3.000000010e+38  }
0x92: {  	s0 =	sshra.s32 s0, $0x2;
	[tilespmem:s30+$0x16270] =	vst v3  }
0x93: {  	v3 =	vld [tilespmem:s0+$0x1E200];
	_ =	sdelay $0x1  }
0x94: {  	s30 =	sand.u32 $0xF, s29  }
0x95: {  	s2 =	scvt.s32.f32 s19;
	v4 =	vmov s30  }
0x96: {  	vm0 =	veq.s32 v4, v1  }
0x97: {  	v3 =	vsel vm0, s2, v3  }
0x98: {  	[tilespmem:s0+$0x1E200] =	vst v3  }
.LBB2_8:
0x99: {  	_ =	sdelay $0x1  }
0x9a: {  	s0 =	sshll.u32 s25, $0xD  }
0x9b: {  	s30 =	sshra.s32 s0, $0x2  }
0x9c: {  	v3 =	vld.idx.msk [tilespmem:v2+s30+$0x0 ss:$0x1], $0xffff  }
0x9d: {  	v4 =	vld.idx.msk [tilespmem:v2+s30+$0x80 ss:$0x1], $0xffff  }
0x9e: {  	v5 =	vld.idx.msk [tilespmem:v2+s30+$0x100 ss:$0x1], $0xffff  }
0x9f: {  	v6 =	vld.idx.msk [tilespmem:v2+s30+$0x180 ss:$0x1], $0xffff  }
0xa0: {  	v7 =	vld.idx.msk [tilespmem:v2+s30+$0x200 ss:$0x1], $0xffff  }
0xa1: {  	v8 =	vld.idx.msk [tilespmem:v2+s30+$0x280 ss:$0x1], $0xffff  }
0xa2: {  	v9 =	vld.idx.msk [tilespmem:v2+s30+$0x300 ss:$0x1], $0xffff  }
0xa3: {  	v10 =	vld.idx.msk [tilespmem:v2+s30+$0x380 ss:$0x1], $0xffff  }
0xa4: {  	v11 =	vld.idx.msk [tilespmem:v2+s30+$0x400 ss:$0x1], $0xffff  }
0xa5: {  	v12 =	vld.idx.msk [tilespmem:v2+s30+$0x480 ss:$0x1], $0xffff  }
0xa6: {  	v13 =	vld.idx.msk [tilespmem:v2+s30+$0x500 ss:$0x1], $0xffff  }
0xa7: {  	v14 =	vld.idx.msk [tilespmem:v2+s30+$0x580 ss:$0x1], $0xffff  }
0xa8: {  	v15 =	vld.idx.msk [tilespmem:v2+s30+$0x600 ss:$0x1], $0xffff  }
0xa9: {  	v16 =	vld.idx.msk [tilespmem:v2+s30+$0x680 ss:$0x1], $0xffff  }
0xaa: {  	v17 =	vld.idx.msk [tilespmem:v2+s30+$0x700 ss:$0x1], $0xffff  }
0xab: {  	v18 =	vld.idx.msk [tilespmem:v2+s30+$0x780 ss:$0x1], $0xffff;
	_ =	sdelay $0x1  }
0xac: {  	v19 =	vadd.f32 v4, v3;
	v20 =	vadd.f32 v6, v5  }
0xad: {  	v21 =	vadd.f32 v8, v7;
	v22 =	vadd.f32 v10, v9  }
0xae: {  	v23 =	vadd.f32 v12, v11;
	v24 =	vadd.f32 v14, v13  }
0xaf: {  	v25 =	vadd.f32 v16, v15;
	v26 =	vadd.f32 v18, v17  }
0xb0: {  	v3 =	vmax.f32 v3, v4;
	v28 =	vmax.f32 v15, v16;
	v29 =	vmax.f32 v17, v18  }
0xb1: {  	v32 =	vmax.f32 v28, v29;
	v19 =	vadd.f32 v20, v19;
	v59 =	vadd.f32 v22, v21  }
0xb2: {  	v63 =	vld [tilespmem:$0x1EA00];
	v60 =	vadd.f32 v24, v23;
	v61 =	vadd.f32 v26, v25;
	v22 =	vmax.f32 v5, v6  }
0xb3: {  	v27 =	vld [tilespmem:$0x1EA80];
	v23 =	vmax.f32 v7, v8;
	v24 =	vmax.f32 v9, v10;
	v25 =	vmax.f32 v11, v12  }
0xb4: {  	v26 =	vmax.f32 v13, v14;
	v19 =	vadd.f32 v59, v19;
	v62 =	vadd.f32 v61, v60  }
0xb5: {  	v3 =	vmax.f32 v3, v22;
	v30 =	vmax.f32 v23, v24;
	v31 =	vmax.f32 v25, v26  }
0xb6: {  	v3 =	vmax.f32 v3, v30;
	v33 =	vmax.f32 v31, v32;
	v19 =	vadd.f32 v62, v19  }
0xb7: {  	v3 =	vmax.f32 v3, v33  }
0xb8: {  	p2 =	sne.s32 s26, s29;
	v36 =	vmax.f32 v27, v3;
	v34 =	vadd.f32 v19, v63  }
0xb9: {  	v3 =	vpsel p2, v3, v36  }
0xba: {  	[tilespmem:$0x1EA80] =	vst v3;
	v35 =	vpsel p2, v19, v34  }
0xbb: {  	[tilespmem:$0x1EA00] =	vst v35  }
0xbc: {  	v3 =	vld.idx.msk [tilespmem:v2+s30+$0x10 ss:$0x1], $0xffff  }
0xbd: {  	v4 =	vld.idx.msk [tilespmem:v2+s30+$0x90 ss:$0x1], $0xffff  }
0xbe: {  	v37 =	vld.idx.msk [tilespmem:v2+s30+$0x110 ss:$0x1], $0xffff  }
0xbf: {  	v38 =	vld.idx.msk [tilespmem:v2+s30+$0x190 ss:$0x1], $0xffff  }
0xc0: {  	v39 =	vld.idx.msk [tilespmem:v2+s30+$0x210 ss:$0x1], $0xffff  }
0xc1: {  	v40 =	vld.idx.msk [tilespmem:v2+s30+$0x290 ss:$0x1], $0xffff  }
0xc2: {  	v41 =	vld.idx.msk [tilespmem:v2+s30+$0x310 ss:$0x1], $0xffff  }
0xc3: {  	v42 =	vld.idx.msk [tilespmem:v2+s30+$0x390 ss:$0x1], $0xffff  }
0xc4: {  	v43 =	vld.idx.msk [tilespmem:v2+s30+$0x410 ss:$0x1], $0xffff  }
0xc5: {  	v44 =	vld.idx.msk [tilespmem:v2+s30+$0x490 ss:$0x1], $0xffff  }
0xc6: {  	v45 =	vld.idx.msk [tilespmem:v2+s30+$0x510 ss:$0x1], $0xffff  }
0xc7: {  	v46 =	vld.idx.msk [tilespmem:v2+s30+$0x590 ss:$0x1], $0xffff  }
0xc8: {  	v47 =	vld.idx.msk [tilespmem:v2+s30+$0x610 ss:$0x1], $0xffff  }
0xc9: {  	v48 =	vld.idx.msk [tilespmem:v2+s30+$0x690 ss:$0x1], $0xffff  }
0xca: {  	v49 =	vld.idx.msk [tilespmem:v2+s30+$0x710 ss:$0x1], $0xffff  }
0xcb: {  	v50 =	vld.idx.msk [tilespmem:v2+s30+$0x790 ss:$0x1], $0xffff;
	_ =	sdelay $0x1  }
0xcc: {  	v51 =	vadd.f32 v4, v3;
	v52 =	vadd.f32 v38, v37  }
0xcd: {  	v53 =	vadd.f32 v40, v39;
	v54 =	vadd.f32 v42, v41  }
0xce: {  	v55 =	vadd.f32 v44, v43;
	v56 =	vadd.f32 v46, v45  }
0xcf: {  	v57 =	vadd.f32 v48, v47;
	v58 =	vadd.f32 v50, v49  }
0xd0: {  	v3 =	vmax.f32 v3, v4;
	v22 =	vmax.f32 v37, v38;
	v23 =	vmax.f32 v39, v40  }
0xd1: {  	v24 =	vmax.f32 v41, v42;
	v19 =	vadd.f32 v52, v51;
	v59 =	vadd.f32 v54, v53  }
0xd2: {  	v27 =	vld [tilespmem:$0x1EA90];
	v25 =	vmax.f32 v43, v44;
	v60 =	vadd.f32 v56, v55;
	v61 =	vadd.f32 v58, v57  }
0xd3: {  	v63 =	vld [tilespmem:$0x1EA10];
	v26 =	vmax.f32 v45, v46;
	v28 =	vmax.f32 v47, v48;
	v29 =	vmax.f32 v49, v50  }
0xd4: {  	v3 =	vmax.f32 v3, v22;
	v19 =	vadd.f32 v59, v19;
	v62 =	vadd.f32 v61, v60  }
0xd5: {  	v30 =	vmax.f32 v23, v24;
	v31 =	vmax.f32 v25, v26;
	v32 =	vmax.f32 v28, v29  }
0xd6: {  	v3 =	vmax.f32 v3, v30;
	v33 =	vmax.f32 v31, v32;
	v19 =	vadd.f32 v62, v19  }
0xd7: {  	v3 =	vmax.f32 v3, v33  }
0xd8: {  	v36 =	vmax.f32 v27, v3;
	v34 =	vadd.f32 v19, v63  }
0xd9: {  	v3 =	vpsel p2, v3, v36  }
0xda: {  	[tilespmem:$0x1EA90] =	vst v3;
	v35 =	vpsel p2, v19, v34  }
0xdb: {  	[tilespmem:$0x1EA10] =	vst v35  }
0xdc: {  	v3 =	vld.idx.msk [tilespmem:v2+s30+$0x20 ss:$0x1], $0xffff  }
0xdd: {  	v4 =	vld.idx.msk [tilespmem:v2+s30+$0xA0 ss:$0x1], $0xffff  }
0xde: {  	v37 =	vld.idx.msk [tilespmem:v2+s30+$0x120 ss:$0x1], $0xffff  }
0xdf: {  	v38 =	vld.idx.msk [tilespmem:v2+s30+$0x1A0 ss:$0x1], $0xffff  }
0xe0: {  	v39 =	vld.idx.msk [tilespmem:v2+s30+$0x220 ss:$0x1], $0xffff  }
0xe1: {  	v40 =	vld.idx.msk [tilespmem:v2+s30+$0x2A0 ss:$0x1], $0xffff  }
0xe2: {  	v41 =	vld.idx.msk [tilespmem:v2+s30+$0x320 ss:$0x1], $0xffff  }
0xe3: {  	v42 =	vld.idx.msk [tilespmem:v2+s30+$0x3A0 ss:$0x1], $0xffff  }
0xe4: {  	v43 =	vld.idx.msk [tilespmem:v2+s30+$0x420 ss:$0x1], $0xffff  }
0xe5: {  	v44 =	vld.idx.msk [tilespmem:v2+s30+$0x4A0 ss:$0x1], $0xffff  }
0xe6: {  	v45 =	vld.idx.msk [tilespmem:v2+s30+$0x520 ss:$0x1], $0xffff  }
0xe7: {  	v46 =	vld.idx.msk [tilespmem:v2+s30+$0x5A0 ss:$0x1], $0xffff  }
0xe8: {  	v47 =	vld.idx.msk [tilespmem:v2+s30+$0x620 ss:$0x1], $0xffff  }
0xe9: {  	v48 =	vld.idx.msk [tilespmem:v2+s30+$0x6A0 ss:$0x1], $0xffff  }
0xea: {  	v49 =	vld.idx.msk [tilespmem:v2+s30+$0x720 ss:$0x1], $0xffff  }
0xeb: {  	v50 =	vld.idx.msk [tilespmem:v2+s30+$0x7A0 ss:$0x1], $0xffff;
	_ =	sdelay $0x1  }
0xec: {  	v51 =	vadd.f32 v4, v3;
	v52 =	vadd.f32 v38, v37  }
0xed: {  	v53 =	vadd.f32 v40, v39;
	v54 =	vadd.f32 v42, v41  }
0xee: {  	v55 =	vadd.f32 v44, v43;
	v56 =	vadd.f32 v46, v45  }
0xef: {  	v57 =	vadd.f32 v48, v47;
	v58 =	vadd.f32 v50, v49  }
0xf0: {  	v3 =	vmax.f32 v3, v4;
	v24 =	vmax.f32 v37, v38;
	v25 =	vmax.f32 v39, v40  }
0xf1: {  	v26 =	vmax.f32 v41, v42;
	v19 =	vadd.f32 v52, v51;
	v59 =	vadd.f32 v54, v53  }
0xf2: {  	v29 =	vld [tilespmem:$0x1EAA0];
	v27 =	vmax.f32 v43, v44;
	v60 =	vadd.f32 v56, v55;
	v61 =	vadd.f32 v58, v57  }
0xf3: {  	v63 =	vld [tilespmem:$0x1EA20];
	v28 =	vmax.f32 v45, v46;
	v30 =	vmax.f32 v47, v48;
	v31 =	vmax.f32 v49, v50  }
0xf4: {  	v3 =	vmax.f32 v3, v24;
	v19 =	vadd.f32 v59, v19;
	v62 =	vadd.f32 v61, v60  }
0xf5: {  	v32 =	vmax.f32 v25, v26;
	v33 =	vmax.f32 v27, v28;
	v34 =	vmax.f32 v30, v31  }
0xf6: {  	v3 =	vmax.f32 v3, v32;
	v35 =	vmax.f32 v33, v34;
	v19 =	vadd.f32 v62, v19  }
0xf7: {  	v3 =	vmax.f32 v3, v35  }
0xf8: {  	v38 =	vmax.f32 v29, v3;
	v36 =	vadd.f32 v19, v63  }
0xf9: {  	v3 =	vpsel p2, v3, v38  }
0xfa: {  	[tilespmem:$0x1EAA0] =	vst v3;
	v37 =	vpsel p2, v19, v36  }
0xfb: {  	[tilespmem:$0x1EA20] =	vst v37  }
0xfc: {  	v3 =	vld.idx.msk [tilespmem:v2+s30+$0x30 ss:$0x1], $0xffff  }
0xfd: {  	v4 =	vld.idx.msk [tilespmem:v2+s30+$0xB0 ss:$0x1], $0xffff  }
0xfe: {  	v39 =	vld.idx.msk [tilespmem:v2+s30+$0x130 ss:$0x1], $0xffff  }
0xff: {  	v40 =	vld.idx.msk [tilespmem:v2+s30+$0x1B0 ss:$0x1], $0xffff  }
0x100: {  	v41 =	vld.idx.msk [tilespmem:v2+s30+$0x230 ss:$0x1], $0xffff  }
0x101: {  	v42 =	vld.idx.msk [tilespmem:v2+s30+$0x2B0 ss:$0x1], $0xffff  }
0x102: {  	v43 =	vld.idx.msk [tilespmem:v2+s30+$0x330 ss:$0x1], $0xffff  }
0x103: {  	v44 =	vld.idx.msk [tilespmem:v2+s30+$0x3B0 ss:$0x1], $0xffff  }
0x104: {  	v45 =	vld.idx.msk [tilespmem:v2+s30+$0x430 ss:$0x1], $0xffff  }
0x105: {  	v46 =	vld.idx.msk [tilespmem:v2+s30+$0x4B0 ss:$0x1], $0xffff  }
0x106: {  	v47 =	vld.idx.msk [tilespmem:v2+s30+$0x530 ss:$0x1], $0xffff  }
0x107: {  	v48 =	vld.idx.msk [tilespmem:v2+s30+$0x5B0 ss:$0x1], $0xffff  }
0x108: {  	v49 =	vld.idx.msk [tilespmem:v2+s30+$0x630 ss:$0x1], $0xffff  }
0x109: {  	v50 =	vld.idx.msk [tilespmem:v2+s30+$0x6B0 ss:$0x1], $0xffff  }
0x10a: {  	v51 =	vld.idx.msk [tilespmem:v2+s30+$0x730 ss:$0x1], $0xffff  }
0x10b: {  	v52 =	vld.idx.msk [tilespmem:v2+s30+$0x7B0 ss:$0x1], $0xffff;
	_ =	sdelay $0x1  }
0x10c: {  	v53 =	vadd.f32 v4, v3;
	v54 =	vadd.f32 v40, v39  }
0x10d: {  	v55 =	vadd.f32 v42, v41;
	v56 =	vadd.f32 v44, v43  }
0x10e: {  	v57 =	vadd.f32 v46, v45;
	v58 =	vadd.f32 v48, v47  }
0x10f: {  	v59 =	vadd.f32 v50, v49;
	v60 =	vadd.f32 v52, v51  }
0x110: {  	v3 =	vmax.f32 v3, v4;
	v26 =	vmax.f32 v39, v40;
	v27 =	vmax.f32 v41, v42  }
0x111: {  	v28 =	vmax.f32 v43, v44;
	v19 =	vadd.f32 v54, v53;
	v61 =	vadd.f32 v56, v55  }
0x112: {  	v25 =	vld [tilespmem:$0x1EA30];
	v29 =	vmax.f32 v45, v46;
	v62 =	vadd.f32 v58, v57;
	v63 =	vadd.f32 v60, v59  }
0x113: {  	v31 =	vld [tilespmem:$0x1EAB0];
	v30 =	vmax.f32 v47, v48;
	v32 =	vmax.f32 v49, v50;
	v33 =	vmax.f32 v51, v52  }
0x114: {  	v3 =	vmax.f32 v3, v26;
	v19 =	vadd.f32 v61, v19;
	v24 =	vadd.f32 v63, v62  }
0x115: {  	v34 =	vmax.f32 v27, v28;
	v35 =	vmax.f32 v29, v30;
	v36 =	vmax.f32 v32, v33  }
0x116: {  	v3 =	vmax.f32 v3, v34;
	v37 =	vmax.f32 v35, v36;
	v19 =	vadd.f32 v24, v19  }
0x117: {  	v3 =	vmax.f32 v3, v37  }
0x118: {  	v40 =	vmax.f32 v31, v3;
	v38 =	vadd.f32 v19, v25  }
0x119: {  	v3 =	vpsel p2, v3, v40  }
0x11a: {  	[tilespmem:$0x1EAB0] =	vst v3;
	v39 =	vpsel p2, v19, v38  }
0x11b: {  	[tilespmem:$0x1EA30] =	vst v39  }
0x11c: {  	v3 =	vld.idx.msk [tilespmem:v2+s30+$0x40 ss:$0x1], $0xffff  }
0x11d: {  	v4 =	vld.idx.msk [tilespmem:v2+s30+$0xC0 ss:$0x1], $0xffff  }
0x11e: {  	v41 =	vld.idx.msk [tilespmem:v2+s30+$0x140 ss:$0x1], $0xffff  }
0x11f: {  	v42 =	vld.idx.msk [tilespmem:v2+s30+$0x1C0 ss:$0x1], $0xffff  }
0x120: {  	v43 =	vld.idx.msk [tilespmem:v2+s30+$0x240 ss:$0x1], $0xffff  }
0x121: {  	v44 =	vld.idx.msk [tilespmem:v2+s30+$0x2C0 ss:$0x1], $0xffff  }
0x122: {  	v45 =	vld.idx.msk [tilespmem:v2+s30+$0x340 ss:$0x1], $0xffff  }
0x123: {  	v46 =	vld.idx.msk [tilespmem:v2+s30+$0x3C0 ss:$0x1], $0xffff  }
0x124: {  	v47 =	vld.idx.msk [tilespmem:v2+s30+$0x440 ss:$0x1], $0xffff  }
0x125: {  	v48 =	vld.idx.msk [tilespmem:v2+s30+$0x4C0 ss:$0x1], $0xffff  }
0x126: {  	v49 =	vld.idx.msk [tilespmem:v2+s30+$0x540 ss:$0x1], $0xffff  }
0x127: {  	v50 =	vld.idx.msk [tilespmem:v2+s30+$0x5C0 ss:$0x1], $0xffff  }
0x128: {  	v51 =	vld.idx.msk [tilespmem:v2+s30+$0x640 ss:$0x1], $0xffff  }
0x129: {  	v52 =	vld.idx.msk [tilespmem:v2+s30+$0x6C0 ss:$0x1], $0xffff  }
0x12a: {  	v53 =	vld.idx.msk [tilespmem:v2+s30+$0x740 ss:$0x1], $0xffff  }
0x12b: {  	v54 =	vld.idx.msk [tilespmem:v2+s30+$0x7C0 ss:$0x1], $0xffff;
	_ =	sdelay $0x1  }
0x12c: {  	v55 =	vadd.f32 v4, v3;
	v56 =	vadd.f32 v42, v41  }
0x12d: {  	v57 =	vadd.f32 v44, v43;
	v58 =	vadd.f32 v46, v45  }
0x12e: {  	v59 =	vadd.f32 v48, v47;
	v60 =	vadd.f32 v50, v49  }
0x12f: {  	v61 =	vadd.f32 v52, v51;
	v62 =	vadd.f32 v54, v53  }
0x130: {  	v3 =	vmax.f32 v3, v4;
	v31 =	vmax.f32 v41, v42;
	v32 =	vmax.f32 v43, v44  }
0x131: {  	v33 =	vmax.f32 v45, v46;
	v19 =	vadd.f32 v56, v55;
	v63 =	vadd.f32 v58, v57  }
0x132: {  	v30 =	vld [tilespmem:$0x1EA40];
	v34 =	vmax.f32 v47, v48;
	v27 =	vadd.f32 v60, v59;
	v28 =	vadd.f32 v62, v61  }
0x133: {  	v36 =	vld [tilespmem:$0x1EAC0];
	v35 =	vmax.f32 v49, v50;
	v37 =	vmax.f32 v51, v52;
	v38 =	vmax.f32 v53, v54  }
0x134: {  	v3 =	vmax.f32 v3, v31;
	v19 =	vadd.f32 v63, v19;
	v29 =	vadd.f32 v28, v27  }
0x135: {  	v39 =	vmax.f32 v32, v33;
	v40 =	vmax.f32 v34, v35;
	v41 =	vmax.f32 v37, v38  }
0x136: {  	v3 =	vmax.f32 v3, v39;
	v42 =	vmax.f32 v40, v41;
	v19 =	vadd.f32 v29, v19  }
0x137: {  	v3 =	vmax.f32 v3, v42  }
0x138: {  	v45 =	vmax.f32 v36, v3;
	v43 =	vadd.f32 v19, v30  }
0x139: {  	v3 =	vpsel p2, v3, v45  }
0x13a: {  	[tilespmem:$0x1EAC0] =	vst v3;
	v44 =	vpsel p2, v19, v43  }
0x13b: {  	[tilespmem:$0x1EA40] =	vst v44  }
0x13c: {  	v3 =	vld.idx.msk [tilespmem:v2+s30+$0x50 ss:$0x1], $0xffff  }
0x13d: {  	v4 =	vld.idx.msk [tilespmem:v2+s30+$0xD0 ss:$0x1], $0xffff  }
0x13e: {  	v46 =	vld.idx.msk [tilespmem:v2+s30+$0x150 ss:$0x1], $0xffff  }
0x13f: {  	v47 =	vld.idx.msk [tilespmem:v2+s30+$0x1D0 ss:$0x1], $0xffff  }
0x140: {  	v48 =	vld.idx.msk [tilespmem:v2+s30+$0x250 ss:$0x1], $0xffff  }
0x141: {  	v49 =	vld.idx.msk [tilespmem:v2+s30+$0x2D0 ss:$0x1], $0xffff  }
0x142: {  	v50 =	vld.idx.msk [tilespmem:v2+s30+$0x350 ss:$0x1], $0xffff  }
0x143: {  	v51 =	vld.idx.msk [tilespmem:v2+s30+$0x3D0 ss:$0x1], $0xffff  }
0x144: {  	v52 =	vld.idx.msk [tilespmem:v2+s30+$0x450 ss:$0x1], $0xffff  }
0x145: {  	v53 =	vld.idx.msk [tilespmem:v2+s30+$0x4D0 ss:$0x1], $0xffff  }
0x146: {  	v54 =	vld.idx.msk [tilespmem:v2+s30+$0x550 ss:$0x1], $0xffff  }
0x147: {  	v55 =	vld.idx.msk [tilespmem:v2+s30+$0x5D0 ss:$0x1], $0xffff  }
0x148: {  	v56 =	vld.idx.msk [tilespmem:v2+s30+$0x650 ss:$0x1], $0xffff  }
0x149: {  	v57 =	vld.idx.msk [tilespmem:v2+s30+$0x6D0 ss:$0x1], $0xffff  }
0x14a: {  	v58 =	vld.idx.msk [tilespmem:v2+s30+$0x750 ss:$0x1], $0xffff  }
0x14b: {  	v59 =	vld.idx.msk [tilespmem:v2+s30+$0x7D0 ss:$0x1], $0xffff;
	_ =	sdelay $0x1  }
0x14c: {  	v60 =	vadd.f32 v4, v3;
	v61 =	vadd.f32 v47, v46  }
0x14d: {  	v62 =	vadd.f32 v49, v48;
	v63 =	vadd.f32 v51, v50  }
0x14e: {  	v28 =	vadd.f32 v53, v52;
	v29 =	vadd.f32 v55, v54  }
0x14f: {  	v30 =	vadd.f32 v57, v56;
	v31 =	vadd.f32 v59, v58  }
0x150: {  	v3 =	vmax.f32 v3, v4;
	v37 =	vmax.f32 v46, v47;
	v38 =	vmax.f32 v48, v49  }
0x151: {  	v39 =	vmax.f32 v50, v51;
	v19 =	vadd.f32 v61, v60;
	v32 =	vadd.f32 v63, v62  }
0x152: {  	v42 =	vld [tilespmem:$0x1EAD0];
	v40 =	vmax.f32 v52, v53;
	v33 =	vadd.f32 v29, v28;
	v34 =	vadd.f32 v31, v30  }
0x153: {  	v36 =	vld [tilespmem:$0x1EA50];
	v41 =	vmax.f32 v54, v55;
	v43 =	vmax.f32 v56, v57;
	v44 =	vmax.f32 v58, v59  }
0x154: {  	v3 =	vmax.f32 v3, v37;
	v19 =	vadd.f32 v32, v19;
	v35 =	vadd.f32 v34, v33  }
0x155: {  	v45 =	vmax.f32 v38, v39;
	v46 =	vmax.f32 v40, v41;
	v47 =	vmax.f32 v43, v44  }
0x156: {  	v3 =	vmax.f32 v3, v45;
	v48 =	vmax.f32 v46, v47;
	v19 =	vadd.f32 v35, v19  }
0x157: {  	v3 =	vmax.f32 v3, v48  }
0x158: {  	v51 =	vmax.f32 v42, v3;
	v49 =	vadd.f32 v19, v36  }
0x159: {  	v3 =	vpsel p2, v3, v51  }
0x15a: {  	[tilespmem:$0x1EAD0] =	vst v3;
	v50 =	vpsel p2, v19, v49  }
0x15b: {  	[tilespmem:$0x1EA50] =	vst v50  }
0x15c: {  	v3 =	vld.idx.msk [tilespmem:v2+s30+$0x60 ss:$0x1], $0xffff  }
0x15d: {  	v4 =	vld.idx.msk [tilespmem:v2+s30+$0xE0 ss:$0x1], $0xffff  }
0x15e: {  	v52 =	vld.idx.msk [tilespmem:v2+s30+$0x160 ss:$0x1], $0xffff  }
0x15f: {  	v53 =	vld.idx.msk [tilespmem:v2+s30+$0x1E0 ss:$0x1], $0xffff  }
0x160: {  	v54 =	vld.idx.msk [tilespmem:v2+s30+$0x260 ss:$0x1], $0xffff  }
0x161: {  	v55 =	vld.idx.msk [tilespmem:v2+s30+$0x2E0 ss:$0x1], $0xffff  }
0x162: {  	v56 =	vld.idx.msk [tilespmem:v2+s30+$0x360 ss:$0x1], $0xffff  }
0x163: {  	v57 =	vld.idx.msk [tilespmem:v2+s30+$0x3E0 ss:$0x1], $0xffff  }
0x164: {  	v58 =	vld.idx.msk [tilespmem:v2+s30+$0x460 ss:$0x1], $0xffff  }
0x165: {  	v59 =	vld.idx.msk [tilespmem:v2+s30+$0x4E0 ss:$0x1], $0xffff  }
0x166: {  	v60 =	vld.idx.msk [tilespmem:v2+s30+$0x560 ss:$0x1], $0xffff  }
0x167: {  	v61 =	vld.idx.msk [tilespmem:v2+s30+$0x5E0 ss:$0x1], $0xffff  }
0x168: {  	v62 =	vld.idx.msk [tilespmem:v2+s30+$0x660 ss:$0x1], $0xffff  }
0x169: {  	v63 =	vld.idx.msk [tilespmem:v2+s30+$0x6E0 ss:$0x1], $0xffff  }
0x16a: {  	v28 =	vld.idx.msk [tilespmem:v2+s30+$0x760 ss:$0x1], $0xffff  }
0x16b: {  	v29 =	vld.idx.msk [tilespmem:v2+s30+$0x7E0 ss:$0x1], $0xffff;
	_ =	sdelay $0x1  }
0x16c: {  	v30 =	vadd.f32 v4, v3;
	v31 =	vadd.f32 v53, v52  }
0x16d: {  	v32 =	vadd.f32 v55, v54;
	v33 =	vadd.f32 v57, v56  }
0x16e: {  	v34 =	vadd.f32 v59, v58;
	v35 =	vadd.f32 v61, v60  }
0x16f: {  	v36 =	vadd.f32 v63, v62;
	v37 =	vadd.f32 v29, v28  }
0x170: {  	v3 =	vmax.f32 v3, v4;
	v43 =	vmax.f32 v52, v53;
	v44 =	vmax.f32 v54, v55  }
0x171: {  	v45 =	vmax.f32 v56, v57;
	v19 =	vadd.f32 v31, v30;
	v38 =	vadd.f32 v33, v32  }
0x172: {  	v48 =	vld [tilespmem:$0x1EAE0];
	v46 =	vmax.f32 v58, v59;
	v39 =	vadd.f32 v35, v34;
	v40 =	vadd.f32 v37, v36  }
0x173: {  	v42 =	vld [tilespmem:$0x1EA60];
	v47 =	vmax.f32 v60, v61;
	v49 =	vmax.f32 v62, v63;
	v50 =	vmax.f32 v28, v29  }
0x174: {  	v3 =	vmax.f32 v3, v43;
	v19 =	vadd.f32 v38, v19;
	v41 =	vadd.f32 v40, v39  }
0x175: {  	v51 =	vmax.f32 v44, v45;
	v52 =	vmax.f32 v46, v47;
	v53 =	vmax.f32 v49, v50  }
0x176: {  	v3 =	vmax.f32 v3, v51;
	v54 =	vmax.f32 v52, v53;
	v19 =	vadd.f32 v41, v19  }
0x177: {  	v3 =	vmax.f32 v3, v54  }
0x178: {  	v57 =	vmax.f32 v48, v3;
	v55 =	vadd.f32 v19, v42  }
0x179: {  	v3 =	vpsel p2, v3, v57  }
0x17a: {  	[tilespmem:$0x1EAE0] =	vst v3;
	v56 =	vpsel p2, v19, v55  }
0x17b: {  	[tilespmem:$0x1EA60] =	vst v56  }
0x17c: {  	v3 =	vld.idx.msk [tilespmem:v2+s30+$0x70 ss:$0x1], $0xffff  }
0x17d: {  	v4 =	vld.idx.msk [tilespmem:v2+s30+$0xF0 ss:$0x1], $0xffff  }
0x17e: {  	v58 =	vld.idx.msk [tilespmem:v2+s30+$0x170 ss:$0x1], $0xffff  }
0x17f: {  	v59 =	vld.idx.msk [tilespmem:v2+s30+$0x1F0 ss:$0x1], $0xffff  }
0x180: {  	v60 =	vld.idx.msk [tilespmem:v2+s30+$0x270 ss:$0x1], $0xffff  }
0x181: {  	v61 =	vld.idx.msk [tilespmem:v2+s30+$0x2F0 ss:$0x1], $0xffff  }
0x182: {  	v62 =	vld.idx.msk [tilespmem:v2+s30+$0x370 ss:$0x1], $0xffff  }
0x183: {  	v63 =	vld.idx.msk [tilespmem:v2+s30+$0x3F0 ss:$0x1], $0xffff  }
0x184: {  	v28 =	vld.idx.msk [tilespmem:v2+s30+$0x470 ss:$0x1], $0xffff  }
0x185: {  	v29 =	vld.idx.msk [tilespmem:v2+s30+$0x4F0 ss:$0x1], $0xffff  }
0x186: {  	v30 =	vld.idx.msk [tilespmem:v2+s30+$0x570 ss:$0x1], $0xffff  }
0x187: {  	v31 =	vld.idx.msk [tilespmem:v2+s30+$0x5F0 ss:$0x1], $0xffff  }
0x188: {  	v32 =	vld.idx.msk [tilespmem:v2+s30+$0x670 ss:$0x1], $0xffff  }
0x189: {  	v33 =	vld.idx.msk [tilespmem:v2+s30+$0x6F0 ss:$0x1], $0xffff  }
0x18a: {  	v34 =	vld.idx.msk [tilespmem:v2+s30+$0x770 ss:$0x1], $0xffff  }
0x18b: {  	v35 =	vld.idx.msk [tilespmem:v2+s30+$0x7F0 ss:$0x1], $0xffff;
	_ =	sdelay $0x1  }
0x18c: {  	v36 =	vadd.f32 v4, v3;
	v37 =	vadd.f32 v59, v58  }
0x18d: {  	v38 =	vadd.f32 v61, v60;
	v39 =	vadd.f32 v63, v62  }
0x18e: {  	v40 =	vadd.f32 v29, v28;
	v41 =	vadd.f32 v31, v30  }
0x18f: {  	v42 =	vadd.f32 v33, v32;
	v43 =	vadd.f32 v35, v34  }
0x190: {  	v3 =	vmax.f32 v3, v4;
	v49 =	vmax.f32 v58, v59;
	v50 =	vmax.f32 v60, v61  }
0x191: {  	v51 =	vmax.f32 v62, v63;
	v19 =	vadd.f32 v37, v36;
	v44 =	vadd.f32 v39, v38  }
0x192: {  	v54 =	vld [tilespmem:$0x1EAF0];
	v52 =	vmax.f32 v28, v29;
	v45 =	vadd.f32 v41, v40;
	v46 =	vadd.f32 v43, v42  }
0x193: {  	v48 =	vld [tilespmem:$0x1EA70];
	v53 =	vmax.f32 v30, v31;
	v55 =	vmax.f32 v32, v33;
	v56 =	vmax.f32 v34, v35  }
0x194: {  	v3 =	vmax.f32 v3, v49;
	v19 =	vadd.f32 v44, v19;
	v47 =	vadd.f32 v46, v45  }
0x195: {  	v57 =	vmax.f32 v50, v51;
	v58 =	vmax.f32 v52, v53;
	v59 =	vmax.f32 v55, v56  }
0x196: {  	v3 =	vmax.f32 v3, v57;
	v60 =	vmax.f32 v58, v59;
	v19 =	vadd.f32 v47, v19  }
.Ltmp8:
0x197: {  	v3 =	vmax.f32 v3, v60;
	(pc) =	sbr.rel .LBB2_9-.Ltmp8, $4  }
0x198: {  	v63 =	vmax.f32 v54, v3;
	v61 =	vadd.f32 v19, v48  }
0x199: {  	s19 =	sadd.s32 $0x10, s19;
	v3 =	vpsel p2, v3, v63  }
0x19a: {  	[smem:$0x0] =	sst s26;
	s19 =	simm.s32 @p2 $0x10;
	[tilespmem:$0x1EAF0] =	vst v3;
	v62 =	vpsel p2, v19, v61  }
0x19b: {  	[smem:$0x1] =	sst s19;
	s30 =	smov.u32 s26;
	[tilespmem:$0x1EA70] =	vst v62  }
.LBB2_5:
0x19c: {  	s29 =	smov.u32 @p1 s29  }
0x19d: {  	s19 =	smov.u32 @p1 s19;
	s30 =	smov.u32 s29  }
.LBB2_9:
0x19e: {  	p2 =	seq.s32 @!p1 s26, s28  }
0x19f: {  	p2 =	por p1, p2  }
.Ltmp9:
0x1a0: {  	_ = 	snop;
	(pc) =	sbr.rel @p2 .LBB2_20-.Ltmp9, $2  }
0x1a1: {  	_ =	sdelay $0x2  }
0x1a2: {  	s26 =	simm.s32 $0x0  }
.Ltmp10:
0x1a3: {  	(pc) =	sbr.rel .LBB2_11-.Ltmp10, $2  }
0x1a4: {  	_ =	sdelay $0x2  }
0x1a5: {  	s28 =	smov.u32 s22  }
.LBB2_13:
0x1a6: {  	v3 =	vld [tilespmem:s28+$0xFFFFFFC0]  }
0x1a7: {  	v4 =	vld [tilespmem:$0x1EA00];
	_ =	sdelay $0x1  }
0x1a8: {  	v5 =	vld [tilespmem:$0x1EA80];
	_ =	sdelay $0x2  }
0x1a9: {  	v4 =	vadd.f32 v4, v3  }
0x1aa: {  	p1 =	sne.s32 s29, s30  }
0x1ab: {  	v5 =	vmax.f32 v5, v3;
	v4 =	vpsel p1, v3, v4  }
0x1ac: {  	v3 =	vpsel p1, v3, v5;
	[tilespmem:$0x1EA00] =	vst v4  }
0x1ad: {  	v50 =	vld [tilespmem:$0x1EA10];
	[tilespmem:$0x1EA80] =	vst v3  }
0x1ae: {  	v3 =	vld [tilespmem:s28+$0xFFFFFFD0];
	_ =	sdelay $0x1  }
0x1af: {  	v51 =	vld [tilespmem:$0x1EA90];
	_ =	sdelay $0x2  }
0x1b0: {  	v4 =	vadd.f32 v50, v3;
	_ =	sdelay $0x1  }
0x1b1: {  	v5 =	vmax.f32 v51, v3;
	v4 =	vpsel p1, v3, v4  }
0x1b2: {  	v3 =	vpsel p1, v3, v5;
	[tilespmem:$0x1EA10] =	vst v4  }
0x1b3: {  	v52 =	vld [tilespmem:$0x1EA20];
	[tilespmem:$0x1EA90] =	vst v3  }
0x1b4: {  	v3 =	vld [tilespmem:s28+$0xFFFFFFE0];
	_ =	sdelay $0x1  }
0x1b5: {  	v53 =	vld [tilespmem:$0x1EAA0];
	_ =	sdelay $0x2  }
0x1b6: {  	v4 =	vadd.f32 v52, v3;
	_ =	sdelay $0x1  }
0x1b7: {  	v5 =	vmax.f32 v53, v3;
	v4 =	vpsel p1, v3, v4  }
0x1b8: {  	v3 =	vpsel p1, v3, v5;
	[tilespmem:$0x1EA20] =	vst v4  }
0x1b9: {  	v54 =	vld [tilespmem:$0x1EA30];
	[tilespmem:$0x1EAA0] =	vst v3  }
0x1ba: {  	v3 =	vld [tilespmem:s28+$0xFFFFFFF0];
	_ =	sdelay $0x1  }
0x1bb: {  	v55 =	vld [tilespmem:$0x1EAB0];
	_ =	sdelay $0x2  }
0x1bc: {  	v4 =	vadd.f32 v54, v3;
	_ =	sdelay $0x1  }
0x1bd: {  	v5 =	vmax.f32 v55, v3;
	v4 =	vpsel p1, v3, v4  }
0x1be: {  	v3 =	vpsel p1, v3, v5;
	[tilespmem:$0x1EA30] =	vst v4  }
0x1bf: {  	v56 =	vld [tilespmem:$0x1EA40];
	[tilespmem:$0x1EAB0] =	vst v3  }
0x1c0: {  	v3 =	vld [tilespmem:s28+$0x0];
	_ =	sdelay $0x1  }
0x1c1: {  	v57 =	vld [tilespmem:$0x1EAC0];
	_ =	sdelay $0x2  }
0x1c2: {  	v4 =	vadd.f32 v56, v3;
	_ =	sdelay $0x1  }
0x1c3: {  	v5 =	vmax.f32 v57, v3;
	v4 =	vpsel p1, v3, v4  }
0x1c4: {  	v3 =	vpsel p1, v3, v5;
	[tilespmem:$0x1EA40] =	vst v4  }
0x1c5: {  	v58 =	vld [tilespmem:$0x1EA50];
	[tilespmem:$0x1EAC0] =	vst v3  }
0x1c6: {  	v3 =	vld [tilespmem:s28+$0x10];
	_ =	sdelay $0x1  }
0x1c7: {  	v59 =	vld [tilespmem:$0x1EAD0];
	_ =	sdelay $0x2  }
0x1c8: {  	v4 =	vadd.f32 v58, v3;
	_ =	sdelay $0x1  }
0x1c9: {  	v5 =	vmax.f32 v59, v3;
	v4 =	vpsel p1, v3, v4  }
0x1ca: {  	v3 =	vpsel p1, v3, v5;
	[tilespmem:$0x1EA50] =	vst v4  }
0x1cb: {  	v60 =	vld [tilespmem:$0x1EA60];
	[tilespmem:$0x1EAD0] =	vst v3  }
0x1cc: {  	v3 =	vld [tilespmem:s28+$0x20];
	_ =	sdelay $0x1  }
0x1cd: {  	v61 =	vld [tilespmem:$0x1EAE0];
	_ =	sdelay $0x2  }
0x1ce: {  	v4 =	vadd.f32 v60, v3;
	_ =	sdelay $0x1  }
0x1cf: {  	v5 =	vmax.f32 v61, v3;
	v4 =	vpsel p1, v3, v4  }
0x1d0: {  	v3 =	vpsel p1, v3, v5;
	[tilespmem:$0x1EA60] =	vst v4  }
0x1d1: {  	v62 =	vld [tilespmem:$0x1EA70];
	[tilespmem:$0x1EAE0] =	vst v3  }
0x1d2: {  	v3 =	vld [tilespmem:s28+$0x30];
	_ =	sdelay $0x1  }
0x1d3: {  	v63 =	vld [tilespmem:$0x1EAF0]  }
0x1d4: {  	s26 =	sadd.s32 $0x4, s26  }
0x1d5: {  	p2 =	sne.s32 s26, $0x40  }
.Ltmp11:
0x1d6: {  	v4 =	vadd.f32 v62, v3;
	(pc) =	sbr.rel @!p2 .LBB2_14-.Ltmp11, $4  }
0x1d7: {  	_ = 	snop  }
0x1d8: {  	v5 =	vmax.f32 v63, v3;
	v4 =	vpsel p1, v3, v4  }
0x1d9: {  	s19 =	sadd.s32 $0x1, s19;
	v3 =	vpsel p1, v3, v5;
	[tilespmem:$0x1EA70] =	vst v4  }
0x1da: {  	s30 =	smov.u32 s29;
	s19 =	simm.s32 @p1 $0x1;
	s28 =	sadd.s32 $0x80, s28;
	[tilespmem:$0x1EAF0] =	vst v3  }
.LBB2_11:
0x1db: {  	s0 =	sshra.s32 s26, $0x2  }
0x1dc: {  	s0 =	sadd.s32 s0, s21  }
0x1dd: {  	v3 =	vld [tilespmem:s0+$0x0];
	_ =	sdelay $0x4  }
0x1de: {  	(v2sf) =	vpush v3, $0x0;
	_ =	sdelay $0xe  }
0x1df: {  	s29 =	spop (v2sf)  }
0x1e0: {  	p1 =	seq.s32 s29, s30  }
0x1e1: {  	p2 =	slt.s32 @!p1 s19, $0x1  }
0x1e2: {  	p1 =	por p1, p2  }
.Ltmp12:
0x1e3: {  	_ = 	snop;
	(pc) =	sbr.rel @p1 .LBB2_13-.Ltmp12, $1  }
0x1e4: {  	_ =	sdelay $0x3  }
0x1e5: {  	v3 =	vld [tilespmem:$0x1EA00];
	_ =	sdelay $0x4  }
0x1e6: {  	v3 =	vadd.f32 $0.0e+00, v3  }
0x1e7: {  	s0 =	sshll.u32 s30, $0x7  }
0x1e8: {  	[tilespmem:s0+$0xE200] =	vst v3  }
0x1e9: {  	v3 =	vld [tilespmem:$0x1EA80];
	_ =	sdelay $0x4  }
0x1ea: {  	v3 =	vmax.f32 v3, $-3.000000010e+38  }
0x1eb: {  	[tilespmem:s0+$0x16200] =	vst v3  }
0x1ec: {  	v3 =	vld [tilespmem:$0x1EA10];
	_ =	sdelay $0x4  }
0x1ed: {  	v3 =	vadd.f32 $0.0e+00, v3;
	_ =	sdelay $0x1  }
0x1ee: {  	[tilespmem:s0+$0xE210] =	vst v3  }
0x1ef: {  	v3 =	vld [tilespmem:$0x1EA90];
	_ =	sdelay $0x4  }
0x1f0: {  	v3 =	vmax.f32 v3, $-3.000000010e+38  }
0x1f1: {  	[tilespmem:s0+$0x16210] =	vst v3  }
0x1f2: {  	v3 =	vld [tilespmem:$0x1EA20];
	_ =	sdelay $0x4  }
0x1f3: {  	v3 =	vadd.f32 $0.0e+00, v3;
	_ =	sdelay $0x1  }
0x1f4: {  	[tilespmem:s0+$0xE220] =	vst v3  }
0x1f5: {  	v3 =	vld [tilespmem:$0x1EAA0];
	_ =	sdelay $0x4  }
0x1f6: {  	v3 =	vmax.f32 v3, $-3.000000010e+38  }
0x1f7: {  	[tilespmem:s0+$0x16220] =	vst v3  }
0x1f8: {  	v3 =	vld [tilespmem:$0x1EA30];
	_ =	sdelay $0x4  }
0x1f9: {  	v3 =	vadd.f32 $0.0e+00, v3;
	_ =	sdelay $0x1  }
0x1fa: {  	[tilespmem:s0+$0xE230] =	vst v3  }
0x1fb: {  	v3 =	vld [tilespmem:$0x1EAB0];
	_ =	sdelay $0x4  }
0x1fc: {  	v3 =	vmax.f32 v3, $-3.000000010e+38  }
0x1fd: {  	[tilespmem:s0+$0x16230] =	vst v3  }
0x1fe: {  	v3 =	vld [tilespmem:$0x1EA40];
	_ =	sdelay $0x4  }
0x1ff: {  	v3 =	vadd.f32 $0.0e+00, v3;
	_ =	sdelay $0x1  }
0x200: {  	[tilespmem:s0+$0xE240] =	vst v3  }
0x201: {  	v3 =	vld [tilespmem:$0x1EAC0];
	_ =	sdelay $0x4  }
0x202: {  	v3 =	vmax.f32 v3, $-3.000000010e+38  }
0x203: {  	[tilespmem:s0+$0x16240] =	vst v3  }
0x204: {  	v3 =	vld [tilespmem:$0x1EA50];
	_ =	sdelay $0x4  }
0x205: {  	v3 =	vadd.f32 $0.0e+00, v3;
	_ =	sdelay $0x1  }
0x206: {  	[tilespmem:s0+$0xE250] =	vst v3  }
0x207: {  	v3 =	vld [tilespmem:$0x1EAD0];
	_ =	sdelay $0x4  }
0x208: {  	v3 =	vmax.f32 v3, $-3.000000010e+38  }
0x209: {  	[tilespmem:s0+$0x16250] =	vst v3  }
0x20a: {  	v3 =	vld [tilespmem:$0x1EA60];
	_ =	sdelay $0x4  }
0x20b: {  	v3 =	vadd.f32 $0.0e+00, v3;
	_ =	sdelay $0x1  }
0x20c: {  	[tilespmem:s0+$0xE260] =	vst v3  }
0x20d: {  	v3 =	vld [tilespmem:$0x1EAE0];
	_ =	sdelay $0x4  }
0x20e: {  	v3 =	vmax.f32 v3, $-3.000000010e+38  }
0x20f: {  	[tilespmem:s0+$0x16260] =	vst v3  }
0x210: {  	v3 =	vld [tilespmem:$0x1EA70];
	_ =	sdelay $0x3  }
0x211: {  	s31 =	sshra.s32 s30, $0x1F  }
0x212: {  	s31 =	sshrl.u32 s31, $0x1C;
	v3 =	vadd.f32 $0.0e+00, v3  }
0x213: {  	s31 =	sadd.s32 s31, s30  }
0x214: {  	s2 =	sand.u32 $0xFFFFFFF0, s31;
	[tilespmem:s0+$0xE270] =	vst v3  }
0x215: {  	p1 =	slt.s32 s30, $0x1;
	p2 =	sne.s32 s30, s2;
	v3 =	vld [tilespmem:$0x1EAF0]  }
0x216: {  	p1 =	por !p1, !p2  }
0x217: {  	s2 =	simm.s32 $0x1;
	p1 =	por !p1, !p1  }
0x218: {  	s31 =	sshrl.u32 s31, $0x4;
	s2 =	simm.s32 @!p1 $0x0  }
0x219: {  	s2 =	ssub.s32 s31, s2  }
0x21a: {  	s2 =	sshll.u32 s2, $0x9;
	v3 =	vmax.f32 v3, $-3.000000010e+38  }
0x21b: {  	[tilespmem:s0+$0x16270] =	vst v3;
	s0 =	sshra.s32 s2, $0x2  }
0x21c: {  	v3 =	vld [tilespmem:s0+$0x1E200];
	_ =	sdelay $0x1  }
.Ltmp13:
0x21d: {  	s2 =	sand.u32 $0xF, s30;
	(pc) =	sbr.rel .LBB2_13-.Ltmp13, $4  }
0x21e: {  	s31 =	scvt.s32.f32 s19;
	v4 =	vmov s2  }
0x21f: {  	vm0 =	veq.s32 v4, v1  }
0x220: {  	v3 =	vsel vm0, s31, v3  }
0x221: {  	[tilespmem:s0+$0x1E200] =	vst v3  }
.LBB2_20:
.Ltmp14:
0x222: {  	(pc) =	sbr.rel .LBB2_15-.Ltmp14, $3  }
0x223: {  	_ =	sdelay $0x1  }
0x224: {  	s30 =	smov.u32 @p1 s30  }
0x225: {  	s19 =	smov.u32 @p1 s19;
	s29 =	smov.u32 s30  }
.LBB2_16:
0x226: {  	p0 =	slt.s32 s19, $0x1  }
.Ltmp15:
0x227: {  	_ = 	snop;
	(pc) =	sbr.rel @p0 .LBB2_18-.Ltmp15, $1  }
0x228: {  	_ =	sdelay $0x3  }
0x229: {  	v2 =	vld [tilespmem:$0x1EA00];
	_ =	sdelay $0x4  }
0x22a: {  	v2 =	vadd.f32 $0.0e+00, v2  }
0x22b: {  	s0 =	sshll.u32 s29, $0x7  }
0x22c: {  	[tilespmem:s0+$0xE200] =	vst v2  }
0x22d: {  	v2 =	vld [tilespmem:$0x1EA80];
	_ =	sdelay $0x4  }
0x22e: {  	v2 =	vmax.f32 v2, $-3.000000010e+38  }
0x22f: {  	[tilespmem:s0+$0x16200] =	vst v2  }
0x230: {  	v2 =	vld [tilespmem:$0x1EA10];
	_ =	sdelay $0x4  }
0x231: {  	v2 =	vadd.f32 $0.0e+00, v2;
	_ =	sdelay $0x1  }
0x232: {  	[tilespmem:s0+$0xE210] =	vst v2  }
0x233: {  	v2 =	vld [tilespmem:$0x1EA90];
	_ =	sdelay $0x4  }
0x234: {  	v2 =	vmax.f32 v2, $-3.000000010e+38  }
0x235: {  	[tilespmem:s0+$0x16210] =	vst v2  }
0x236: {  	v2 =	vld [tilespmem:$0x1EA20];
	_ =	sdelay $0x4  }
0x237: {  	v2 =	vadd.f32 $0.0e+00, v2;
	_ =	sdelay $0x1  }
0x238: {  	[tilespmem:s0+$0xE220] =	vst v2  }
0x239: {  	v2 =	vld [tilespmem:$0x1EAA0];
	_ =	sdelay $0x4  }
0x23a: {  	v2 =	vmax.f32 v2, $-3.000000010e+38  }
0x23b: {  	[tilespmem:s0+$0x16220] =	vst v2  }
0x23c: {  	v2 =	vld [tilespmem:$0x1EA30];
	_ =	sdelay $0x4  }
0x23d: {  	v2 =	vadd.f32 $0.0e+00, v2;
	_ =	sdelay $0x1  }
0x23e: {  	[tilespmem:s0+$0xE230] =	vst v2  }
0x23f: {  	v2 =	vld [tilespmem:$0x1EAB0];
	_ =	sdelay $0x4  }
0x240: {  	v2 =	vmax.f32 v2, $-3.000000010e+38  }
0x241: {  	[tilespmem:s0+$0x16230] =	vst v2  }
0x242: {  	v2 =	vld [tilespmem:$0x1EA40];
	_ =	sdelay $0x4  }
0x243: {  	v2 =	vadd.f32 $0.0e+00, v2;
	_ =	sdelay $0x1  }
0x244: {  	[tilespmem:s0+$0xE240] =	vst v2  }
0x245: {  	v2 =	vld [tilespmem:$0x1EAC0];
	_ =	sdelay $0x4  }
0x246: {  	v2 =	vmax.f32 v2, $-3.000000010e+38  }
0x247: {  	[tilespmem:s0+$0x16240] =	vst v2  }
0x248: {  	v2 =	vld [tilespmem:$0x1EA50];
	_ =	sdelay $0x4  }
0x249: {  	v2 =	vadd.f32 $0.0e+00, v2;
	_ =	sdelay $0x1  }
0x24a: {  	[tilespmem:s0+$0xE250] =	vst v2  }
0x24b: {  	v2 =	vld [tilespmem:$0x1EAD0];
	_ =	sdelay $0x4  }
0x24c: {  	v2 =	vmax.f32 v2, $-3.000000010e+38  }
0x24d: {  	[tilespmem:s0+$0x16250] =	vst v2  }
0x24e: {  	v2 =	vld [tilespmem:$0x1EA60];
	_ =	sdelay $0x4  }
0x24f: {  	v2 =	vadd.f32 $0.0e+00, v2;
	_ =	sdelay $0x1  }
0x250: {  	[tilespmem:s0+$0xE260] =	vst v2  }
0x251: {  	v2 =	vld [tilespmem:$0x1EAE0];
	_ =	sdelay $0x4  }
0x252: {  	v2 =	vmax.f32 v2, $-3.000000010e+38  }
0x253: {  	[tilespmem:s0+$0x16260] =	vst v2  }
0x254: {  	v2 =	vld [tilespmem:$0x1EA70];
	_ =	sdelay $0x3  }
0x255: {  	s2 =	sshra.s32 s29, $0x1F  }
0x256: {  	s2 =	sshrl.u32 s2, $0x1C;
	v2 =	vadd.f32 $0.0e+00, v2  }
0x257: {  	s2 =	sadd.s32 s2, s29  }
0x258: {  	s20 =	sand.u32 $0xFFFFFFF0, s2;
	[tilespmem:s0+$0xE270] =	vst v2  }
0x259: {  	p0 =	slt.s32 s29, $0x1;
	p1 =	sne.s32 s29, s20;
	v2 =	vld [tilespmem:$0x1EAF0]  }
0x25a: {  	p0 =	por !p0, !p1  }
0x25b: {  	s20 =	simm.s32 $0x1;
	p0 =	por !p0, !p0  }
0x25c: {  	s2 =	sshrl.u32 s2, $0x4;
	s20 =	simm.s32 @!p0 $0x0  }
0x25d: {  	s2 =	ssub.s32 s2, s20  }
0x25e: {  	s2 =	sshll.u32 s2, $0x9;
	v2 =	vmax.f32 v2, $-3.000000010e+38  }
0x25f: {  	s30 =	sshra.s32 s2, $0x2;
	[tilespmem:s0+$0x16270] =	vst v2  }
0x260: {  	v2 =	vld [tilespmem:s30+$0x1E200];
	_ =	sdelay $0x1  }
.Ltmp16:
0x261: {  	s31 =	sand.u32 $0xF, s29;
	(pc) =	sbr.rel .LBB2_18-.Ltmp16, $4  }
0x262: {  	s19 =	scvt.s32.f32 s19;
	v3 =	vmov s31  }
0x263: {  	vm0 =	veq.s32 v3, v1  }
0x264: {  	v2 =	vsel vm0, s19, v2  }
0x265: {  	[tilespmem:s30+$0x1E200] =	vst v2  }
.LBB2_19:
0x266: {  	_ =	sfence.sel $0x180000  }
0x267: {  	[bflag:$0x0] =	sbarrier.arrive $0xFFFF  }
0x268: {  	_ =	strace $0x90000047  }
0x269: {  	s0 =	stileid.u32;
	[bflag:$0x2] =	sbarrier.arrive $0xFFFF  }
0x26a: {  	p0 =	sne.s32 s0, $0x0;
	s0 =	rddreg [dreg:$0x3]  }
0x26b: {  	s0 =	sadd.s32 @!p0 $0x100000, s0  }
0x26c: {  	[sflag:s0] =	ssyncadd.tile.s32 @!p0 $0x1;
	_ =	shalt  }
.Lfunc_end2:
_tile_overlayer_lowered:
.L_overlay_start_2:
0x26d: {  	(tag) =	ssettag $0x2  }
0x26e: {  	s0 =	rddreg [dreg:$0x0];
	s2 =	stileid.u32  }
0x26f: {  	s1 =	rddreg [dreg:$0x1];
	p0 =	sne.s32 s2, $0x0  }
0x270: {  	s3 =	rddreg [dreg:$0x2];
	[bflag:$0x3] =	sbarrier.arrive $0xFFFF;
	s2 =	simm.s32 @!p0 $0x1C05  }
0x271: {  	[timem:s3], [sflag:s2] =	dma.local @!p0 [hbm:s0], s1  }
0x272: {  	s0 =	simm.s32 @!p0 $0x5  }
0x273: {  	_ =	swait.ge @!p0 [sflag:s0], s1  }
0x274: {  	s1 =	ssub.s32 @!p0 $0x0, s1;
	[sflag:s0] =	ssyncset.done @!p0 $0x0  }
0x275: {  	[sflag:s0] =	ssyncadd.s32 @!p0 s1  }
0x276: {  	[bflag:$0x3] =	sbarrier.arrive $0xFFFF  }
0x277: {  	_ =	shalt  }

</sc_bundles>
